<compile_context>
chip_gen: v7x
topology: tpu7x:2x2x1
jax: 0.10.2.dev20260603
libtpu: 0.0.44.dev20260713+nightly
codegen_flags: <defaults>
</compile_context>

<pallas_src>
import functools

import jax
import jax.numpy as jnp
from jax import lax
from jax.experimental import pallas as pl
from jax.experimental.pallas import tpu as pltpu
from jax.experimental.pallas import tpu_sc as plsc

NC = 2
NS = 16
NW = NC * NS

def _pick_chunk(epw, kmax=128):
    for k in range(kmax, 0, -8):
        if epw % k == 0:
            return k
    raise ValueError(f"no valid chunk size for {epw} edges per worker")




@functools.lru_cache(maxsize=None)
def _make_sc_agg(n, e, h, gather=True):
    epw = e // NW
    k = _pick_chunk(epw, 128)
    nchunk = epw // k
    nslab = n // k

    mesh = plsc.VectorSubcoreMesh(
        core_axis_name="c", subcore_axis_name="s", num_cores=NC, num_subcores=NS
    )

    out_type = jax.ShapeDtypeStruct((NC, n, h), jnp.float32)
    scratch = [
        pltpu.VMEM((nchunk, k), jnp.int32),
        pltpu.VMEM((k, h), jnp.float32),
        pltpu.VMEM_SHARED((n, h), jnp.float32),
        pltpu.SemaphoreType.DMA,
    ]
    if gather:
        scratch.insert(0, pltpu.VMEM((epw,), jnp.int32))
        scratch += [
            pltpu.VMEM((k, h), jnp.float32),
            pltpu.SemaphoreType.DMA,
            pltpu.SemaphoreType.DMA,
            pltpu.SemaphoreType.DMA,
        ]

    def body(*refs):
        if gather:
            (hs_hbm, src_hbm, dst_hbm, z_hbm, agg_out,
             sidx, didx, rows, acc_sh, sem, rows1, sem1, tsem0, tsem1) = refs
        else:
            (dst_hbm, z_hbm, ones_hbm, agg_out,
             didx, rows, acc_sh, sem) = refs

        c = lax.axis_index("c")
        s = lax.axis_index("s")
        wid = s * NC + c

        if gather:
            pltpu.sync_copy(src_hbm.at[pl.ds(wid * epw, epw)], sidx)
        pltpu.sync_copy(dst_hbm.at[wid], didx)
        pltpu.sync_copy(z_hbm, rows)

        nz = (nslab - s + NS - 1) // NS

        def zslab(m, carry):
            sl = (s + m * NS) * k
            pltpu.sync_copy(rows, acc_sh.at[pl.ds(sl, k)])
            return carry

        lax.fori_loop(0, nz, zslab, 0)
        if not gather:
            pltpu.sync_copy(ones_hbm, rows)
        if gather:
            pltpu.async_copy(hs_hbm.at[sidx.at[pl.ds(0, k)]], rows, sem)
        plsc.subcore_barrier()

        if gather:
            def gidx(j):
                return sidx.at[pl.ds(j * k, k)]

            def pair(m, carry):
                j0 = 2 * m
                pltpu.make_async_copy(hs_hbm.at[gidx(j0)], rows, sem).wait()

                @pl.when(m > 0)
                def _():
                    pltpu.make_async_copy(
                        rows1, acc_sh.at[didx.at[j0 - 1]], tsem1).wait()

                pltpu.async_copy(hs_hbm.at[gidx(j0 + 1)], rows1, sem1)
                pltpu.async_copy(rows, acc_sh.at[didx.at[j0]], tsem0, add=True)
                pltpu.make_async_copy(
                    hs_hbm.at[gidx(j0 + 1)], rows1, sem1).wait()
                pltpu.async_copy(
                    rows1, acc_sh.at[didx.at[j0 + 1]], tsem1, add=True)
                pltpu.make_async_copy(
                    rows, acc_sh.at[didx.at[j0]], tsem0).wait()

                @pl.when(j0 + 2 < nchunk)
                def _():
                    pltpu.async_copy(hs_hbm.at[gidx(j0 + 2)], rows, sem)

                return carry

            lax.fori_loop(0, nchunk // 2, pair, 0)
            last = 2 * (nchunk // 2) - 1
            pltpu.make_async_copy(
                rows1, acc_sh.at[didx.at[last]], tsem1).wait()
            if nchunk % 2 == 1:
                j = nchunk - 1
                pltpu.make_async_copy(hs_hbm.at[gidx(j)], rows, sem).wait()
                pltpu.sync_copy(rows, acc_sh.at[didx.at[j]], add=True)
        else:
            def chunk(j, carry):
                pltpu.sync_copy(rows, acc_sh.at[didx.at[j]], add=True)
                return carry

            lax.fori_loop(0, nchunk, chunk, 0)
        plsc.subcore_barrier()

        def wslab(m, carry):
            sl = (s + m * NS) * k
            pltpu.sync_copy(acc_sh.at[pl.ds(sl, k)], rows)
            pltpu.sync_copy(rows, agg_out.at[c, pl.ds(sl, k)])
            return carry

        lax.fori_loop(0, nz, wslab, 0)

    return pl.kernel(body, out_type=out_type, mesh=mesh,
                     scratch_types=tuple(scratch))


def _cntred_body(cnt_ref, inv_ref):
    s = cnt_ref[0, :, 0:1] + cnt_ref[1, :, 0:1]
    inv_ref[...] = 1.0 / jnp.maximum(s, 1.0)


@functools.lru_cache(maxsize=None)
def _make_cntred(n, h):
    nblk = n // BLK
    return pl.pallas_call(
        _cntred_body, grid=(nblk,),
        in_specs=[pl.BlockSpec((NC, BLK, h), lambda i: (0, i, 0))],
        out_specs=pl.BlockSpec((BLK, 1), lambda i: (i, 0)),
        out_shape=jax.ShapeDtypeStruct((n, 1), jnp.float32))



BLK = 1000


def _dense_body(p_ref, inv_ref, h_ref, wl_ref, bl_ref, wr_ref, out_ref):
    mean = (p_ref[0] + p_ref[1]) * inv_ref[...]
    acc = jnp.dot(mean, wl_ref[...], preferred_element_type=jnp.float32)
    acc += jnp.dot(h_ref[...], wr_ref[...], preferred_element_type=jnp.float32)
    out_ref[...] = jnp.maximum(acc + bl_ref[...], 0.0)


@functools.lru_cache(maxsize=None)
def _make_dense(n, h):
    nblk = n // BLK
    w_spec = pl.BlockSpec((h, h), lambda i: (0, 0))
    b_spec = pl.BlockSpec((1, h), lambda i: (0, 0))
    p_spec = pl.BlockSpec((NC, BLK, h), lambda i: (0, i, 0))
    h_spec = pl.BlockSpec((BLK, h), lambda i: (i, 0))
    col_spec = pl.BlockSpec((BLK, 1), lambda i: (i, 0))
    in_specs = [p_spec, col_spec, h_spec, w_spec, b_spec, w_spec]
    return pl.pallas_call(_dense_body, grid=(nblk,), in_specs=in_specs,
                          out_specs=h_spec,
                          out_shape=jax.ShapeDtypeStruct((n, h), jnp.float32))


def _final_body(p_ref, inv_ref, h_ref, wl_ref, bl_ref, wr_ref,
                wg_ref, bg_ref, w4_ref, b4_ref, w5_ref, b5_ref,
                batch_ref, out_ref, gmax_s, den_s, st_s):
    i = pl.program_id(0)
    nblk = pl.num_programs(0)
    g = den_s.shape[1]

    mean = (p_ref[0] + p_ref[1]) * inv_ref[...]
    acc = jnp.dot(mean, wl_ref[...], preferred_element_type=jnp.float32)
    acc += jnp.dot(h_ref[...], wr_ref[...], preferred_element_type=jnp.float32)
    h3 = jnp.maximum(acc + bl_ref[...], 0.0)

    gate = jnp.dot(h3, wg_ref[...], preferred_element_type=jnp.float32)
    gate += bg_ref[...]

    gid = lax.broadcasted_iota(jnp.int32, (h3.shape[0], g), 1)
    mask = batch_ref[...] == gid
    neg = jnp.float32(-jnp.inf)

    old_m = jnp.where(i == 0, neg, gmax_s[...])
    bm = jnp.max(jnp.where(mask, gate, neg), axis=0, keepdims=True)
    new_m = jnp.maximum(old_m, bm)
    scale = jnp.where(jnp.isfinite(new_m), jnp.exp(old_m - new_m), 0.0)

    gpn = jnp.max(jnp.where(mask, new_m, neg), axis=1, keepdims=True)
    e = jnp.exp(gate - gpn)
    we = jnp.where(mask, e, 0.0)

    old_d = jnp.where(i == 0, 0.0, den_s[...])
    old_st = jnp.where(i == 0, 0.0, st_s[...])
    den_s[...] = old_d * scale + jnp.sum(we, axis=0, keepdims=True)
    st_s[...] = old_st * scale + lax.dot_general(
        h3, we, (((0,), (0,)), ((), ())),
        preferred_element_type=jnp.float32)
    gmax_s[...] = new_m

    @pl.when(i == nblk - 1)
    def _():
        pooled_t = st_s[...] / jnp.maximum(den_s[...], 1e-16)
        r4 = lax.dot_general(pooled_t, w4_ref[...], (((0,), (0,)), ((), ())),
                             preferred_element_type=jnp.float32)
        r4 = jnp.maximum(r4 + b4_ref[...], 0.0)
        logits = jnp.dot(r4, w5_ref[...], preferred_element_type=jnp.float32)
        logits += b5_ref[...]
        m = jnp.max(logits, axis=-1, keepdims=True)
        z = logits - m
        lse = jnp.log(jnp.sum(jnp.exp(z), axis=-1, keepdims=True))
        out_ref[...] = z - lse


@functools.lru_cache(maxsize=None)
def _make_final(n, h, g, c):
    nblk = n // BLK
    w_spec = pl.BlockSpec((h, h), lambda i: (0, 0))
    b_spec = pl.BlockSpec((1, h), lambda i: (0, 0))
    in_specs = [
        pl.BlockSpec((NC, BLK, h), lambda i: (0, i, 0)),
        pl.BlockSpec((BLK, 1), lambda i: (i, 0)),
        pl.BlockSpec((BLK, h), lambda i: (i, 0)),
        w_spec, b_spec, w_spec,
        pl.BlockSpec((h, 1), lambda i: (0, 0)),
        pl.BlockSpec((1, 1), lambda i: (0, 0)),
        w_spec, b_spec,
        pl.BlockSpec((h, c), lambda i: (0, 0)),
        pl.BlockSpec((1, c), lambda i: (0, 0)),
        pl.BlockSpec((BLK, 1), lambda i: (i, 0)),
    ]
    return pl.pallas_call(
        _final_body, grid=(nblk,), in_specs=in_specs,
        out_specs=pl.BlockSpec((g, c), lambda i: (0, 0)),
        out_shape=jax.ShapeDtypeStruct((g, c), jnp.float32),
        scratch_shapes=[
            pltpu.VMEM((1, g), jnp.float32),
            pltpu.VMEM((1, g), jnp.float32),
            pltpu.VMEM((h, g), jnp.float32),
        ])




def kernel(x, edge_index, batch, W1l, b1l, W1r, W2l, b2l, W2r, W3l, b3l, W3r,
           Wg, bg, W4, b4, W5, b5):
    n, h = x.shape
    e = edge_index.shape[1]
    g = 64
    c = W5.shape[1]

    epw = e // NW
    k = _pick_chunk(epw, 128)

    src = edge_index[0]
    dst = edge_index[1].reshape(NW, epw // k, k)
    z = jnp.zeros((k, h), jnp.float32)
    ones = jnp.ones((k, h), jnp.float32)

    degree = _make_sc_agg(n, e, h, gather=False)
    cntred = _make_cntred(n, h)
    agg = _make_sc_agg(n, e, h)
    dense = _make_dense(n, h)
    final = _make_final(n, h, g, c)

    b1 = b1l.reshape(1, h)
    b2 = b2l.reshape(1, h)
    b3 = b3l.reshape(1, h)
    bg2 = bg.reshape(1, 1)
    b42 = b4.reshape(1, h)
    b52 = b5.reshape(1, c)
    bcol = batch.reshape(n, 1)

    cnt = degree(dst, z, ones)
    inv = cntred(cnt)
    p1 = agg(x, src, dst, z)
    h1 = dense(p1, inv, x, W1l, b1, W1r)
    p2 = agg(h1, src, dst, z)
    h2 = dense(p2, inv, h1, W2l, b2, W2r)
    p3 = agg(h2, src, dst, z)
    return final(p3, inv, h2, W3l, b3, W3r, Wg, bg2, W4, b42, W5, b52, bcol)

# --- scband reference (transcript-rebuilt; emitter-appended) ---
"""Pipeline reference for scband-global-attention-net-81243601371622 (READ-ONLY COPY).

The authoritative reference and input builder live on the scoring server;
editing this copy changes nothing except your own understanding.
"""

import jax, jax.numpy as jnp
import numpy as np

N = 10000
E = 320000
D = 128
H = 128
C = 40
G = 64


def _init(key, shape, fan_in):
    return jax.random.normal(key, shape, jnp.float32) * (1.0 / np.sqrt(fan_in))


def setup_inputs(seed: int = 0) -> dict:
    key = jax.random.key(seed)
    ks = jax.random.split(key, 16)
    x = jax.random.normal(ks[0], (N, D), jnp.float32)
    edge_index = jax.random.randint(ks[1], (2, E), 0, N, dtype=jnp.int32)
    batch = jnp.sort(jax.random.randint(ks[2], (N,), 0, G, dtype=jnp.int32))
    inp = {"x": x, "edge_index": edge_index, "batch": batch}
    inp["W1l"] = _init(ks[3], (D, H), D); inp["b1l"] = jnp.zeros((H,), jnp.float32); inp["W1r"] = _init(ks[4], (D, H), D)
    inp["W2l"] = _init(ks[5], (H, H), H); inp["b2l"] = jnp.zeros((H,), jnp.float32); inp["W2r"] = _init(ks[6], (H, H), H)
    inp["W3l"] = _init(ks[7], (H, H), H); inp["b3l"] = jnp.zeros((H,), jnp.float32); inp["W3r"] = _init(ks[8], (H, H), H)
    inp["Wg"] = _init(ks[9], (H, 1), H); inp["bg"] = jnp.zeros((1,), jnp.float32)
    inp["W4"] = _init(ks[10], (H, H), H); inp["b4"] = jnp.zeros((H,), jnp.float32)
    inp["W5"] = _init(ks[11], (H, C), H); inp["b5"] = jnp.zeros((C,), jnp.float32)
    return inp


def _sage(x, src, dst, Wl, bl, Wr):
    # PyG SAGEConv: mean aggregation of source-node messages at dst, then lin_l(aggr) + lin_r(x)
    msg = x[src]
    agg = jax.ops.segment_sum(msg, dst, num_segments=N)
    cnt = jax.ops.segment_sum(jnp.ones((src.shape[0], 1), jnp.float32), dst, num_segments=N)
    mean = agg / jnp.maximum(cnt, 1.0)
    return mean @ Wl + bl + x @ Wr


def _forward(x, edge_index, batch, W1l, b1l, W1r, W2l, b2l, W2r, W3l, b3l, W3r, Wg, bg, W4, b4, W5, b5):
    src, dst = edge_index[0], edge_index[1]
    h = jax.nn.relu(_sage(x, src, dst, W1l, b1l, W1r))
    h = jax.nn.relu(_sage(h, src, dst, W2l, b2l, W2r))
    h = jax.nn.relu(_sage(h, src, dst, W3l, b3l, W3r))
    # GlobalAttention: gate_nn = Linear(H, 1); segment softmax over nodes per graph
    gate = h @ Wg + bg  # [N, 1]
    gmax = jax.ops.segment_max(gate, batch, num_segments=G)
    gmax = jnp.where(jnp.isfinite(gmax), gmax, 0.0)
    e = jnp.exp(gate - gmax[batch])
    denom = jax.ops.segment_sum(e, batch, num_segments=G)
    alpha = e / jnp.maximum(denom[batch], 1e-16)
    pooled = jax.ops.segment_sum(alpha * h, batch, num_segments=G)  # [G, H]
    out = jax.nn.relu(pooled @ W4 + b4)
    # dropout is identity in eval mode
    out = out @ W5 + b5
    return jax.nn.log_softmax(out, axis=-1)


def reference(x, edge_index, batch, W1l, b1l, W1r, W2l, b2l, W2r, W3l, b3l, W3r, Wg, bg, W4, b4, W5, b5):
    return _forward(x, edge_index, batch, W1l, b1l, W1r, W2l, b2l, W2r, W3l, b3l, W3r, Wg, bg, W4, b4, W5, b5)

if __name__ == "__main__":
    import jax
    _d = setup_inputs()
    print(jax.jit(kernel)(*tuple(_d.values())))

</pallas_src>

<mosaic_0001>
#map = affine_map<(d0, d1) -> (0, 0)>
#map1 = affine_map<(d0, d1) -> (0)>
#map2 = affine_map<(d0, d1) -> (0, 0, 0)>
module attributes {stable_mosaic.version = 14 : i64} {
  func.func @body(%arg0: i32, %arg1: i32, %arg2: memref<10000x128xf32, #tpu.memory_space<hbm>>, %arg3: memref<320000xi32, #tpu.memory_space<hbm>>, %arg4: memref<32x125x80xi32, #tpu.memory_space<hbm>>, %arg5: memref<80x128xf32, #tpu.memory_space<hbm>>, %arg6: memref<2x10000x128xf32, #tpu.memory_space<hbm>>, %arg7: memref<10000xi32, #tpu.memory_space<vmem>>, %arg8: memref<125x80xi32, #tpu.memory_space<vmem>>, %arg9: memref<80x128xf32, #tpu.memory_space<vmem>>, %arg10: memref<10000x128xf32, #tpu.memory_space<vmem_shared>>, %arg11: memref<!tpu.dma_semaphore, #tpu.memory_space<semaphore_mem>>, %arg12: memref<80x128xf32, #tpu.memory_space<vmem>>, %arg13: memref<!tpu.dma_semaphore, #tpu.memory_space<semaphore_mem>>, %arg14: memref<!tpu.dma_semaphore, #tpu.memory_space<semaphore_mem>>, %arg15: memref<!tpu.dma_semaphore, #tpu.memory_space<semaphore_mem>>) attributes {dimension_semantics = [#tpu.dimension_semantics<core_parallel>, #tpu.dimension_semantics<subcore_parallel>], iteration_bounds = array<i64: 2, 16>, scalar_prefetch = 0 : i64, scratch_operands = 9 : i64, tpu.core_type = #tpu.core_type<sc_vector_subcore>, window_params = [{transform_indices = #map}, {transform_indices = #map1}, {transform_indices = #map2}, {transform_indices = #map}, {transform_indices = #map2}]} {
    %mul3A = arith.constant 2 : i32
    %mul3A_0 = arith.muli %arg1, %mul3A : i32
    %add3A = arith.addi %mul3A_0, %arg0 : i32
    %mul3A_1 = arith.constant 10000 : i32
    %mul3A_2 = arith.muli %add3A, %mul3A_1 : i32
    "tpu.region"() ({
      %run_scoped3A_65 = tpu.sem_alloc : memref<!tpu.dma_semaphore, #tpu.memory_space<semaphore_mem>>
      %dma_start3A_66 = tpu.memref_slice %arg3[%mul3A_2] : memref<320000xi32, #tpu.memory_space<hbm>> -> memref<10000xi32, #tpu.memory_space<hbm>>
      %dma_start3A_67 = tpu.memref_slice %arg3[%mul3A_2] : memref<320000xi32, #tpu.memory_space<hbm>> -> memref<10000xi32, #tpu.memory_space<hbm>>
      tpu.enqueue_dma source(%dma_start3A_67 : memref<10000xi32, #tpu.memory_space<hbm>>) target(%arg7 : memref<10000xi32, #tpu.memory_space<vmem>>) target_semaphore(%run_scoped3A_65 : memref<!tpu.dma_semaphore, #tpu.memory_space<semaphore_mem>>)
      %dma_wait3A_68 = tpu.memref_slice %arg3[%mul3A_2] : memref<320000xi32, #tpu.memory_space<hbm>> -> memref<10000xi32, #tpu.memory_space<hbm>>
      %dma_wait3A_69 = tpu.memref_slice %arg3[%mul3A_2] : memref<320000xi32, #tpu.memory_space<hbm>> -> memref<10000xi32, #tpu.memory_space<hbm>>
      tpu.wait_dma2 semaphore(%run_scoped3A_65 : memref<!tpu.dma_semaphore, #tpu.memory_space<semaphore_mem>>) src(%dma_wait3A_69 : memref<10000xi32, #tpu.memory_space<hbm>>) dst(%arg7 : memref<10000xi32, #tpu.memory_space<vmem>>)
      tpu.yield
    }) : () -> ()
    "tpu.region"() ({
      %run_scoped3A_65 = tpu.sem_alloc : memref<!tpu.dma_semaphore, #tpu.memory_space<semaphore_mem>>
      %dma_start3A_66 = arith.constant 0 : i32
      %dma_start3A_67 = arith.constant 0 : i32
      %dma_start3A_68 = tpu.memref_slice %arg4[%add3A, %dma_start3A_66, %dma_start3A_67] : memref<32x125x80xi32, #tpu.memory_space<hbm>> -> memref<1x125x80xi32, #tpu.memory_space<hbm>>
      %dma_start3A_69 = tpu.memref_squeeze %dma_start3A_68 : memref<1x125x80xi32, #tpu.memory_space<hbm>> -> memref<125x80xi32, #tpu.memory_space<hbm>>
      %dma_start3A_70 = arith.constant 0 : i32
      %dma_start3A_71 = arith.constant 0 : i32
      %dma_start3A_72 = tpu.memref_slice %arg4[%add3A, %dma_start3A_70, %dma_start3A_71] : memref<32x125x80xi32, #tpu.memory_space<hbm>> -> memref<1x125x80xi32, #tpu.memory_space<hbm>>
      %dma_start3A_73 = tpu.memref_squeeze %dma_start3A_72 : memref<1x125x80xi32, #tpu.memory_space<hbm>> -> memref<125x80xi32, #tpu.memory_space<hbm>>
      tpu.enqueue_dma source(%dma_start3A_73 : memref<125x80xi32, #tpu.memory_space<hbm>>) target(%arg8 : memref<125x80xi32, #tpu.memory_space<vmem>>) target_semaphore(%run_scoped3A_65 : memref<!tpu.dma_semaphore, #tpu.memory_space<semaphore_mem>>)
      %dma_wait3A_74 = arith.constant 0 : i32
      %dma_wait3A_75 = arith.constant 0 : i32
      %dma_wait3A_76 = tpu.memref_slice %arg4[%add3A, %dma_wait3A_74, %dma_wait3A_75] : memref<32x125x80xi32, #tpu.memory_space<hbm>> -> memref<1x125x80xi32, #tpu.memory_space<hbm>>
      %dma_wait3A_77 = tpu.memref_squeeze %dma_wait3A_76 : memref<1x125x80xi32, #tpu.memory_space<hbm>> -> memref<125x80xi32, #tpu.memory_space<hbm>>
      %dma_wait3A_78 = arith.constant 0 : i32
      %dma_wait3A_79 = arith.constant 0 : i32
      %dma_wait3A_80 = tpu.memref_slice %arg4[%add3A, %dma_wait3A_78, %dma_wait3A_79] : memref<32x125x80xi32, #tpu.memory_space<hbm>> -> memref<1x125x80xi32, #tpu.memory_space<hbm>>
      %dma_wait3A_81 = tpu.memref_squeeze %dma_wait3A_80 : memref<1x125x80xi32, #tpu.memory_space<hbm>> -> memref<125x80xi32, #tpu.memory_space<hbm>>
      tpu.wait_dma2 semaphore(%run_scoped3A_65 : memref<!tpu.dma_semaphore, #tpu.memory_space<semaphore_mem>>) src(%dma_wait3A_81 : memref<125x80xi32, #tpu.memory_space<hbm>>) dst(%arg8 : memref<125x80xi32, #tpu.memory_space<vmem>>)
      tpu.yield
    }) : () -> ()
    "tpu.region"() ({
      %run_scoped3A_65 = tpu.sem_alloc : memref<!tpu.dma_semaphore, #tpu.memory_space<semaphore_mem>>
      tpu.enqueue_dma source(%arg5 : memref<80x128xf32, #tpu.memory_space<hbm>>) target(%arg9 : memref<80x128xf32, #tpu.memory_space<vmem>>) target_semaphore(%run_scoped3A_65 : memref<!tpu.dma_semaphore, #tpu.memory_space<semaphore_mem>>)
      tpu.wait_dma2 semaphore(%run_scoped3A_65 : memref<!tpu.dma_semaphore, #tpu.memory_space<semaphore_mem>>) src(%arg5 : memref<80x128xf32, #tpu.memory_space<hbm>>) dst(%arg9 : memref<80x128xf32, #tpu.memory_space<vmem>>)
      tpu.yield
    }) : () -> ()
    %sub3A = arith.constant 125 : i32
    %sub3A_3 = arith.subi %sub3A, %arg1 : i32
    %add3A_4 = arith.constant 16 : i32
    %add3A_5 = arith.addi %sub3A_3, %add3A_4 : i32
    %sub3A_6 = arith.constant 1 : i32
    %sub3A_7 = arith.subi %add3A_5, %sub3A_6 : i32
    %jit3A = arith.constant 16 : i32
    %div3A = arith.divsi %sub3A_7, %jit3A : i32
    %sign3A = arith.constant 0 : i32
    %sign3A_8 = arith.cmpi sgt, %sub3A_7, %sign3A : i32
    %sign3A_9 = arith.extui %sign3A_8 : i1 to i32
    %sign3A_10 = arith.constant 0 : i32
    %sign3A_11 = arith.cmpi slt, %sub3A_7, %sign3A_10 : i32
    %sign3A_12 = arith.extui %sign3A_11 : i1 to i32
    %sign3A_13 = arith.subi %sign3A_9, %sign3A_12 : i32
    %sign3A_14 = arith.constant 0 : i32
    %sign3A_15 = arith.cmpi sgt, %jit3A, %sign3A_14 : i32
    %sign3A_16 = arith.extui %sign3A_15 : i1 to i32
    %sign3A_17 = arith.constant 0 : i32
    %sign3A_18 = arith.cmpi slt, %jit3A, %sign3A_17 : i32
    %sign3A_19 = arith.extui %sign3A_18 : i1 to i32
    %sign3A_20 = arith.subi %sign3A_16, %sign3A_19 : i32
    %ne3A = arith.cmpi ne, %sign3A_13, %sign3A_20 : i32
    %rem3A = arith.remsi %sub3A_7, %jit3A : i32
    %ne3A_21 = arith.constant 0 : i32
    %ne3A_22 = arith.cmpi ne, %rem3A, %ne3A_21 : i32
    %and3A = arith.andi %ne3A, %ne3A_22 : i1
    %sub3A_23 = arith.constant 1 : i32
    %sub3A_24 = arith.subi %div3A, %sub3A_23 : i32
    %select_n3A = arith.select %and3A, %sub3A_24, %div3A : i32
    %while3A = arith.constant 0 : i32
    %while3A_25 = arith.constant 0 : i32
    %while3A_26 = arith.subi %select_n3A, %while3A_25 : i32
    %while3A_27 = arith.addi %while3A_25, %while3A_26 : i32
    %while3A_28 = arith.constant 1 : i32
    %while3A_29 = arith.divsi %while3A_26, %while3A_28 : i32
    %while3A_30 = arith.muli %while3A_29, %while3A_28 : i32
    %while3A_31 = arith.addi %while3A_25, %while3A_30 : i32
    %while3A_32 = arith.constant 1 : i32
    scf.for %while3A_65 = %while3A_25 to %while3A_31 step %while3A_32  : i32 {
      %mul3A_66 = arith.constant 16 : i32
      %mul3A_67 = arith.muli %while3A_65, %mul3A_66 : i32
      %add3A_68 = arith.addi %arg1, %mul3A_67 : i32
      %mul3A_69 = arith.constant 80 : i32
      %mul3A_70 = arith.muli %add3A_68, %mul3A_69 : i32
      "tpu.region"() ({
        %run_scoped3A_71 = tpu.sem_alloc : memref<!tpu.dma_semaphore, #tpu.memory_space<semaphore_mem>>
        %dma_start3A_72 = arith.constant 0 : i32
        %dma_start3A_73 = tpu.memref_slice %arg10[%mul3A_70, %dma_start3A_72] : memref<10000x128xf32, #tpu.memory_space<vmem_shared>> -> memref<80x128xf32, #tpu.memory_space<vmem_shared>>
        %dma_start3A_74 = arith.constant 0 : i32
        %dma_start3A_75 = tpu.memref_slice %arg10[%mul3A_70, %dma_start3A_74] : memref<10000x128xf32, #tpu.memory_space<vmem_shared>> -> memref<80x128xf32, #tpu.memory_space<vmem_shared>>
        tpu.enqueue_dma source(%arg9 : memref<80x128xf32, #tpu.memory_space<vmem>>) target(%dma_start3A_75 : memref<80x128xf32, #tpu.memory_space<vmem_shared>>) target_semaphore(%run_scoped3A_71 : memref<!tpu.dma_semaphore, #tpu.memory_space<semaphore_mem>>)
        %dma_wait3A_76 = arith.constant 0 : i32
        %dma_wait3A_77 = tpu.memref_slice %arg10[%mul3A_70, %dma_wait3A_76] : memref<10000x128xf32, #tpu.memory_space<vmem_shared>> -> memref<80x128xf32, #tpu.memory_space<vmem_shared>>
        %dma_wait3A_78 = arith.constant 0 : i32
        %dma_wait3A_79 = tpu.memref_slice %arg10[%mul3A_70, %dma_wait3A_78] : memref<10000x128xf32, #tpu.memory_space<vmem_shared>> -> memref<80x128xf32, #tpu.memory_space<vmem_shared>>
        tpu.wait_dma2 semaphore(%run_scoped3A_71 : memref<!tpu.dma_semaphore, #tpu.memory_space<semaphore_mem>>) src(%arg9 : memref<80x128xf32, #tpu.memory_space<vmem>>) dst(%dma_wait3A_79 : memref<80x128xf32, #tpu.memory_space<vmem_shared>>)
        tpu.yield
      }) : () -> ()
    }
    %while3A_33 = arith.constant 1 : i32
    scf.for %while3A_65 = %while3A_31 to %while3A_27 step %while3A_33  : i32 {
      %mul3A_66 = arith.constant 16 : i32
      %mul3A_67 = arith.muli %while3A_65, %mul3A_66 : i32
      %add3A_68 = arith.addi %arg1, %mul3A_67 : i32
      %mul3A_69 = arith.constant 80 : i32
      %mul3A_70 = arith.muli %add3A_68, %mul3A_69 : i32
      "tpu.region"() ({
        %run_scoped3A_71 = tpu.sem_alloc : memref<!tpu.dma_semaphore, #tpu.memory_space<semaphore_mem>>
        %dma_start3A_72 = arith.constant 0 : i32
        %dma_start3A_73 = tpu.memref_slice %arg10[%mul3A_70, %dma_start3A_72] : memref<10000x128xf32, #tpu.memory_space<vmem_shared>> -> memref<80x128xf32, #tpu.memory_space<vmem_shared>>
        %dma_start3A_74 = arith.constant 0 : i32
        %dma_start3A_75 = tpu.memref_slice %arg10[%mul3A_70, %dma_start3A_74] : memref<10000x128xf32, #tpu.memory_space<vmem_shared>> -> memref<80x128xf32, #tpu.memory_space<vmem_shared>>
        tpu.enqueue_dma source(%arg9 : memref<80x128xf32, #tpu.memory_space<vmem>>) target(%dma_start3A_75 : memref<80x128xf32, #tpu.memory_space<vmem_shared>>) target_semaphore(%run_scoped3A_71 : memref<!tpu.dma_semaphore, #tpu.memory_space<semaphore_mem>>)
        %dma_wait3A_76 = arith.constant 0 : i32
        %dma_wait3A_77 = tpu.memref_slice %arg10[%mul3A_70, %dma_wait3A_76] : memref<10000x128xf32, #tpu.memory_space<vmem_shared>> -> memref<80x128xf32, #tpu.memory_space<vmem_shared>>
        %dma_wait3A_78 = arith.constant 0 : i32
        %dma_wait3A_79 = tpu.memref_slice %arg10[%mul3A_70, %dma_wait3A_78] : memref<10000x128xf32, #tpu.memory_space<vmem_shared>> -> memref<80x128xf32, #tpu.memory_space<vmem_shared>>
        tpu.wait_dma2 semaphore(%run_scoped3A_71 : memref<!tpu.dma_semaphore, #tpu.memory_space<semaphore_mem>>) src(%arg9 : memref<80x128xf32, #tpu.memory_space<vmem>>) dst(%dma_wait3A_79 : memref<80x128xf32, #tpu.memory_space<vmem_shared>>)
        tpu.yield
      }) : () -> ()
    }
    %dma_start3A = arith.constant 0 : i32
    %dma_start3A_34 = tpu.memref_slice %arg7[%dma_start3A] : memref<10000xi32, #tpu.memory_space<vmem>> -> memref<80xi32, #tpu.memory_space<vmem>>
    %dma_start3A_35 = arith.constant 0 : i32
    %dma_start3A_36 = arith.constant 0 : i32
    %dma_start3A_37 = tpu.memref_slice %arg2[%dma_start3A_35, %dma_start3A_36] : memref<10000x128xf32, #tpu.memory_space<hbm>> -> memref<10000x128xf32, #tpu.memory_space<hbm>>
    tpu.enqueue_indirect_dma source(%dma_start3A_37 : memref<10000x128xf32, #tpu.memory_space<hbm>>) target(%arg9 : memref<80x128xf32, #tpu.memory_space<vmem>>) offsets(%dma_start3A_34 : memref<80xi32, #tpu.memory_space<vmem>>) semaphore(%arg11 : memref<!tpu.dma_semaphore, #tpu.memory_space<semaphore_mem>>)
    %barrier3A = arith.constant 0 : index
    tpu.barrier barrier_id(%barrier3A)
    %scan3A = arith.constant 0 : i32
    %scan3A_38 = arith.constant 0 : i32
    %scan3A_39 = arith.constant 62 : i32
    %scan3A_40 = arith.addi %scan3A_38, %scan3A_39 : i32
    %scan3A_41 = arith.constant 1 : i32
    scf.for %scan3A_65 = %scan3A_38 to %scan3A_40 step %scan3A_41  : i32 {
      %mul3A_66 = arith.constant 2 : i32
      %mul3A_67 = arith.muli %mul3A_66, %scan3A_65 : i32
      %mul3A_68 = arith.constant 80 : i32
      %mul3A_69 = arith.muli %mul3A_67, %mul3A_68 : i32
      %dma_wait3A_70 = tpu.memref_slice %arg7[%mul3A_69] : memref<10000xi32, #tpu.memory_space<vmem>> -> memref<80xi32, #tpu.memory_space<vmem>>
      %dma_wait3A_71 = arith.constant 0 : i32
      %dma_wait3A_72 = arith.constant 0 : i32
      %dma_wait3A_73 = tpu.memref_slice %arg2[%dma_wait3A_71, %dma_wait3A_72] : memref<10000x128xf32, #tpu.memory_space<hbm>> -> memref<10000x128xf32, #tpu.memory_space<hbm>>
      tpu.wait_indirect_dma semaphore(%arg11 : memref<!tpu.dma_semaphore, #tpu.memory_space<semaphore_mem>>) src(%dma_wait3A_73 : memref<10000x128xf32, #tpu.memory_space<hbm>>) dst(%arg9 : memref<80x128xf32, #tpu.memory_space<vmem>>)
      %gt3A = arith.constant 0 : i32
      %gt3A_74 = arith.cmpi sgt, %scan3A_65, %gt3A : i32
      %convert_element_type3A = arith.extui %gt3A_74 : i1 to i32
      %cond3A = arith.constant 0 : i32
      %cond3A_75 = arith.cmpi ne, %convert_element_type3A, %cond3A : i32
      scf.if %cond3A_75 {
        %sub3A_118 = arith.constant 1 : i32
        %sub3A_119 = arith.subi %mul3A_67, %sub3A_118 : i32
        %dma_wait3A_120 = arith.constant 0 : i32
        %dma_wait3A_121 = tpu.memref_slice %arg8[%sub3A_119, %dma_wait3A_120] : memref<125x80xi32, #tpu.memory_space<vmem>> -> memref<1x80xi32, #tpu.memory_space<vmem>>
        %dma_wait3A_122 = tpu.memref_squeeze %dma_wait3A_121 : memref<1x80xi32, #tpu.memory_space<vmem>> -> memref<80xi32, #tpu.memory_space<vmem>>
        %dma_wait3A_123 = arith.constant 0 : i32
        %dma_wait3A_124 = arith.constant 0 : i32
        %dma_wait3A_125 = tpu.memref_slice %arg10[%dma_wait3A_123, %dma_wait3A_124] : memref<10000x128xf32, #tpu.memory_space<vmem_shared>> -> memref<10000x128xf32, #tpu.memory_space<vmem_shared>>
        tpu.wait_indirect_dma semaphore(%arg15 : memref<!tpu.dma_semaphore, #tpu.memory_space<semaphore_mem>>) src(%arg12 : memref<80x128xf32, #tpu.memory_space<vmem>>) dst(%dma_wait3A_125 : memref<10000x128xf32, #tpu.memory_space<vmem_shared>>)
      } else {
      }
      %add3A_76 = arith.constant 1 : i32
      %add3A_77 = arith.addi %mul3A_67, %add3A_76 : i32
      %mul3A_78 = arith.constant 80 : i32
      %mul3A_79 = arith.muli %add3A_77, %mul3A_78 : i32
      %dma_start3A_80 = tpu.memref_slice %arg7[%mul3A_79] : memref<10000xi32, #tpu.memory_space<vmem>> -> memref<80xi32, #tpu.memory_space<vmem>>
      %dma_start3A_81 = arith.constant 0 : i32
      %dma_start3A_82 = arith.constant 0 : i32
      %dma_start3A_83 = tpu.memref_slice %arg2[%dma_start3A_81, %dma_start3A_82] : memref<10000x128xf32, #tpu.memory_space<hbm>> -> memref<10000x128xf32, #tpu.memory_space<hbm>>
      tpu.enqueue_indirect_dma source(%dma_start3A_83 : memref<10000x128xf32, #tpu.memory_space<hbm>>) target(%arg12 : memref<80x128xf32, #tpu.memory_space<vmem>>) offsets(%dma_start3A_80 : memref<80xi32, #tpu.memory_space<vmem>>) semaphore(%arg13 : memref<!tpu.dma_semaphore, #tpu.memory_space<semaphore_mem>>)
      %dma_start3A_84 = arith.constant 0 : i32
      %dma_start3A_85 = tpu.memref_slice %arg8[%mul3A_67, %dma_start3A_84] : memref<125x80xi32, #tpu.memory_space<vmem>> -> memref<1x80xi32, #tpu.memory_space<vmem>>
      %dma_start3A_86 = tpu.memref_squeeze %dma_start3A_85 : memref<1x80xi32, #tpu.memory_space<vmem>> -> memref<80xi32, #tpu.memory_space<vmem>>
      %dma_start3A_87 = arith.constant 0 : i32
      %dma_start3A_88 = arith.constant 0 : i32
      %dma_start3A_89 = tpu.memref_slice %arg10[%dma_start3A_87, %dma_start3A_88] : memref<10000x128xf32, #tpu.memory_space<vmem_shared>> -> memref<10000x128xf32, #tpu.memory_space<vmem_shared>>
      tpu.enqueue_indirect_dma source(%arg9 : memref<80x128xf32, #tpu.memory_space<vmem>>) target(%dma_start3A_89 : memref<10000x128xf32, #tpu.memory_space<vmem_shared>>) offsets(%dma_start3A_86 : memref<80xi32, #tpu.memory_space<vmem>>) semaphore(%arg14 : memref<!tpu.dma_semaphore, #tpu.memory_space<semaphore_mem>>) {add = true}
      %add3A_90 = arith.constant 1 : i32
      %add3A_91 = arith.addi %mul3A_67, %add3A_90 : i32
      %mul3A_92 = arith.constant 80 : i32
      %mul3A_93 = arith.muli %add3A_91, %mul3A_92 : i32
      %dma_wait3A_94 = tpu.memref_slice %arg7[%mul3A_93] : memref<10000xi32, #tpu.memory_space<vmem>> -> memref<80xi32, #tpu.memory_space<vmem>>
      %dma_wait3A_95 = arith.constant 0 : i32
      %dma_wait3A_96 = arith.constant 0 : i32
      %dma_wait3A_97 = tpu.memref_slice %arg2[%dma_wait3A_95, %dma_wait3A_96] : memref<10000x128xf32, #tpu.memory_space<hbm>> -> memref<10000x128xf32, #tpu.memory_space<hbm>>
      tpu.wait_indirect_dma semaphore(%arg13 : memref<!tpu.dma_semaphore, #tpu.memory_space<semaphore_mem>>) src(%dma_wait3A_97 : memref<10000x128xf32, #tpu.memory_space<hbm>>) dst(%arg12 : memref<80x128xf32, #tpu.memory_space<vmem>>)
      %add3A_98 = arith.constant 1 : i32
      %add3A_99 = arith.addi %mul3A_67, %add3A_98 : i32
      %dma_start3A_100 = arith.constant 0 : i32
      %dma_start3A_101 = tpu.memref_slice %arg8[%add3A_99, %dma_start3A_100] : memref<125x80xi32, #tpu.memory_space<vmem>> -> memref<1x80xi32, #tpu.memory_space<vmem>>
      %dma_start3A_102 = tpu.memref_squeeze %dma_start3A_101 : memref<1x80xi32, #tpu.memory_space<vmem>> -> memref<80xi32, #tpu.memory_space<vmem>>
      %dma_start3A_103 = arith.constant 0 : i32
      %dma_start3A_104 = arith.constant 0 : i32
      %dma_start3A_105 = tpu.memref_slice %arg10[%dma_start3A_103, %dma_start3A_104] : memref<10000x128xf32, #tpu.memory_space<vmem_shared>> -> memref<10000x128xf32, #tpu.memory_space<vmem_shared>>
      tpu.enqueue_indirect_dma source(%arg12 : memref<80x128xf32, #tpu.memory_space<vmem>>) target(%dma_start3A_105 : memref<10000x128xf32, #tpu.memory_space<vmem_shared>>) offsets(%dma_start3A_102 : memref<80xi32, #tpu.memory_space<vmem>>) semaphore(%arg15 : memref<!tpu.dma_semaphore, #tpu.memory_space<semaphore_mem>>) {add = true}
      %dma_wait3A_106 = arith.constant 0 : i32
      %dma_wait3A_107 = tpu.memref_slice %arg8[%mul3A_67, %dma_wait3A_106] : memref<125x80xi32, #tpu.memory_space<vmem>> -> memref<1x80xi32, #tpu.memory_space<vmem>>
      %dma_wait3A_108 = tpu.memref_squeeze %dma_wait3A_107 : memref<1x80xi32, #tpu.memory_space<vmem>> -> memref<80xi32, #tpu.memory_space<vmem>>
      %dma_wait3A_109 = arith.constant 0 : i32
      %dma_wait3A_110 = arith.constant 0 : i32
      %dma_wait3A_111 = tpu.memref_slice %arg10[%dma_wait3A_109, %dma_wait3A_110] : memref<10000x128xf32, #tpu.memory_space<vmem_shared>> -> memref<10000x128xf32, #tpu.memory_space<vmem_shared>>
      tpu.wait_indirect_dma semaphore(%arg14 : memref<!tpu.dma_semaphore, #tpu.memory_space<semaphore_mem>>) src(%arg9 : memref<80x128xf32, #tpu.memory_space<vmem>>) dst(%dma_wait3A_111 : memref<10000x128xf32, #tpu.memory_space<vmem_shared>>)
      %add3A_112 = arith.constant 2 : i32
      %add3A_113 = arith.addi %mul3A_67, %add3A_112 : i32
      %lt3A = arith.constant 125 : i32
      %lt3A_114 = arith.cmpi slt, %add3A_113, %lt3A : i32
      %convert_element_type3A_115 = arith.extui %lt3A_114 : i1 to i32
      %cond3A_116 = arith.constant 0 : i32
      %cond3A_117 = arith.cmpi ne, %convert_element_type3A_115, %cond3A_116 : i32
      scf.if %cond3A_117 {
        %add3A_118 = arith.constant 2 : i32
        %add3A_119 = arith.addi %mul3A_67, %add3A_118 : i32
        %mul3A_120 = arith.constant 80 : i32
        %mul3A_121 = arith.muli %add3A_119, %mul3A_120 : i32
        %dma_start3A_122 = tpu.memref_slice %arg7[%mul3A_121] : memref<10000xi32, #tpu.memory_space<vmem>> -> memref<80xi32, #tpu.memory_space<vmem>>
        %dma_start3A_123 = arith.constant 0 : i32
        %dma_start3A_124 = arith.constant 0 : i32
        %dma_start3A_125 = tpu.memref_slice %arg2[%dma_start3A_123, %dma_start3A_124] : memref<10000x128xf32, #tpu.memory_space<hbm>> -> memref<10000x128xf32, #tpu.memory_space<hbm>>
        tpu.enqueue_indirect_dma source(%dma_start3A_125 : memref<10000x128xf32, #tpu.memory_space<hbm>>) target(%arg9 : memref<80x128xf32, #tpu.memory_space<vmem>>) offsets(%dma_start3A_122 : memref<80xi32, #tpu.memory_space<vmem>>) semaphore(%arg11 : memref<!tpu.dma_semaphore, #tpu.memory_space<semaphore_mem>>)
      } else {
      }
    }
    %scan3A_42 = arith.constant 62 : i32
    %dma_wait3A = arith.constant 123 : i32
    %dma_wait3A_43 = arith.constant 0 : i32
    %dma_wait3A_44 = tpu.memref_slice %arg8[%dma_wait3A, %dma_wait3A_43] : memref<125x80xi32, #tpu.memory_space<vmem>> -> memref<1x80xi32, #tpu.memory_space<vmem>>
    %dma_wait3A_45 = tpu.memref_squeeze %dma_wait3A_44 : memref<1x80xi32, #tpu.memory_space<vmem>> -> memref<80xi32, #tpu.memory_space<vmem>>
    %dma_wait3A_46 = arith.constant 0 : i32
    %dma_wait3A_47 = arith.constant 0 : i32
    %dma_wait3A_48 = tpu.memref_slice %arg10[%dma_wait3A_46, %dma_wait3A_47] : memref<10000x128xf32, #tpu.memory_space<vmem_shared>> -> memref<10000x128xf32, #tpu.memory_space<vmem_shared>>
    tpu.wait_indirect_dma semaphore(%arg15 : memref<!tpu.dma_semaphore, #tpu.memory_space<semaphore_mem>>) src(%arg12 : memref<80x128xf32, #tpu.memory_space<vmem>>) dst(%dma_wait3A_48 : memref<10000x128xf32, #tpu.memory_space<vmem_shared>>)
    %dma_wait3A_49 = arith.constant 9920 : i32
    %dma_wait3A_50 = tpu.memref_slice %arg7[%dma_wait3A_49] : memref<10000xi32, #tpu.memory_space<vmem>> -> memref<80xi32, #tpu.memory_space<vmem>>
    %dma_wait3A_51 = arith.constant 0 : i32
    %dma_wait3A_52 = arith.constant 0 : i32
    %dma_wait3A_53 = tpu.memref_slice %arg2[%dma_wait3A_51, %dma_wait3A_52] : memref<10000x128xf32, #tpu.memory_space<hbm>> -> memref<10000x128xf32, #tpu.memory_space<hbm>>
    tpu.wait_indirect_dma semaphore(%arg11 : memref<!tpu.dma_semaphore, #tpu.memory_space<semaphore_mem>>) src(%dma_wait3A_53 : memref<10000x128xf32, #tpu.memory_space<hbm>>) dst(%arg9 : memref<80x128xf32, #tpu.memory_space<vmem>>)
    %run_scoped3A = arith.constant 124 : i32
    "tpu.region"() ({
      %run_scoped3A_65 = tpu.sem_alloc : memref<!tpu.dma_semaphore, #tpu.memory_space<semaphore_mem>>
      %dma_start3A_66 = arith.constant 0 : i32
      %dma_start3A_67 = tpu.memref_slice %arg8[%run_scoped3A, %dma_start3A_66] : memref<125x80xi32, #tpu.memory_space<vmem>> -> memref<1x80xi32, #tpu.memory_space<vmem>>
      %dma_start3A_68 = tpu.memref_squeeze %dma_start3A_67 : memref<1x80xi32, #tpu.memory_space<vmem>> -> memref<80xi32, #tpu.memory_space<vmem>>
      %dma_start3A_69 = arith.constant 0 : i32
      %dma_start3A_70 = arith.constant 0 : i32
      %dma_start3A_71 = tpu.memref_slice %arg10[%dma_start3A_69, %dma_start3A_70] : memref<10000x128xf32, #tpu.memory_space<vmem_shared>> -> memref<10000x128xf32, #tpu.memory_space<vmem_shared>>
      tpu.enqueue_indirect_dma source(%arg9 : memref<80x128xf32, #tpu.memory_space<vmem>>) target(%dma_start3A_71 : memref<10000x128xf32, #tpu.memory_space<vmem_shared>>) offsets(%dma_start3A_68 : memref<80xi32, #tpu.memory_space<vmem>>) semaphore(%run_scoped3A_65 : memref<!tpu.dma_semaphore, #tpu.memory_space<semaphore_mem>>) {add = true}
      %dma_wait3A_72 = arith.constant 0 : i32
      %dma_wait3A_73 = tpu.memref_slice %arg8[%run_scoped3A, %dma_wait3A_72] : memref<125x80xi32, #tpu.memory_space<vmem>> -> memref<1x80xi32, #tpu.memory_space<vmem>>
      %dma_wait3A_74 = tpu.memref_squeeze %dma_wait3A_73 : memref<1x80xi32, #tpu.memory_space<vmem>> -> memref<80xi32, #tpu.memory_space<vmem>>
      %dma_wait3A_75 = arith.constant 0 : i32
      %dma_wait3A_76 = arith.constant 0 : i32
      %dma_wait3A_77 = tpu.memref_slice %arg10[%dma_wait3A_75, %dma_wait3A_76] : memref<10000x128xf32, #tpu.memory_space<vmem_shared>> -> memref<10000x128xf32, #tpu.memory_space<vmem_shared>>
      tpu.wait_indirect_dma semaphore(%run_scoped3A_65 : memref<!tpu.dma_semaphore, #tpu.memory_space<semaphore_mem>>) src(%arg9 : memref<80x128xf32, #tpu.memory_space<vmem>>) dst(%dma_wait3A_77 : memref<10000x128xf32, #tpu.memory_space<vmem_shared>>)
      tpu.yield
    }) : () -> ()
    %barrier3A_54 = arith.constant 0 : index
    tpu.barrier barrier_id(%barrier3A_54)
    %while3A_55 = arith.constant 0 : i32
    %while3A_56 = arith.constant 0 : i32
    %while3A_57 = arith.subi %select_n3A, %while3A_56 : i32
    %while3A_58 = arith.addi %while3A_56, %while3A_57 : i32
    %while3A_59 = arith.constant 1 : i32
    %while3A_60 = arith.divsi %while3A_57, %while3A_59 : i32
    %while3A_61 = arith.muli %while3A_60, %while3A_59 : i32
    %while3A_62 = arith.addi %while3A_56, %while3A_61 : i32
    %while3A_63 = arith.constant 1 : i32
    scf.for %while3A_65 = %while3A_56 to %while3A_62 step %while3A_63  : i32 {
      %mul3A_66 = arith.constant 16 : i32
      %mul3A_67 = arith.muli %while3A_65, %mul3A_66 : i32
      %add3A_68 = arith.addi %arg1, %mul3A_67 : i32
      %mul3A_69 = arith.constant 80 : i32
      %mul3A_70 = arith.muli %add3A_68, %mul3A_69 : i32
      "tpu.region"() ({
        %run_scoped3A_71 = tpu.sem_alloc : memref<!tpu.dma_semaphore, #tpu.memory_space<semaphore_mem>>
        %dma_start3A_72 = arith.constant 0 : i32
        %dma_start3A_73 = tpu.memref_slice %arg10[%mul3A_70, %dma_start3A_72] : memref<10000x128xf32, #tpu.memory_space<vmem_shared>> -> memref<80x128xf32, #tpu.memory_space<vmem_shared>>
        %dma_start3A_74 = arith.constant 0 : i32
        %dma_start3A_75 = tpu.memref_slice %arg10[%mul3A_70, %dma_start3A_74] : memref<10000x128xf32, #tpu.memory_space<vmem_shared>> -> memref<80x128xf32, #tpu.memory_space<vmem_shared>>
        tpu.enqueue_dma source(%dma_start3A_75 : memref<80x128xf32, #tpu.memory_space<vmem_shared>>) target(%arg9 : memref<80x128xf32, #tpu.memory_space<vmem>>) target_semaphore(%run_scoped3A_71 : memref<!tpu.dma_semaphore, #tpu.memory_space<semaphore_mem>>)
        %dma_wait3A_76 = arith.constant 0 : i32
        %dma_wait3A_77 = tpu.memref_slice %arg10[%mul3A_70, %dma_wait3A_76] : memref<10000x128xf32, #tpu.memory_space<vmem_shared>> -> memref<80x128xf32, #tpu.memory_space<vmem_shared>>
        %dma_wait3A_78 = arith.constant 0 : i32
        %dma_wait3A_79 = tpu.memref_slice %arg10[%mul3A_70, %dma_wait3A_78] : memref<10000x128xf32, #tpu.memory_space<vmem_shared>> -> memref<80x128xf32, #tpu.memory_space<vmem_shared>>
        tpu.wait_dma2 semaphore(%run_scoped3A_71 : memref<!tpu.dma_semaphore, #tpu.memory_space<semaphore_mem>>) src(%dma_wait3A_79 : memref<80x128xf32, #tpu.memory_space<vmem_shared>>) dst(%arg9 : memref<80x128xf32, #tpu.memory_space<vmem>>)
        tpu.yield
      }) : () -> ()
      "tpu.region"() ({
        %run_scoped3A_71 = tpu.sem_alloc : memref<!tpu.dma_semaphore, #tpu.memory_space<semaphore_mem>>
        %dma_start3A_72 = arith.constant 0 : i32
        %dma_start3A_73 = tpu.memref_slice %arg6[%arg0, %mul3A_70, %dma_start3A_72] : memref<2x10000x128xf32, #tpu.memory_space<hbm>> -> memref<1x80x128xf32, #tpu.memory_space<hbm>>
        %dma_start3A_74 = tpu.memref_squeeze %dma_start3A_73 : memref<1x80x128xf32, #tpu.memory_space<hbm>> -> memref<80x128xf32, #tpu.memory_space<hbm>>
        %dma_start3A_75 = arith.constant 0 : i32
        %dma_start3A_76 = tpu.memref_slice %arg6[%arg0, %mul3A_70, %dma_start3A_75] : memref<2x10000x128xf32, #tpu.memory_space<hbm>> -> memref<1x80x128xf32, #tpu.memory_space<hbm>>
        %dma_start3A_77 = tpu.memref_squeeze %dma_start3A_76 : memref<1x80x128xf32, #tpu.memory_space<hbm>> -> memref<80x128xf32, #tpu.memory_space<hbm>>
        tpu.enqueue_dma source(%arg9 : memref<80x128xf32, #tpu.memory_space<vmem>>) target(%dma_start3A_77 : memref<80x128xf32, #tpu.memory_space<hbm>>) target_semaphore(%run_scoped3A_71 : memref<!tpu.dma_semaphore, #tpu.memory_space<semaphore_mem>>)
        %dma_wait3A_78 = arith.constant 0 : i32
        %dma_wait3A_79 = tpu.memref_slice %arg6[%arg0, %mul3A_70, %dma_wait3A_78] : memref<2x10000x128xf32, #tpu.memory_space<hbm>> -> memref<1x80x128xf32, #tpu.memory_space<hbm>>
        %dma_wait3A_80 = tpu.memref_squeeze %dma_wait3A_79 : memref<1x80x128xf32, #tpu.memory_space<hbm>> -> memref<80x128xf32, #tpu.memory_space<hbm>>
        %dma_wait3A_81 = arith.constant 0 : i32
        %dma_wait3A_82 = tpu.memref_slice %arg6[%arg0, %mul3A_70, %dma_wait3A_81] : memref<2x10000x128xf32, #tpu.memory_space<hbm>> -> memref<1x80x128xf32, #tpu.memory_space<hbm>>
        %dma_wait3A_83 = tpu.memref_squeeze %dma_wait3A_82 : memref<1x80x128xf32, #tpu.memory_space<hbm>> -> memref<80x128xf32, #tpu.memory_space<hbm>>
        tpu.wait_dma2 semaphore(%run_scoped3A_71 : memref<!tpu.dma_semaphore, #tpu.memory_space<semaphore_mem>>) src(%arg9 : memref<80x128xf32, #tpu.memory_space<vmem>>) dst(%dma_wait3A_83 : memref<80x128xf32, #tpu.memory_space<hbm>>)
        tpu.yield
      }) : () -> ()
    }
    %while3A_64 = arith.constant 1 : i32
    scf.for %while3A_65 = %while3A_62 to %while3A_58 step %while3A_64  : i32 {
      %mul3A_66 = arith.constant 16 : i32
      %mul3A_67 = arith.muli %while3A_65, %mul3A_66 : i32
      %add3A_68 = arith.addi %arg1, %mul3A_67 : i32
      %mul3A_69 = arith.constant 80 : i32
      %mul3A_70 = arith.muli %add3A_68, %mul3A_69 : i32
      "tpu.region"() ({
        %run_scoped3A_71 = tpu.sem_alloc : memref<!tpu.dma_semaphore, #tpu.memory_space<semaphore_mem>>
        %dma_start3A_72 = arith.constant 0 : i32
        %dma_start3A_73 = tpu.memref_slice %arg10[%mul3A_70, %dma_start3A_72] : memref<10000x128xf32, #tpu.memory_space<vmem_shared>> -> memref<80x128xf32, #tpu.memory_space<vmem_shared>>
        %dma_start3A_74 = arith.constant 0 : i32
        %dma_start3A_75 = tpu.memref_slice %arg10[%mul3A_70, %dma_start3A_74] : memref<10000x128xf32, #tpu.memory_space<vmem_shared>> -> memref<80x128xf32, #tpu.memory_space<vmem_shared>>
        tpu.enqueue_dma source(%dma_start3A_75 : memref<80x128xf32, #tpu.memory_space<vmem_shared>>) target(%arg9 : memref<80x128xf32, #tpu.memory_space<vmem>>) target_semaphore(%run_scoped3A_71 : memref<!tpu.dma_semaphore, #tpu.memory_space<semaphore_mem>>)
        %dma_wait3A_76 = arith.constant 0 : i32
        %dma_wait3A_77 = tpu.memref_slice %arg10[%mul3A_70, %dma_wait3A_76] : memref<10000x128xf32, #tpu.memory_space<vmem_shared>> -> memref<80x128xf32, #tpu.memory_space<vmem_shared>>
        %dma_wait3A_78 = arith.constant 0 : i32
        %dma_wait3A_79 = tpu.memref_slice %arg10[%mul3A_70, %dma_wait3A_78] : memref<10000x128xf32, #tpu.memory_space<vmem_shared>> -> memref<80x128xf32, #tpu.memory_space<vmem_shared>>
        tpu.wait_dma2 semaphore(%run_scoped3A_71 : memref<!tpu.dma_semaphore, #tpu.memory_space<semaphore_mem>>) src(%dma_wait3A_79 : memref<80x128xf32, #tpu.memory_space<vmem_shared>>) dst(%arg9 : memref<80x128xf32, #tpu.memory_space<vmem>>)
        tpu.yield
      }) : () -> ()
      "tpu.region"() ({
        %run_scoped3A_71 = tpu.sem_alloc : memref<!tpu.dma_semaphore, #tpu.memory_space<semaphore_mem>>
        %dma_start3A_72 = arith.constant 0 : i32
        %dma_start3A_73 = tpu.memref_slice %arg6[%arg0, %mul3A_70, %dma_start3A_72] : memref<2x10000x128xf32, #tpu.memory_space<hbm>> -> memref<1x80x128xf32, #tpu.memory_space<hbm>>
        %dma_start3A_74 = tpu.memref_squeeze %dma_start3A_73 : memref<1x80x128xf32, #tpu.memory_space<hbm>> -> memref<80x128xf32, #tpu.memory_space<hbm>>
        %dma_start3A_75 = arith.constant 0 : i32
        %dma_start3A_76 = tpu.memref_slice %arg6[%arg0, %mul3A_70, %dma_start3A_75] : memref<2x10000x128xf32, #tpu.memory_space<hbm>> -> memref<1x80x128xf32, #tpu.memory_space<hbm>>
        %dma_start3A_77 = tpu.memref_squeeze %dma_start3A_76 : memref<1x80x128xf32, #tpu.memory_space<hbm>> -> memref<80x128xf32, #tpu.memory_space<hbm>>
        tpu.enqueue_dma source(%arg9 : memref<80x128xf32, #tpu.memory_space<vmem>>) target(%dma_start3A_77 : memref<80x128xf32, #tpu.memory_space<hbm>>) target_semaphore(%run_scoped3A_71 : memref<!tpu.dma_semaphore, #tpu.memory_space<semaphore_mem>>)
        %dma_wait3A_78 = arith.constant 0 : i32
        %dma_wait3A_79 = tpu.memref_slice %arg6[%arg0, %mul3A_70, %dma_wait3A_78] : memref<2x10000x128xf32, #tpu.memory_space<hbm>> -> memref<1x80x128xf32, #tpu.memory_space<hbm>>
        %dma_wait3A_80 = tpu.memref_squeeze %dma_wait3A_79 : memref<1x80x128xf32, #tpu.memory_space<hbm>> -> memref<80x128xf32, #tpu.memory_space<hbm>>
        %dma_wait3A_81 = arith.constant 0 : i32
        %dma_wait3A_82 = tpu.memref_slice %arg6[%arg0, %mul3A_70, %dma_wait3A_81] : memref<2x10000x128xf32, #tpu.memory_space<hbm>> -> memref<1x80x128xf32, #tpu.memory_space<hbm>>
        %dma_wait3A_83 = tpu.memref_squeeze %dma_wait3A_82 : memref<1x80x128xf32, #tpu.memory_space<hbm>> -> memref<80x128xf32, #tpu.memory_space<hbm>>
        tpu.wait_dma2 semaphore(%run_scoped3A_71 : memref<!tpu.dma_semaphore, #tpu.memory_space<semaphore_mem>>) src(%arg9 : memref<80x128xf32, #tpu.memory_space<vmem>>) dst(%dma_wait3A_83 : memref<80x128xf32, #tpu.memory_space<hbm>>)
        tpu.yield
      }) : () -> ()
    }
    return
  }
}

#map = affine_map<(d0, d1) -> (0, 0, 0)>
#map1 = affine_map<(d0, d1) -> (0, 0)>
module attributes {stable_mosaic.version = 14 : i64} {
  func.func @body(%arg0: i32, %arg1: i32, %arg2: memref<32x125x80xi32, #tpu.memory_space<hbm>>, %arg3: memref<80x128xf32, #tpu.memory_space<hbm>>, %arg4: memref<80x128xf32, #tpu.memory_space<hbm>>, %arg5: memref<2x10000x128xf32, #tpu.memory_space<hbm>>, %arg6: memref<125x80xi32, #tpu.memory_space<vmem>>, %arg7: memref<80x128xf32, #tpu.memory_space<vmem>>, %arg8: memref<10000x128xf32, #tpu.memory_space<vmem_shared>>, %arg9: memref<!tpu.dma_semaphore, #tpu.memory_space<semaphore_mem>>) attributes {dimension_semantics = [#tpu.dimension_semantics<core_parallel>, #tpu.dimension_semantics<subcore_parallel>], iteration_bounds = array<i64: 2, 16>, scalar_prefetch = 0 : i64, scratch_operands = 4 : i64, tpu.core_type = #tpu.core_type<sc_vector_subcore>, window_params = [{transform_indices = #map}, {transform_indices = #map1}, {transform_indices = #map1}, {transform_indices = #map}]} {
    %mul3A = arith.constant 2 : i32
    %mul3A_0 = arith.muli %arg1, %mul3A : i32
    %add3A = arith.addi %mul3A_0, %arg0 : i32
    "tpu.region"() ({
      %run_scoped3A = tpu.sem_alloc : memref<!tpu.dma_semaphore, #tpu.memory_space<semaphore_mem>>
      %dma_start3A = arith.constant 0 : i32
      %dma_start3A_48 = arith.constant 0 : i32
      %dma_start3A_49 = tpu.memref_slice %arg2[%add3A, %dma_start3A, %dma_start3A_48] : memref<32x125x80xi32, #tpu.memory_space<hbm>> -> memref<1x125x80xi32, #tpu.memory_space<hbm>>
      %dma_start3A_50 = tpu.memref_squeeze %dma_start3A_49 : memref<1x125x80xi32, #tpu.memory_space<hbm>> -> memref<125x80xi32, #tpu.memory_space<hbm>>
      %dma_start3A_51 = arith.constant 0 : i32
      %dma_start3A_52 = arith.constant 0 : i32
      %dma_start3A_53 = tpu.memref_slice %arg2[%add3A, %dma_start3A_51, %dma_start3A_52] : memref<32x125x80xi32, #tpu.memory_space<hbm>> -> memref<1x125x80xi32, #tpu.memory_space<hbm>>
      %dma_start3A_54 = tpu.memref_squeeze %dma_start3A_53 : memref<1x125x80xi32, #tpu.memory_space<hbm>> -> memref<125x80xi32, #tpu.memory_space<hbm>>
      tpu.enqueue_dma source(%dma_start3A_54 : memref<125x80xi32, #tpu.memory_space<hbm>>) target(%arg6 : memref<125x80xi32, #tpu.memory_space<vmem>>) target_semaphore(%run_scoped3A : memref<!tpu.dma_semaphore, #tpu.memory_space<semaphore_mem>>)
      %dma_wait3A = arith.constant 0 : i32
      %dma_wait3A_55 = arith.constant 0 : i32
      %dma_wait3A_56 = tpu.memref_slice %arg2[%add3A, %dma_wait3A, %dma_wait3A_55] : memref<32x125x80xi32, #tpu.memory_space<hbm>> -> memref<1x125x80xi32, #tpu.memory_space<hbm>>
      %dma_wait3A_57 = tpu.memref_squeeze %dma_wait3A_56 : memref<1x125x80xi32, #tpu.memory_space<hbm>> -> memref<125x80xi32, #tpu.memory_space<hbm>>
      %dma_wait3A_58 = arith.constant 0 : i32
      %dma_wait3A_59 = arith.constant 0 : i32
      %dma_wait3A_60 = tpu.memref_slice %arg2[%add3A, %dma_wait3A_58, %dma_wait3A_59] : memref<32x125x80xi32, #tpu.memory_space<hbm>> -> memref<1x125x80xi32, #tpu.memory_space<hbm>>
      %dma_wait3A_61 = tpu.memref_squeeze %dma_wait3A_60 : memref<1x125x80xi32, #tpu.memory_space<hbm>> -> memref<125x80xi32, #tpu.memory_space<hbm>>
      tpu.wait_dma2 semaphore(%run_scoped3A : memref<!tpu.dma_semaphore, #tpu.memory_space<semaphore_mem>>) src(%dma_wait3A_61 : memref<125x80xi32, #tpu.memory_space<hbm>>) dst(%arg6 : memref<125x80xi32, #tpu.memory_space<vmem>>)
      tpu.yield
    }) : () -> ()
    "tpu.region"() ({
      %run_scoped3A = tpu.sem_alloc : memref<!tpu.dma_semaphore, #tpu.memory_space<semaphore_mem>>
      tpu.enqueue_dma source(%arg3 : memref<80x128xf32, #tpu.memory_space<hbm>>) target(%arg7 : memref<80x128xf32, #tpu.memory_space<vmem>>) target_semaphore(%run_scoped3A : memref<!tpu.dma_semaphore, #tpu.memory_space<semaphore_mem>>)
      tpu.wait_dma2 semaphore(%run_scoped3A : memref<!tpu.dma_semaphore, #tpu.memory_space<semaphore_mem>>) src(%arg3 : memref<80x128xf32, #tpu.memory_space<hbm>>) dst(%arg7 : memref<80x128xf32, #tpu.memory_space<vmem>>)
      tpu.yield
    }) : () -> ()
    %sub3A = arith.constant 125 : i32
    %sub3A_1 = arith.subi %sub3A, %arg1 : i32
    %add3A_2 = arith.constant 16 : i32
    %add3A_3 = arith.addi %sub3A_1, %add3A_2 : i32
    %sub3A_4 = arith.constant 1 : i32
    %sub3A_5 = arith.subi %add3A_3, %sub3A_4 : i32
    %jit3A = arith.constant 16 : i32
    %div3A = arith.divsi %sub3A_5, %jit3A : i32
    %sign3A = arith.constant 0 : i32
    %sign3A_6 = arith.cmpi sgt, %sub3A_5, %sign3A : i32
    %sign3A_7 = arith.extui %sign3A_6 : i1 to i32
    %sign3A_8 = arith.constant 0 : i32
    %sign3A_9 = arith.cmpi slt, %sub3A_5, %sign3A_8 : i32
    %sign3A_10 = arith.extui %sign3A_9 : i1 to i32
    %sign3A_11 = arith.subi %sign3A_7, %sign3A_10 : i32
    %sign3A_12 = arith.constant 0 : i32
    %sign3A_13 = arith.cmpi sgt, %jit3A, %sign3A_12 : i32
    %sign3A_14 = arith.extui %sign3A_13 : i1 to i32
    %sign3A_15 = arith.constant 0 : i32
    %sign3A_16 = arith.cmpi slt, %jit3A, %sign3A_15 : i32
    %sign3A_17 = arith.extui %sign3A_16 : i1 to i32
    %sign3A_18 = arith.subi %sign3A_14, %sign3A_17 : i32
    %ne3A = arith.cmpi ne, %sign3A_11, %sign3A_18 : i32
    %rem3A = arith.remsi %sub3A_5, %jit3A : i32
    %ne3A_19 = arith.constant 0 : i32
    %ne3A_20 = arith.cmpi ne, %rem3A, %ne3A_19 : i32
    %and3A = arith.andi %ne3A, %ne3A_20 : i1
    %sub3A_21 = arith.constant 1 : i32
    %sub3A_22 = arith.subi %div3A, %sub3A_21 : i32
    %select_n3A = arith.select %and3A, %sub3A_22, %div3A : i32
    %while3A = arith.constant 0 : i32
    %while3A_23 = arith.constant 0 : i32
    %while3A_24 = arith.subi %select_n3A, %while3A_23 : i32
    %while3A_25 = arith.addi %while3A_23, %while3A_24 : i32
    %while3A_26 = arith.constant 1 : i32
    %while3A_27 = arith.divsi %while3A_24, %while3A_26 : i32
    %while3A_28 = arith.muli %while3A_27, %while3A_26 : i32
    %while3A_29 = arith.addi %while3A_23, %while3A_28 : i32
    %while3A_30 = arith.constant 1 : i32
    scf.for %while3A_48 = %while3A_23 to %while3A_29 step %while3A_30  : i32 {
      %mul3A_49 = arith.constant 16 : i32
      %mul3A_50 = arith.muli %while3A_48, %mul3A_49 : i32
      %add3A_51 = arith.addi %arg1, %mul3A_50 : i32
      %mul3A_52 = arith.constant 80 : i32
      %mul3A_53 = arith.muli %add3A_51, %mul3A_52 : i32
      "tpu.region"() ({
        %run_scoped3A = tpu.sem_alloc : memref<!tpu.dma_semaphore, #tpu.memory_space<semaphore_mem>>
        %dma_start3A = arith.constant 0 : i32
        %dma_start3A_54 = tpu.memref_slice %arg8[%mul3A_53, %dma_start3A] : memref<10000x128xf32, #tpu.memory_space<vmem_shared>> -> memref<80x128xf32, #tpu.memory_space<vmem_shared>>
        %dma_start3A_55 = arith.constant 0 : i32
        %dma_start3A_56 = tpu.memref_slice %arg8[%mul3A_53, %dma_start3A_55] : memref<10000x128xf32, #tpu.memory_space<vmem_shared>> -> memref<80x128xf32, #tpu.memory_space<vmem_shared>>
        tpu.enqueue_dma source(%arg7 : memref<80x128xf32, #tpu.memory_space<vmem>>) target(%dma_start3A_56 : memref<80x128xf32, #tpu.memory_space<vmem_shared>>) target_semaphore(%run_scoped3A : memref<!tpu.dma_semaphore, #tpu.memory_space<semaphore_mem>>)
        %dma_wait3A = arith.constant 0 : i32
        %dma_wait3A_57 = tpu.memref_slice %arg8[%mul3A_53, %dma_wait3A] : memref<10000x128xf32, #tpu.memory_space<vmem_shared>> -> memref<80x128xf32, #tpu.memory_space<vmem_shared>>
        %dma_wait3A_58 = arith.constant 0 : i32
        %dma_wait3A_59 = tpu.memref_slice %arg8[%mul3A_53, %dma_wait3A_58] : memref<10000x128xf32, #tpu.memory_space<vmem_shared>> -> memref<80x128xf32, #tpu.memory_space<vmem_shared>>
        tpu.wait_dma2 semaphore(%run_scoped3A : memref<!tpu.dma_semaphore, #tpu.memory_space<semaphore_mem>>) src(%arg7 : memref<80x128xf32, #tpu.memory_space<vmem>>) dst(%dma_wait3A_59 : memref<80x128xf32, #tpu.memory_space<vmem_shared>>)
        tpu.yield
      }) : () -> ()
    }
    %while3A_31 = arith.constant 1 : i32
    scf.for %while3A_48 = %while3A_29 to %while3A_25 step %while3A_31  : i32 {
      %mul3A_49 = arith.constant 16 : i32
      %mul3A_50 = arith.muli %while3A_48, %mul3A_49 : i32
      %add3A_51 = arith.addi %arg1, %mul3A_50 : i32
      %mul3A_52 = arith.constant 80 : i32
      %mul3A_53 = arith.muli %add3A_51, %mul3A_52 : i32
      "tpu.region"() ({
        %run_scoped3A = tpu.sem_alloc : memref<!tpu.dma_semaphore, #tpu.memory_space<semaphore_mem>>
        %dma_start3A = arith.constant 0 : i32
        %dma_start3A_54 = tpu.memref_slice %arg8[%mul3A_53, %dma_start3A] : memref<10000x128xf32, #tpu.memory_space<vmem_shared>> -> memref<80x128xf32, #tpu.memory_space<vmem_shared>>
        %dma_start3A_55 = arith.constant 0 : i32
        %dma_start3A_56 = tpu.memref_slice %arg8[%mul3A_53, %dma_start3A_55] : memref<10000x128xf32, #tpu.memory_space<vmem_shared>> -> memref<80x128xf32, #tpu.memory_space<vmem_shared>>
        tpu.enqueue_dma source(%arg7 : memref<80x128xf32, #tpu.memory_space<vmem>>) target(%dma_start3A_56 : memref<80x128xf32, #tpu.memory_space<vmem_shared>>) target_semaphore(%run_scoped3A : memref<!tpu.dma_semaphore, #tpu.memory_space<semaphore_mem>>)
        %dma_wait3A = arith.constant 0 : i32
        %dma_wait3A_57 = tpu.memref_slice %arg8[%mul3A_53, %dma_wait3A] : memref<10000x128xf32, #tpu.memory_space<vmem_shared>> -> memref<80x128xf32, #tpu.memory_space<vmem_shared>>
        %dma_wait3A_58 = arith.constant 0 : i32
        %dma_wait3A_59 = tpu.memref_slice %arg8[%mul3A_53, %dma_wait3A_58] : memref<10000x128xf32, #tpu.memory_space<vmem_shared>> -> memref<80x128xf32, #tpu.memory_space<vmem_shared>>
        tpu.wait_dma2 semaphore(%run_scoped3A : memref<!tpu.dma_semaphore, #tpu.memory_space<semaphore_mem>>) src(%arg7 : memref<80x128xf32, #tpu.memory_space<vmem>>) dst(%dma_wait3A_59 : memref<80x128xf32, #tpu.memory_space<vmem_shared>>)
        tpu.yield
      }) : () -> ()
    }
    "tpu.region"() ({
      %run_scoped3A = tpu.sem_alloc : memref<!tpu.dma_semaphore, #tpu.memory_space<semaphore_mem>>
      tpu.enqueue_dma source(%arg4 : memref<80x128xf32, #tpu.memory_space<hbm>>) target(%arg7 : memref<80x128xf32, #tpu.memory_space<vmem>>) target_semaphore(%run_scoped3A : memref<!tpu.dma_semaphore, #tpu.memory_space<semaphore_mem>>)
      tpu.wait_dma2 semaphore(%run_scoped3A : memref<!tpu.dma_semaphore, #tpu.memory_space<semaphore_mem>>) src(%arg4 : memref<80x128xf32, #tpu.memory_space<hbm>>) dst(%arg7 : memref<80x128xf32, #tpu.memory_space<vmem>>)
      tpu.yield
    }) : () -> ()
    %barrier3A = arith.constant 0 : index
    tpu.barrier barrier_id(%barrier3A)
    %scan3A = arith.constant 0 : i32
    %scan3A_32 = arith.constant 0 : i32
    %scan3A_33 = arith.constant 125 : i32
    %scan3A_34 = arith.addi %scan3A_32, %scan3A_33 : i32
    %scan3A_35 = arith.constant 1 : i32
    scf.for %scan3A_48 = %scan3A_32 to %scan3A_34 step %scan3A_35  : i32 {
      "tpu.region"() ({
        %run_scoped3A = tpu.sem_alloc : memref<!tpu.dma_semaphore, #tpu.memory_space<semaphore_mem>>
        %dma_start3A = arith.constant 0 : i32
        %dma_start3A_49 = tpu.memref_slice %arg6[%scan3A_48, %dma_start3A] : memref<125x80xi32, #tpu.memory_space<vmem>> -> memref<1x80xi32, #tpu.memory_space<vmem>>
        %dma_start3A_50 = tpu.memref_squeeze %dma_start3A_49 : memref<1x80xi32, #tpu.memory_space<vmem>> -> memref<80xi32, #tpu.memory_space<vmem>>
        %dma_start3A_51 = arith.constant 0 : i32
        %dma_start3A_52 = arith.constant 0 : i32
        %dma_start3A_53 = tpu.memref_slice %arg8[%dma_start3A_51, %dma_start3A_52] : memref<10000x128xf32, #tpu.memory_space<vmem_shared>> -> memref<10000x128xf32, #tpu.memory_space<vmem_shared>>
        tpu.enqueue_indirect_dma source(%arg7 : memref<80x128xf32, #tpu.memory_space<vmem>>) target(%dma_start3A_53 : memref<10000x128xf32, #tpu.memory_space<vmem_shared>>) offsets(%dma_start3A_50 : memref<80xi32, #tpu.memory_space<vmem>>) semaphore(%run_scoped3A : memref<!tpu.dma_semaphore, #tpu.memory_space<semaphore_mem>>) {add = true}
        %dma_wait3A = arith.constant 0 : i32
        %dma_wait3A_54 = tpu.memref_slice %arg6[%scan3A_48, %dma_wait3A] : memref<125x80xi32, #tpu.memory_space<vmem>> -> memref<1x80xi32, #tpu.memory_space<vmem>>
        %dma_wait3A_55 = tpu.memref_squeeze %dma_wait3A_54 : memref<1x80xi32, #tpu.memory_space<vmem>> -> memref<80xi32, #tpu.memory_space<vmem>>
        %dma_wait3A_56 = arith.constant 0 : i32
        %dma_wait3A_57 = arith.constant 0 : i32
        %dma_wait3A_58 = tpu.memref_slice %arg8[%dma_wait3A_56, %dma_wait3A_57] : memref<10000x128xf32, #tpu.memory_space<vmem_shared>> -> memref<10000x128xf32, #tpu.memory_space<vmem_shared>>
        tpu.wait_indirect_dma semaphore(%run_scoped3A : memref<!tpu.dma_semaphore, #tpu.memory_space<semaphore_mem>>) src(%arg7 : memref<80x128xf32, #tpu.memory_space<vmem>>) dst(%dma_wait3A_58 : memref<10000x128xf32, #tpu.memory_space<vmem_shared>>)
        tpu.yield
      }) : () -> ()
    }
    %scan3A_36 = arith.constant 125 : i32
    %barrier3A_37 = arith.constant 0 : index
    tpu.barrier barrier_id(%barrier3A_37)
    %while3A_38 = arith.constant 0 : i32
    %while3A_39 = arith.constant 0 : i32
    %while3A_40 = arith.subi %select_n3A, %while3A_39 : i32
    %while3A_41 = arith.addi %while3A_39, %while3A_40 : i32
    %while3A_42 = arith.constant 1 : i32
    %while3A_43 = arith.divsi %while3A_40, %while3A_42 : i32
    %while3A_44 = arith.muli %while3A_43, %while3A_42 : i32
    %while3A_45 = arith.addi %while3A_39, %while3A_44 : i32
    %while3A_46 = arith.constant 1 : i32
    scf.for %while3A_48 = %while3A_39 to %while3A_45 step %while3A_46  : i32 {
      %mul3A_49 = arith.constant 16 : i32
      %mul3A_50 = arith.muli %while3A_48, %mul3A_49 : i32
      %add3A_51 = arith.addi %arg1, %mul3A_50 : i32
      %mul3A_52 = arith.constant 80 : i32
      %mul3A_53 = arith.muli %add3A_51, %mul3A_52 : i32
      "tpu.region"() ({
        %run_scoped3A = tpu.sem_alloc : memref<!tpu.dma_semaphore, #tpu.memory_space<semaphore_mem>>
        %dma_start3A = arith.constant 0 : i32
        %dma_start3A_54 = tpu.memref_slice %arg8[%mul3A_53, %dma_start3A] : memref<10000x128xf32, #tpu.memory_space<vmem_shared>> -> memref<80x128xf32, #tpu.memory_space<vmem_shared>>
        %dma_start3A_55 = arith.constant 0 : i32
        %dma_start3A_56 = tpu.memref_slice %arg8[%mul3A_53, %dma_start3A_55] : memref<10000x128xf32, #tpu.memory_space<vmem_shared>> -> memref<80x128xf32, #tpu.memory_space<vmem_shared>>
        tpu.enqueue_dma source(%dma_start3A_56 : memref<80x128xf32, #tpu.memory_space<vmem_shared>>) target(%arg7 : memref<80x128xf32, #tpu.memory_space<vmem>>) target_semaphore(%run_scoped3A : memref<!tpu.dma_semaphore, #tpu.memory_space<semaphore_mem>>)
        %dma_wait3A = arith.constant 0 : i32
        %dma_wait3A_57 = tpu.memref_slice %arg8[%mul3A_53, %dma_wait3A] : memref<10000x128xf32, #tpu.memory_space<vmem_shared>> -> memref<80x128xf32, #tpu.memory_space<vmem_shared>>
        %dma_wait3A_58 = arith.constant 0 : i32
        %dma_wait3A_59 = tpu.memref_slice %arg8[%mul3A_53, %dma_wait3A_58] : memref<10000x128xf32, #tpu.memory_space<vmem_shared>> -> memref<80x128xf32, #tpu.memory_space<vmem_shared>>
        tpu.wait_dma2 semaphore(%run_scoped3A : memref<!tpu.dma_semaphore, #tpu.memory_space<semaphore_mem>>) src(%dma_wait3A_59 : memref<80x128xf32, #tpu.memory_space<vmem_shared>>) dst(%arg7 : memref<80x128xf32, #tpu.memory_space<vmem>>)
        tpu.yield
      }) : () -> ()
      "tpu.region"() ({
        %run_scoped3A = tpu.sem_alloc : memref<!tpu.dma_semaphore, #tpu.memory_space<semaphore_mem>>
        %dma_start3A = arith.constant 0 : i32
        %dma_start3A_54 = tpu.memref_slice %arg5[%arg0, %mul3A_53, %dma_start3A] : memref<2x10000x128xf32, #tpu.memory_space<hbm>> -> memref<1x80x128xf32, #tpu.memory_space<hbm>>
        %dma_start3A_55 = tpu.memref_squeeze %dma_start3A_54 : memref<1x80x128xf32, #tpu.memory_space<hbm>> -> memref<80x128xf32, #tpu.memory_space<hbm>>
        %dma_start3A_56 = arith.constant 0 : i32
        %dma_start3A_57 = tpu.memref_slice %arg5[%arg0, %mul3A_53, %dma_start3A_56] : memref<2x10000x128xf32, #tpu.memory_space<hbm>> -> memref<1x80x128xf32, #tpu.memory_space<hbm>>
        %dma_start3A_58 = tpu.memref_squeeze %dma_start3A_57 : memref<1x80x128xf32, #tpu.memory_space<hbm>> -> memref<80x128xf32, #tpu.memory_space<hbm>>
        tpu.enqueue_dma source(%arg7 : memref<80x128xf32, #tpu.memory_space<vmem>>) target(%dma_start3A_58 : memref<80x128xf32, #tpu.memory_space<hbm>>) target_semaphore(%run_scoped3A : memref<!tpu.dma_semaphore, #tpu.memory_space<semaphore_mem>>)
        %dma_wait3A = arith.constant 0 : i32
        %dma_wait3A_59 = tpu.memref_slice %arg5[%arg0, %mul3A_53, %dma_wait3A] : memref<2x10000x128xf32, #tpu.memory_space<hbm>> -> memref<1x80x128xf32, #tpu.memory_space<hbm>>
        %dma_wait3A_60 = tpu.memref_squeeze %dma_wait3A_59 : memref<1x80x128xf32, #tpu.memory_space<hbm>> -> memref<80x128xf32, #tpu.memory_space<hbm>>
        %dma_wait3A_61 = arith.constant 0 : i32
        %dma_wait3A_62 = tpu.memref_slice %arg5[%arg0, %mul3A_53, %dma_wait3A_61] : memref<2x10000x128xf32, #tpu.memory_space<hbm>> -> memref<1x80x128xf32, #tpu.memory_space<hbm>>
        %dma_wait3A_63 = tpu.memref_squeeze %dma_wait3A_62 : memref<1x80x128xf32, #tpu.memory_space<hbm>> -> memref<80x128xf32, #tpu.memory_space<hbm>>
        tpu.wait_dma2 semaphore(%run_scoped3A : memref<!tpu.dma_semaphore, #tpu.memory_space<semaphore_mem>>) src(%arg7 : memref<80x128xf32, #tpu.memory_space<vmem>>) dst(%dma_wait3A_63 : memref<80x128xf32, #tpu.memory_space<hbm>>)
        tpu.yield
      }) : () -> ()
    }
    %while3A_47 = arith.constant 1 : i32
    scf.for %while3A_48 = %while3A_45 to %while3A_41 step %while3A_47  : i32 {
      %mul3A_49 = arith.constant 16 : i32
      %mul3A_50 = arith.muli %while3A_48, %mul3A_49 : i32
      %add3A_51 = arith.addi %arg1, %mul3A_50 : i32
      %mul3A_52 = arith.constant 80 : i32
      %mul3A_53 = arith.muli %add3A_51, %mul3A_52 : i32
      "tpu.region"() ({
        %run_scoped3A = tpu.sem_alloc : memref<!tpu.dma_semaphore, #tpu.memory_space<semaphore_mem>>
        %dma_start3A = arith.constant 0 : i32
        %dma_start3A_54 = tpu.memref_slice %arg8[%mul3A_53, %dma_start3A] : memref<10000x128xf32, #tpu.memory_space<vmem_shared>> -> memref<80x128xf32, #tpu.memory_space<vmem_shared>>
        %dma_start3A_55 = arith.constant 0 : i32
        %dma_start3A_56 = tpu.memref_slice %arg8[%mul3A_53, %dma_start3A_55] : memref<10000x128xf32, #tpu.memory_space<vmem_shared>> -> memref<80x128xf32, #tpu.memory_space<vmem_shared>>
        tpu.enqueue_dma source(%dma_start3A_56 : memref<80x128xf32, #tpu.memory_space<vmem_shared>>) target(%arg7 : memref<80x128xf32, #tpu.memory_space<vmem>>) target_semaphore(%run_scoped3A : memref<!tpu.dma_semaphore, #tpu.memory_space<semaphore_mem>>)
        %dma_wait3A = arith.constant 0 : i32
        %dma_wait3A_57 = tpu.memref_slice %arg8[%mul3A_53, %dma_wait3A] : memref<10000x128xf32, #tpu.memory_space<vmem_shared>> -> memref<80x128xf32, #tpu.memory_space<vmem_shared>>
        %dma_wait3A_58 = arith.constant 0 : i32
        %dma_wait3A_59 = tpu.memref_slice %arg8[%mul3A_53, %dma_wait3A_58] : memref<10000x128xf32, #tpu.memory_space<vmem_shared>> -> memref<80x128xf32, #tpu.memory_space<vmem_shared>>
        tpu.wait_dma2 semaphore(%run_scoped3A : memref<!tpu.dma_semaphore, #tpu.memory_space<semaphore_mem>>) src(%dma_wait3A_59 : memref<80x128xf32, #tpu.memory_space<vmem_shared>>) dst(%arg7 : memref<80x128xf32, #tpu.memory_space<vmem>>)
        tpu.yield
      }) : () -> ()
      "tpu.region"() ({
        %run_scoped3A = tpu.sem_alloc : memref<!tpu.dma_semaphore, #tpu.memory_space<semaphore_mem>>
        %dma_start3A = arith.constant 0 : i32
        %dma_start3A_54 = tpu.memref_slice %arg5[%arg0, %mul3A_53, %dma_start3A] : memref<2x10000x128xf32, #tpu.memory_space<hbm>> -> memref<1x80x128xf32, #tpu.memory_space<hbm>>
        %dma_start3A_55 = tpu.memref_squeeze %dma_start3A_54 : memref<1x80x128xf32, #tpu.memory_space<hbm>> -> memref<80x128xf32, #tpu.memory_space<hbm>>
        %dma_start3A_56 = arith.constant 0 : i32
        %dma_start3A_57 = tpu.memref_slice %arg5[%arg0, %mul3A_53, %dma_start3A_56] : memref<2x10000x128xf32, #tpu.memory_space<hbm>> -> memref<1x80x128xf32, #tpu.memory_space<hbm>>
        %dma_start3A_58 = tpu.memref_squeeze %dma_start3A_57 : memref<1x80x128xf32, #tpu.memory_space<hbm>> -> memref<80x128xf32, #tpu.memory_space<hbm>>
        tpu.enqueue_dma source(%arg7 : memref<80x128xf32, #tpu.memory_space<vmem>>) target(%dma_start3A_58 : memref<80x128xf32, #tpu.memory_space<hbm>>) target_semaphore(%run_scoped3A : memref<!tpu.dma_semaphore, #tpu.memory_space<semaphore_mem>>)
        %dma_wait3A = arith.constant 0 : i32
        %dma_wait3A_59 = tpu.memref_slice %arg5[%arg0, %mul3A_53, %dma_wait3A] : memref<2x10000x128xf32, #tpu.memory_space<hbm>> -> memref<1x80x128xf32, #tpu.memory_space<hbm>>
        %dma_wait3A_60 = tpu.memref_squeeze %dma_wait3A_59 : memref<1x80x128xf32, #tpu.memory_space<hbm>> -> memref<80x128xf32, #tpu.memory_space<hbm>>
        %dma_wait3A_61 = arith.constant 0 : i32
        %dma_wait3A_62 = tpu.memref_slice %arg5[%arg0, %mul3A_53, %dma_wait3A_61] : memref<2x10000x128xf32, #tpu.memory_space<hbm>> -> memref<1x80x128xf32, #tpu.memory_space<hbm>>
        %dma_wait3A_63 = tpu.memref_squeeze %dma_wait3A_62 : memref<1x80x128xf32, #tpu.memory_space<hbm>> -> memref<80x128xf32, #tpu.memory_space<hbm>>
        tpu.wait_dma2 semaphore(%run_scoped3A : memref<!tpu.dma_semaphore, #tpu.memory_space<semaphore_mem>>) src(%arg7 : memref<80x128xf32, #tpu.memory_space<vmem>>) dst(%dma_wait3A_63 : memref<80x128xf32, #tpu.memory_space<hbm>>)
        tpu.yield
      }) : () -> ()
    }
    return
  }
}

#map = affine_map<(d0, d1) -> (0, 0)>
#map1 = affine_map<(d0, d1) -> (0)>
#map2 = affine_map<(d0, d1) -> (0, 0, 0)>
module attributes {stable_mosaic.version = 14 : i64} {
  func.func @body(%arg0: i32, %arg1: i32, %arg2: memref<10000x128xf32, #tpu.memory_space<hbm>>, %arg3: memref<320000xi32, #tpu.memory_space<hbm>>, %arg4: memref<32x125x80xi32, #tpu.memory_space<hbm>>, %arg5: memref<80x128xf32, #tpu.memory_space<hbm>>, %arg6: memref<2x10000x128xf32, #tpu.memory_space<hbm>>, %arg7: memref<10000xi32, #tpu.memory_space<vmem>>, %arg8: memref<125x80xi32, #tpu.memory_space<vmem>>, %arg9: memref<80x128xf32, #tpu.memory_space<vmem>>, %arg10: memref<10000x128xf32, #tpu.memory_space<vmem_shared>>, %arg11: memref<!tpu.dma_semaphore, #tpu.memory_space<semaphore_mem>>, %arg12: memref<80x128xf32, #tpu.memory_space<vmem>>, %arg13: memref<!tpu.dma_semaphore, #tpu.memory_space<semaphore_mem>>, %arg14: memref<!tpu.dma_semaphore, #tpu.memory_space<semaphore_mem>>, %arg15: memref<!tpu.dma_semaphore, #tpu.memory_space<semaphore_mem>>) attributes {dimension_semantics = [#tpu.dimension_semantics<core_parallel>, #tpu.dimension_semantics<subcore_parallel>], iteration_bounds = array<i64: 2, 16>, scalar_prefetch = 0 : i64, scratch_operands = 9 : i64, tpu.core_type = #tpu.core_type<sc_vector_subcore>, window_params = [{transform_indices = #map}, {transform_indices = #map1}, {transform_indices = #map2}, {transform_indices = #map}, {transform_indices = #map2}]} {
    %mul3A = arith.constant 2 : i32
    %mul3A_0 = arith.muli %arg1, %mul3A : i32
    %add3A = arith.addi %mul3A_0, %arg0 : i32
    %mul3A_1 = arith.constant 10000 : i32
    %mul3A_2 = arith.muli %add3A, %mul3A_1 : i32
    "tpu.region"() ({
      %run_scoped3A_65 = tpu.sem_alloc : memref<!tpu.dma_semaphore, #tpu.memory_space<semaphore_mem>>
      %dma_start3A_66 = tpu.memref_slice %arg3[%mul3A_2] : memref<320000xi32, #tpu.memory_space<hbm>> -> memref<10000xi32, #tpu.memory_space<hbm>>
      %dma_start3A_67 = tpu.memref_slice %arg3[%mul3A_2] : memref<320000xi32, #tpu.memory_space<hbm>> -> memref<10000xi32, #tpu.memory_space<hbm>>
      tpu.enqueue_dma source(%dma_start3A_67 : memref<10000xi32, #tpu.memory_space<hbm>>) target(%arg7 : memref<10000xi32, #tpu.memory_space<vmem>>) target_semaphore(%run_scoped3A_65 : memref<!tpu.dma_semaphore, #tpu.memory_space<semaphore_mem>>)
      %dma_wait3A_68 = tpu.memref_slice %arg3[%mul3A_2] : memref<320000xi32, #tpu.memory_space<hbm>> -> memref<10000xi32, #tpu.memory_space<hbm>>
      %dma_wait3A_69 = tpu.memref_slice %arg3[%mul3A_2] : memref<320000xi32, #tpu.memory_space<hbm>> -> memref<10000xi32, #tpu.memory_space<hbm>>
      tpu.wait_dma2 semaphore(%run_scoped3A_65 : memref<!tpu.dma_semaphore, #tpu.memory_space<semaphore_mem>>) src(%dma_wait3A_69 : memref<10000xi32, #tpu.memory_space<hbm>>) dst(%arg7 : memref<10000xi32, #tpu.memory_space<vmem>>)
      tpu.yield
    }) : () -> ()
    "tpu.region"() ({
      %run_scoped3A_65 = tpu.sem_alloc : memref<!tpu.dma_semaphore, #tpu.memory_space<semaphore_mem>>
      %dma_start3A_66 = arith.constant 0 : i32
      %dma_start3A_67 = arith.constant 0 : i32
      %dma_start3A_68 = tpu.memref_slice %arg4[%add3A, %dma_start3A_66, %dma_start3A_67] : memref<32x125x80xi32, #tpu.memory_space<hbm>> -> memref<1x125x80xi32, #tpu.memory_space<hbm>>
      %dma_start3A_69 = tpu.memref_squeeze %dma_start3A_68 : memref<1x125x80xi32, #tpu.memory_space<hbm>> -> memref<125x80xi32, #tpu.memory_space<hbm>>
      %dma_start3A_70 = arith.constant 0 : i32
      %dma_start3A_71 = arith.constant 0 : i32
      %dma_start3A_72 = tpu.memref_slice %arg4[%add3A, %dma_start3A_70, %dma_start3A_71] : memref<32x125x80xi32, #tpu.memory_space<hbm>> -> memref<1x125x80xi32, #tpu.memory_space<hbm>>
      %dma_start3A_73 = tpu.memref_squeeze %dma_start3A_72 : memref<1x125x80xi32, #tpu.memory_space<hbm>> -> memref<125x80xi32, #tpu.memory_space<hbm>>
      tpu.enqueue_dma source(%dma_start3A_73 : memref<125x80xi32, #tpu.memory_space<hbm>>) target(%arg8 : memref<125x80xi32, #tpu.memory_space<vmem>>) target_semaphore(%run_scoped3A_65 : memref<!tpu.dma_semaphore, #tpu.memory_space<semaphore_mem>>)
      %dma_wait3A_74 = arith.constant 0 : i32
      %dma_wait3A_75 = arith.constant 0 : i32
      %dma_wait3A_76 = tpu.memref_slice %arg4[%add3A, %dma_wait3A_74, %dma_wait3A_75] : memref<32x125x80xi32, #tpu.memory_space<hbm>> -> memref<1x125x80xi32, #tpu.memory_space<hbm>>
      %dma_wait3A_77 = tpu.memref_squeeze %dma_wait3A_76 : memref<1x125x80xi32, #tpu.memory_space<hbm>> -> memref<125x80xi32, #tpu.memory_space<hbm>>
      %dma_wait3A_78 = arith.constant 0 : i32
      %dma_wait3A_79 = arith.constant 0 : i32
      %dma_wait3A_80 = tpu.memref_slice %arg4[%add3A, %dma_wait3A_78, %dma_wait3A_79] : memref<32x125x80xi32, #tpu.memory_space<hbm>> -> memref<1x125x80xi32, #tpu.memory_space<hbm>>
      %dma_wait3A_81 = tpu.memref_squeeze %dma_wait3A_80 : memref<1x125x80xi32, #tpu.memory_space<hbm>> -> memref<125x80xi32, #tpu.memory_space<hbm>>
      tpu.wait_dma2 semaphore(%run_scoped3A_65 : memref<!tpu.dma_semaphore, #tpu.memory_space<semaphore_mem>>) src(%dma_wait3A_81 : memref<125x80xi32, #tpu.memory_space<hbm>>) dst(%arg8 : memref<125x80xi32, #tpu.memory_space<vmem>>)
      tpu.yield
    }) : () -> ()
    "tpu.region"() ({
      %run_scoped3A_65 = tpu.sem_alloc : memref<!tpu.dma_semaphore, #tpu.memory_space<semaphore_mem>>
      tpu.enqueue_dma source(%arg5 : memref<80x128xf32, #tpu.memory_space<hbm>>) target(%arg9 : memref<80x128xf32, #tpu.memory_space<vmem>>) target_semaphore(%run_scoped3A_65 : memref<!tpu.dma_semaphore, #tpu.memory_space<semaphore_mem>>)
      tpu.wait_dma2 semaphore(%run_scoped3A_65 : memref<!tpu.dma_semaphore, #tpu.memory_space<semaphore_mem>>) src(%arg5 : memref<80x128xf32, #tpu.memory_space<hbm>>) dst(%arg9 : memref<80x128xf32, #tpu.memory_space<vmem>>)
      tpu.yield
    }) : () -> ()
    %sub3A = arith.constant 125 : i32
    %sub3A_3 = arith.subi %sub3A, %arg1 : i32
    %add3A_4 = arith.constant 16 : i32
    %add3A_5 = arith.addi %sub3A_3, %add3A_4 : i32
    %sub3A_6 = arith.constant 1 : i32
    %sub3A_7 = arith.subi %add3A_5, %sub3A_6 : i32
    %jit3A = arith.constant 16 : i32
    %div3A = arith.divsi %sub3A_7, %jit3A : i32
    %sign3A = arith.constant 0 : i32
    %sign3A_8 = arith.cmpi sgt, %sub3A_7, %sign3A : i32
    %sign3A_9 = arith.extui %sign3A_8 : i1 to i32
    %sign3A_10 = arith.constant 0 : i32
    %sign3A_11 = arith.cmpi slt, %sub3A_7, %sign3A_10 : i32
    %sign3A_12 = arith.extui %sign3A_11 : i1 to i32
    %sign3A_13 = arith.subi %sign3A_9, %sign3A_12 : i32
    %sign3A_14 = arith.constant 0 : i32
    %sign3A_15 = arith.cmpi sgt, %jit3A, %sign3A_14 : i32
    %sign3A_16 = arith.extui %sign3A_15 : i1 to i32
    %sign3A_17 = arith.constant 0 : i32
    %sign3A_18 = arith.cmpi slt, %jit3A, %sign3A_17 : i32
    %sign3A_19 = arith.extui %sign3A_18 : i1 to i32
    %sign3A_20 = arith.subi %sign3A_16, %sign3A_19 : i32
    %ne3A = arith.cmpi ne, %sign3A_13, %sign3A_20 : i32
    %rem3A = arith.remsi %sub3A_7, %jit3A : i32
    %ne3A_21 = arith.constant 0 : i32
    %ne3A_22 = arith.cmpi ne, %rem3A, %ne3A_21 : i32
    %and3A = arith.andi %ne3A, %ne3A_22 : i1
    %sub3A_23 = arith.constant 1 : i32
    %sub3A_24 = arith.subi %div3A, %sub3A_23 : i32
    %select_n3A = arith.select %and3A, %sub3A_24, %div3A : i32
    %while3A = arith.constant 0 : i32
    %while3A_25 = arith.constant 0 : i32
    %while3A_26 = arith.subi %select_n3A, %while3A_25 : i32
    %while3A_27 = arith.addi %while3A_25, %while3A_26 : i32
    %while3A_28 = arith.constant 1 : i32
    %while3A_29 = arith.divsi %while3A_26, %while3A_28 : i32
    %while3A_30 = arith.muli %while3A_29, %while3A_28 : i32
    %while3A_31 = arith.addi %while3A_25, %while3A_30 : i32
    %while3A_32 = arith.constant 1 : i32
    scf.for %while3A_65 = %while3A_25 to %while3A_31 step %while3A_32  : i32 {
      %mul3A_66 = arith.constant 16 : i32
      %mul3A_67 = arith.muli %while3A_65, %mul3A_66 : i32
      %add3A_68 = arith.addi %arg1, %mul3A_67 : i32
      %mul3A_69 = arith.constant 80 : i32
      %mul3A_70 = arith.muli %add3A_68, %mul3A_69 : i32
      "tpu.region"() ({
        %run_scoped3A_71 = tpu.sem_alloc : memref<!tpu.dma_semaphore, #tpu.memory_space<semaphore_mem>>
        %dma_start3A_72 = arith.constant 0 : i32
        %dma_start3A_73 = tpu.memref_slice %arg10[%mul3A_70, %dma_start3A_72] : memref<10000x128xf32, #tpu.memory_space<vmem_shared>> -> memref<80x128xf32, #tpu.memory_space<vmem_shared>>
        %dma_start3A_74 = arith.constant 0 : i32
        %dma_start3A_75 = tpu.memref_slice %arg10[%mul3A_70, %dma_start3A_74] : memref<10000x128xf32, #tpu.memory_space<vmem_shared>> -> memref<80x128xf32, #tpu.memory_space<vmem_shared>>
        tpu.enqueue_dma source(%arg9 : memref<80x128xf32, #tpu.memory_space<vmem>>) target(%dma_start3A_75 : memref<80x128xf32, #tpu.memory_space<vmem_shared>>) target_semaphore(%run_scoped3A_71 : memref<!tpu.dma_semaphore, #tpu.memory_space<semaphore_mem>>)
        %dma_wait3A_76 = arith.constant 0 : i32
        %dma_wait3A_77 = tpu.memref_slice %arg10[%mul3A_70, %dma_wait3A_76] : memref<10000x128xf32, #tpu.memory_space<vmem_shared>> -> memref<80x128xf32, #tpu.memory_space<vmem_shared>>
        %dma_wait3A_78 = arith.constant 0 : i32
        %dma_wait3A_79 = tpu.memref_slice %arg10[%mul3A_70, %dma_wait3A_78] : memref<10000x128xf32, #tpu.memory_space<vmem_shared>> -> memref<80x128xf32, #tpu.memory_space<vmem_shared>>
        tpu.wait_dma2 semaphore(%run_scoped3A_71 : memref<!tpu.dma_semaphore, #tpu.memory_space<semaphore_mem>>) src(%arg9 : memref<80x128xf32, #tpu.memory_space<vmem>>) dst(%dma_wait3A_79 : memref<80x128xf32, #tpu.memory_space<vmem_shared>>)
        tpu.yield
      }) : () -> ()
    }
    %while3A_33 = arith.constant 1 : i32
    scf.for %while3A_65 = %while3A_31 to %while3A_27 step %while3A_33  : i32 {
      %mul3A_66 = arith.constant 16 : i32
      %mul3A_67 = arith.muli %while3A_65, %mul3A_66 : i32
      %add3A_68 = arith.addi %arg1, %mul3A_67 : i32
      %mul3A_69 = arith.constant 80 : i32
      %mul3A_70 = arith.muli %add3A_68, %mul3A_69 : i32
      "tpu.region"() ({
        %run_scoped3A_71 = tpu.sem_alloc : memref<!tpu.dma_semaphore, #tpu.memory_space<semaphore_mem>>
        %dma_start3A_72 = arith.constant 0 : i32
        %dma_start3A_73 = tpu.memref_slice %arg10[%mul3A_70, %dma_start3A_72] : memref<10000x128xf32, #tpu.memory_space<vmem_shared>> -> memref<80x128xf32, #tpu.memory_space<vmem_shared>>
        %dma_start3A_74 = arith.constant 0 : i32
        %dma_start3A_75 = tpu.memref_slice %arg10[%mul3A_70, %dma_start3A_74] : memref<10000x128xf32, #tpu.memory_space<vmem_shared>> -> memref<80x128xf32, #tpu.memory_space<vmem_shared>>
        tpu.enqueue_dma source(%arg9 : memref<80x128xf32, #tpu.memory_space<vmem>>) target(%dma_start3A_75 : memref<80x128xf32, #tpu.memory_space<vmem_shared>>) target_semaphore(%run_scoped3A_71 : memref<!tpu.dma_semaphore, #tpu.memory_space<semaphore_mem>>)
        %dma_wait3A_76 = arith.constant 0 : i32
        %dma_wait3A_77 = tpu.memref_slice %arg10[%mul3A_70, %dma_wait3A_76] : memref<10000x128xf32, #tpu.memory_space<vmem_shared>> -> memref<80x128xf32, #tpu.memory_space<vmem_shared>>
        %dma_wait3A_78 = arith.constant 0 : i32
        %dma_wait3A_79 = tpu.memref_slice %arg10[%mul3A_70, %dma_wait3A_78] : memref<10000x128xf32, #tpu.memory_space<vmem_shared>> -> memref<80x128xf32, #tpu.memory_space<vmem_shared>>
        tpu.wait_dma2 semaphore(%run_scoped3A_71 : memref<!tpu.dma_semaphore, #tpu.memory_space<semaphore_mem>>) src(%arg9 : memref<80x128xf32, #tpu.memory_space<vmem>>) dst(%dma_wait3A_79 : memref<80x128xf32, #tpu.memory_space<vmem_shared>>)
        tpu.yield
      }) : () -> ()
    }
    %dma_start3A = arith.constant 0 : i32
    %dma_start3A_34 = tpu.memref_slice %arg7[%dma_start3A] : memref<10000xi32, #tpu.memory_space<vmem>> -> memref<80xi32, #tpu.memory_space<vmem>>
    %dma_start3A_35 = arith.constant 0 : i32
    %dma_start3A_36 = arith.constant 0 : i32
    %dma_start3A_37 = tpu.memref_slice %arg2[%dma_start3A_35, %dma_start3A_36] : memref<10000x128xf32, #tpu.memory_space<hbm>> -> memref<10000x128xf32, #tpu.memory_space<hbm>>
    tpu.enqueue_indirect_dma source(%dma_start3A_37 : memref<10000x128xf32, #tpu.memory_space<hbm>>) target(%arg9 : memref<80x128xf32, #tpu.memory_space<vmem>>) offsets(%dma_start3A_34 : memref<80xi32, #tpu.memory_space<vmem>>) semaphore(%arg11 : memref<!tpu.dma_semaphore, #tpu.memory_space<semaphore_mem>>)
    %barrier3A = arith.constant 0 : index
    tpu.barrier barrier_id(%barrier3A)
    %scan3A = arith.constant 0 : i32
    %scan3A_38 = arith.constant 0 : i32
    %scan3A_39 = arith.constant 62 : i32
    %scan3A_40 = arith.addi %scan3A_38, %scan3A_39 : i32
    %scan3A_41 = arith.constant 1 : i32
    scf.for %scan3A_65 = %scan3A_38 to %scan3A_40 step %scan3A_41  : i32 {
      %mul3A_66 = arith.constant 2 : i32
      %mul3A_67 = arith.muli %mul3A_66, %scan3A_65 : i32
      %mul3A_68 = arith.constant 80 : i32
      %mul3A_69 = arith.muli %mul3A_67, %mul3A_68 : i32
      %dma_wait3A_70 = tpu.memref_slice %arg7[%mul3A_69] : memref<10000xi32, #tpu.memory_space<vmem>> -> memref<80xi32, #tpu.memory_space<vmem>>
      %dma_wait3A_71 = arith.constant 0 : i32
      %dma_wait3A_72 = arith.constant 0 : i32
      %dma_wait3A_73 = tpu.memref_slice %arg2[%dma_wait3A_71, %dma_wait3A_72] : memref<10000x128xf32, #tpu.memory_space<hbm>> -> memref<10000x128xf32, #tpu.memory_space<hbm>>
      tpu.wait_indirect_dma semaphore(%arg11 : memref<!tpu.dma_semaphore, #tpu.memory_space<semaphore_mem>>) src(%dma_wait3A_73 : memref<10000x128xf32, #tpu.memory_space<hbm>>) dst(%arg9 : memref<80x128xf32, #tpu.memory_space<vmem>>)
      %gt3A = arith.constant 0 : i32
      %gt3A_74 = arith.cmpi sgt, %scan3A_65, %gt3A : i32
      %convert_element_type3A = arith.extui %gt3A_74 : i1 to i32
      %cond3A = arith.constant 0 : i32
      %cond3A_75 = arith.cmpi ne, %convert_element_type3A, %cond3A : i32
      scf.if %cond3A_75 {
        %sub3A_118 = arith.constant 1 : i32
        %sub3A_119 = arith.subi %mul3A_67, %sub3A_118 : i32
        %dma_wait3A_120 = arith.constant 0 : i32
        %dma_wait3A_121 = tpu.memref_slice %arg8[%sub3A_119, %dma_wait3A_120] : memref<125x80xi32, #tpu.memory_space<vmem>> -> memref<1x80xi32, #tpu.memory_space<vmem>>
        %dma_wait3A_122 = tpu.memref_squeeze %dma_wait3A_121 : memref<1x80xi32, #tpu.memory_space<vmem>> -> memref<80xi32, #tpu.memory_space<vmem>>
        %dma_wait3A_123 = arith.constant 0 : i32
        %dma_wait3A_124 = arith.constant 0 : i32
        %dma_wait3A_125 = tpu.memref_slice %arg10[%dma_wait3A_123, %dma_wait3A_124] : memref<10000x128xf32, #tpu.memory_space<vmem_shared>> -> memref<10000x128xf32, #tpu.memory_space<vmem_shared>>
        tpu.wait_indirect_dma semaphore(%arg15 : memref<!tpu.dma_semaphore, #tpu.memory_space<semaphore_mem>>) src(%arg12 : memref<80x128xf32, #tpu.memory_space<vmem>>) dst(%dma_wait3A_125 : memref<10000x128xf32, #tpu.memory_space<vmem_shared>>)
      } else {
      }
      %add3A_76 = arith.constant 1 : i32
      %add3A_77 = arith.addi %mul3A_67, %add3A_76 : i32
      %mul3A_78 = arith.constant 80 : i32
      %mul3A_79 = arith.muli %add3A_77, %mul3A_78 : i32
      %dma_start3A_80 = tpu.memref_slice %arg7[%mul3A_79] : memref<10000xi32, #tpu.memory_space<vmem>> -> memref<80xi32, #tpu.memory_space<vmem>>
      %dma_start3A_81 = arith.constant 0 : i32
      %dma_start3A_82 = arith.constant 0 : i32
      %dma_start3A_83 = tpu.memref_slice %arg2[%dma_start3A_81, %dma_start3A_82] : memref<10000x128xf32, #tpu.memory_space<hbm>> -> memref<10000x128xf32, #tpu.memory_space<hbm>>
      tpu.enqueue_indirect_dma source(%dma_start3A_83 : memref<10000x128xf32, #tpu.memory_space<hbm>>) target(%arg12 : memref<80x128xf32, #tpu.memory_space<vmem>>) offsets(%dma_start3A_80 : memref<80xi32, #tpu.memory_space<vmem>>) semaphore(%arg13 : memref<!tpu.dma_semaphore, #tpu.memory_space<semaphore_mem>>)
      %dma_start3A_84 = arith.constant 0 : i32
      %dma_start3A_85 = tpu.memref_slice %arg8[%mul3A_67, %dma_start3A_84] : memref<125x80xi32, #tpu.memory_space<vmem>> -> memref<1x80xi32, #tpu.memory_space<vmem>>
      %dma_start3A_86 = tpu.memref_squeeze %dma_start3A_85 : memref<1x80xi32, #tpu.memory_space<vmem>> -> memref<80xi32, #tpu.memory_space<vmem>>
      %dma_start3A_87 = arith.constant 0 : i32
      %dma_start3A_88 = arith.constant 0 : i32
      %dma_start3A_89 = tpu.memref_slice %arg10[%dma_start3A_87, %dma_start3A_88] : memref<10000x128xf32, #tpu.memory_space<vmem_shared>> -> memref<10000x128xf32, #tpu.memory_space<vmem_shared>>
      tpu.enqueue_indirect_dma source(%arg9 : memref<80x128xf32, #tpu.memory_space<vmem>>) target(%dma_start3A_89 : memref<10000x128xf32, #tpu.memory_space<vmem_shared>>) offsets(%dma_start3A_86 : memref<80xi32, #tpu.memory_space<vmem>>) semaphore(%arg14 : memref<!tpu.dma_semaphore, #tpu.memory_space<semaphore_mem>>) {add = true}
      %add3A_90 = arith.constant 1 : i32
      %add3A_91 = arith.addi %mul3A_67, %add3A_90 : i32
      %mul3A_92 = arith.constant 80 : i32
      %mul3A_93 = arith.muli %add3A_91, %mul3A_92 : i32
      %dma_wait3A_94 = tpu.memref_slice %arg7[%mul3A_93] : memref<10000xi32, #tpu.memory_space<vmem>> -> memref<80xi32, #tpu.memory_space<vmem>>
      %dma_wait3A_95 = arith.constant 0 : i32
      %dma_wait3A_96 = arith.constant 0 : i32
      %dma_wait3A_97 = tpu.memref_slice %arg2[%dma_wait3A_95, %dma_wait3A_96] : memref<10000x128xf32, #tpu.memory_space<hbm>> -> memref<10000x128xf32, #tpu.memory_space<hbm>>
      tpu.wait_indirect_dma semaphore(%arg13 : memref<!tpu.dma_semaphore, #tpu.memory_space<semaphore_mem>>) src(%dma_wait3A_97 : memref<10000x128xf32, #tpu.memory_space<hbm>>) dst(%arg12 : memref<80x128xf32, #tpu.memory_space<vmem>>)
      %add3A_98 = arith.constant 1 : i32
      %add3A_99 = arith.addi %mul3A_67, %add3A_98 : i32
      %dma_start3A_100 = arith.constant 0 : i32
      %dma_start3A_101 = tpu.memref_slice %arg8[%add3A_99, %dma_start3A_100] : memref<125x80xi32, #tpu.memory_space<vmem>> -> memref<1x80xi32, #tpu.memory_space<vmem>>
      %dma_start3A_102 = tpu.memref_squeeze %dma_start3A_101 : memref<1x80xi32, #tpu.memory_space<vmem>> -> memref<80xi32, #tpu.memory_space<vmem>>
      %dma_start3A_103 = arith.constant 0 : i32
      %dma_start3A_104 = arith.constant 0 : i32
      %dma_start3A_105 = tpu.memref_slice %arg10[%dma_start3A_103, %dma_start3A_104] : memref<10000x128xf32, #tpu.memory_space<vmem_shared>> -> memref<10000x128xf32, #tpu.memory_space<vmem_shared>>
      tpu.enqueue_indirect_dma source(%arg12 : memref<80x128xf32, #tpu.memory_space<vmem>>) target(%dma_start3A_105 : memref<10000x128xf32, #tpu.memory_space<vmem_shared>>) offsets(%dma_start3A_102 : memref<80xi32, #tpu.memory_space<vmem>>) semaphore(%arg15 : memref<!tpu.dma_semaphore, #tpu.memory_space<semaphore_mem>>) {add = true}
      %dma_wait3A_106 = arith.constant 0 : i32
      %dma_wait3A_107 = tpu.memref_slice %arg8[%mul3A_67, %dma_wait3A_106] : memref<125x80xi32, #tpu.memory_space<vmem>> -> memref<1x80xi32, #tpu.memory_space<vmem>>
      %dma_wait3A_108 = tpu.memref_squeeze %dma_wait3A_107 : memref<1x80xi32, #tpu.memory_space<vmem>> -> memref<80xi32, #tpu.memory_space<vmem>>
      %dma_wait3A_109 = arith.constant 0 : i32
      %dma_wait3A_110 = arith.constant 0 : i32
      %dma_wait3A_111 = tpu.memref_slice %arg10[%dma_wait3A_109, %dma_wait3A_110] : memref<10000x128xf32, #tpu.memory_space<vmem_shared>> -> memref<10000x128xf32, #tpu.memory_space<vmem_shared>>
      tpu.wait_indirect_dma semaphore(%arg14 : memref<!tpu.dma_semaphore, #tpu.memory_space<semaphore_mem>>) src(%arg9 : memref<80x128xf32, #tpu.memory_space<vmem>>) dst(%dma_wait3A_111 : memref<10000x128xf32, #tpu.memory_space<vmem_shared>>)
      %add3A_112 = arith.constant 2 : i32
      %add3A_113 = arith.addi %mul3A_67, %add3A_112 : i32
      %lt3A = arith.constant 125 : i32
      %lt3A_114 = arith.cmpi slt, %add3A_113, %lt3A : i32
      %convert_element_type3A_115 = arith.extui %lt3A_114 : i1 to i32
      %cond3A_116 = arith.constant 0 : i32
      %cond3A_117 = arith.cmpi ne, %convert_element_type3A_115, %cond3A_116 : i32
      scf.if %cond3A_117 {
        %add3A_118 = arith.constant 2 : i32
        %add3A_119 = arith.addi %mul3A_67, %add3A_118 : i32
        %mul3A_120 = arith.constant 80 : i32
        %mul3A_121 = arith.muli %add3A_119, %mul3A_120 : i32
        %dma_start3A_122 = tpu.memref_slice %arg7[%mul3A_121] : memref<10000xi32, #tpu.memory_space<vmem>> -> memref<80xi32, #tpu.memory_space<vmem>>
        %dma_start3A_123 = arith.constant 0 : i32
        %dma_start3A_124 = arith.constant 0 : i32
        %dma_start3A_125 = tpu.memref_slice %arg2[%dma_start3A_123, %dma_start3A_124] : memref<10000x128xf32, #tpu.memory_space<hbm>> -> memref<10000x128xf32, #tpu.memory_space<hbm>>
        tpu.enqueue_indirect_dma source(%dma_start3A_125 : memref<10000x128xf32, #tpu.memory_space<hbm>>) target(%arg9 : memref<80x128xf32, #tpu.memory_space<vmem>>) offsets(%dma_start3A_122 : memref<80xi32, #tpu.memory_space<vmem>>) semaphore(%arg11 : memref<!tpu.dma_semaphore, #tpu.memory_space<semaphore_mem>>)
      } else {
      }
    }
    %scan3A_42 = arith.constant 62 : i32
    %dma_wait3A = arith.constant 123 : i32
    %dma_wait3A_43 = arith.constant 0 : i32
    %dma_wait3A_44 = tpu.memref_slice %arg8[%dma_wait3A, %dma_wait3A_43] : memref<125x80xi32, #tpu.memory_space<vmem>> -> memref<1x80xi32, #tpu.memory_space<vmem>>
    %dma_wait3A_45 = tpu.memref_squeeze %dma_wait3A_44 : memref<1x80xi32, #tpu.memory_space<vmem>> -> memref<80xi32, #tpu.memory_space<vmem>>
    %dma_wait3A_46 = arith.constant 0 : i32
    %dma_wait3A_47 = arith.constant 0 : i32
    %dma_wait3A_48 = tpu.memref_slice %arg10[%dma_wait3A_46, %dma_wait3A_47] : memref<10000x128xf32, #tpu.memory_space<vmem_shared>> -> memref<10000x128xf32, #tpu.memory_space<vmem_shared>>
    tpu.wait_indirect_dma semaphore(%arg15 : memref<!tpu.dma_semaphore, #tpu.memory_space<semaphore_mem>>) src(%arg12 : memref<80x128xf32, #tpu.memory_space<vmem>>) dst(%dma_wait3A_48 : memref<10000x128xf32, #tpu.memory_space<vmem_shared>>)
    %dma_wait3A_49 = arith.constant 9920 : i32
    %dma_wait3A_50 = tpu.memref_slice %arg7[%dma_wait3A_49] : memref<10000xi32, #tpu.memory_space<vmem>> -> memref<80xi32, #tpu.memory_space<vmem>>
    %dma_wait3A_51 = arith.constant 0 : i32
    %dma_wait3A_52 = arith.constant 0 : i32
    %dma_wait3A_53 = tpu.memref_slice %arg2[%dma_wait3A_51, %dma_wait3A_52] : memref<10000x128xf32, #tpu.memory_space<hbm>> -> memref<10000x128xf32, #tpu.memory_space<hbm>>
    tpu.wait_indirect_dma semaphore(%arg11 : memref<!tpu.dma_semaphore, #tpu.memory_space<semaphore_mem>>) src(%dma_wait3A_53 : memref<10000x128xf32, #tpu.memory_space<hbm>>) dst(%arg9 : memref<80x128xf32, #tpu.memory_space<vmem>>)
    %run_scoped3A = arith.constant 124 : i32
    "tpu.region"() ({
      %run_scoped3A_65 = tpu.sem_alloc : memref<!tpu.dma_semaphore, #tpu.memory_space<semaphore_mem>>
      %dma_start3A_66 = arith.constant 0 : i32
      %dma_start3A_67 = tpu.memref_slice %arg8[%run_scoped3A, %dma_start3A_66] : memref<125x80xi32, #tpu.memory_space<vmem>> -> memref<1x80xi32, #tpu.memory_space<vmem>>
      %dma_start3A_68 = tpu.memref_squeeze %dma_start3A_67 : memref<1x80xi32, #tpu.memory_space<vmem>> -> memref<80xi32, #tpu.memory_space<vmem>>
      %dma_start3A_69 = arith.constant 0 : i32
      %dma_start3A_70 = arith.constant 0 : i32
      %dma_start3A_71 = tpu.memref_slice %arg10[%dma_start3A_69, %dma_start3A_70] : memref<10000x128xf32, #tpu.memory_space<vmem_shared>> -> memref<10000x128xf32, #tpu.memory_space<vmem_shared>>
      tpu.enqueue_indirect_dma source(%arg9 : memref<80x128xf32, #tpu.memory_space<vmem>>) target(%dma_start3A_71 : memref<10000x128xf32, #tpu.memory_space<vmem_shared>>) offsets(%dma_start3A_68 : memref<80xi32, #tpu.memory_space<vmem>>) semaphore(%run_scoped3A_65 : memref<!tpu.dma_semaphore, #tpu.memory_space<semaphore_mem>>) {add = true}
      %dma_wait3A_72 = arith.constant 0 : i32
      %dma_wait3A_73 = tpu.memref_slice %arg8[%run_scoped3A, %dma_wait3A_72] : memref<125x80xi32, #tpu.memory_space<vmem>> -> memref<1x80xi32, #tpu.memory_space<vmem>>
      %dma_wait3A_74 = tpu.memref_squeeze %dma_wait3A_73 : memref<1x80xi32, #tpu.memory_space<vmem>> -> memref<80xi32, #tpu.memory_space<vmem>>
      %dma_wait3A_75 = arith.constant 0 : i32
      %dma_wait3A_76 = arith.constant 0 : i32
      %dma_wait3A_77 = tpu.memref_slice %arg10[%dma_wait3A_75, %dma_wait3A_76] : memref<10000x128xf32, #tpu.memory_space<vmem_shared>> -> memref<10000x128xf32, #tpu.memory_space<vmem_shared>>
      tpu.wait_indirect_dma semaphore(%run_scoped3A_65 : memref<!tpu.dma_semaphore, #tpu.memory_space<semaphore_mem>>) src(%arg9 : memref<80x128xf32, #tpu.memory_space<vmem>>) dst(%dma_wait3A_77 : memref<10000x128xf32, #tpu.memory_space<vmem_shared>>)
      tpu.yield
    }) : () -> ()
    %barrier3A_54 = arith.constant 0 : index
    tpu.barrier barrier_id(%barrier3A_54)
    %while3A_55 = arith.constant 0 : i32
    %while3A_56 = arith.constant 0 : i32
    %while3A_57 = arith.subi %select_n3A, %while3A_56 : i32
    %while3A_58 = arith.addi %while3A_56, %while3A_57 : i32
    %while3A_59 = arith.constant 1 : i32
    %while3A_60 = arith.divsi %while3A_57, %while3A_59 : i32
    %while3A_61 = arith.muli %while3A_60, %while3A_59 : i32
    %while3A_62 = arith.addi %while3A_56, %while3A_61 : i32
    %while3A_63 = arith.constant 1 : i32
    scf.for %while3A_65 = %while3A_56 to %while3A_62 step %while3A_63  : i32 {
      %mul3A_66 = arith.constant 16 : i32
      %mul3A_67 = arith.muli %while3A_65, %mul3A_66 : i32
      %add3A_68 = arith.addi %arg1, %mul3A_67 : i32
      %mul3A_69 = arith.constant 80 : i32
      %mul3A_70 = arith.muli %add3A_68, %mul3A_69 : i32
      "tpu.region"() ({
        %run_scoped3A_71 = tpu.sem_alloc : memref<!tpu.dma_semaphore, #tpu.memory_space<semaphore_mem>>
        %dma_start3A_72 = arith.constant 0 : i32
        %dma_start3A_73 = tpu.memref_slice %arg10[%mul3A_70, %dma_start3A_72] : memref<10000x128xf32, #tpu.memory_space<vmem_shared>> -> memref<80x128xf32, #tpu.memory_space<vmem_shared>>
        %dma_start3A_74 = arith.constant 0 : i32
        %dma_start3A_75 = tpu.memref_slice %arg10[%mul3A_70, %dma_start3A_74] : memref<10000x128xf32, #tpu.memory_space<vmem_shared>> -> memref<80x128xf32, #tpu.memory_space<vmem_shared>>
        tpu.enqueue_dma source(%dma_start3A_75 : memref<80x128xf32, #tpu.memory_space<vmem_shared>>) target(%arg9 : memref<80x128xf32, #tpu.memory_space<vmem>>) target_semaphore(%run_scoped3A_71 : memref<!tpu.dma_semaphore, #tpu.memory_space<semaphore_mem>>)
        %dma_wait3A_76 = arith.constant 0 : i32
        %dma_wait3A_77 = tpu.memref_slice %arg10[%mul3A_70, %dma_wait3A_76] : memref<10000x128xf32, #tpu.memory_space<vmem_shared>> -> memref<80x128xf32, #tpu.memory_space<vmem_shared>>
        %dma_wait3A_78 = arith.constant 0 : i32
        %dma_wait3A_79 = tpu.memref_slice %arg10[%mul3A_70, %dma_wait3A_78] : memref<10000x128xf32, #tpu.memory_space<vmem_shared>> -> memref<80x128xf32, #tpu.memory_space<vmem_shared>>
        tpu.wait_dma2 semaphore(%run_scoped3A_71 : memref<!tpu.dma_semaphore, #tpu.memory_space<semaphore_mem>>) src(%dma_wait3A_79 : memref<80x128xf32, #tpu.memory_space<vmem_shared>>) dst(%arg9 : memref<80x128xf32, #tpu.memory_space<vmem>>)
        tpu.yield
      }) : () -> ()
      "tpu.region"() ({
        %run_scoped3A_71 = tpu.sem_alloc : memref<!tpu.dma_semaphore, #tpu.memory_space<semaphore_mem>>
        %dma_start3A_72 = arith.constant 0 : i32
        %dma_start3A_73 = tpu.memref_slice %arg6[%arg0, %mul3A_70, %dma_start3A_72] : memref<2x10000x128xf32, #tpu.memory_space<hbm>> -> memref<1x80x128xf32, #tpu.memory_space<hbm>>
        %dma_start3A_74 = tpu.memref_squeeze %dma_start3A_73 : memref<1x80x128xf32, #tpu.memory_space<hbm>> -> memref<80x128xf32, #tpu.memory_space<hbm>>
        %dma_start3A_75 = arith.constant 0 : i32
        %dma_start3A_76 = tpu.memref_slice %arg6[%arg0, %mul3A_70, %dma_start3A_75] : memref<2x10000x128xf32, #tpu.memory_space<hbm>> -> memref<1x80x128xf32, #tpu.memory_space<hbm>>
        %dma_start3A_77 = tpu.memref_squeeze %dma_start3A_76 : memref<1x80x128xf32, #tpu.memory_space<hbm>> -> memref<80x128xf32, #tpu.memory_space<hbm>>
        tpu.enqueue_dma source(%arg9 : memref<80x128xf32, #tpu.memory_space<vmem>>) target(%dma_start3A_77 : memref<80x128xf32, #tpu.memory_space<hbm>>) target_semaphore(%run_scoped3A_71 : memref<!tpu.dma_semaphore, #tpu.memory_space<semaphore_mem>>)
        %dma_wait3A_78 = arith.constant 0 : i32
        %dma_wait3A_79 = tpu.memref_slice %arg6[%arg0, %mul3A_70, %dma_wait3A_78] : memref<2x10000x128xf32, #tpu.memory_space<hbm>> -> memref<1x80x128xf32, #tpu.memory_space<hbm>>
        %dma_wait3A_80 = tpu.memref_squeeze %dma_wait3A_79 : memref<1x80x128xf32, #tpu.memory_space<hbm>> -> memref<80x128xf32, #tpu.memory_space<hbm>>
        %dma_wait3A_81 = arith.constant 0 : i32
        %dma_wait3A_82 = tpu.memref_slice %arg6[%arg0, %mul3A_70, %dma_wait3A_81] : memref<2x10000x128xf32, #tpu.memory_space<hbm>> -> memref<1x80x128xf32, #tpu.memory_space<hbm>>
        %dma_wait3A_83 = tpu.memref_squeeze %dma_wait3A_82 : memref<1x80x128xf32, #tpu.memory_space<hbm>> -> memref<80x128xf32, #tpu.memory_space<hbm>>
        tpu.wait_dma2 semaphore(%run_scoped3A_71 : memref<!tpu.dma_semaphore, #tpu.memory_space<semaphore_mem>>) src(%arg9 : memref<80x128xf32, #tpu.memory_space<vmem>>) dst(%dma_wait3A_83 : memref<80x128xf32, #tpu.memory_space<hbm>>)
        tpu.yield
      }) : () -> ()
    }
    %while3A_64 = arith.constant 1 : i32
    scf.for %while3A_65 = %while3A_62 to %while3A_58 step %while3A_64  : i32 {
      %mul3A_66 = arith.constant 16 : i32
      %mul3A_67 = arith.muli %while3A_65, %mul3A_66 : i32
      %add3A_68 = arith.addi %arg1, %mul3A_67 : i32
      %mul3A_69 = arith.constant 80 : i32
      %mul3A_70 = arith.muli %add3A_68, %mul3A_69 : i32
      "tpu.region"() ({
        %run_scoped3A_71 = tpu.sem_alloc : memref<!tpu.dma_semaphore, #tpu.memory_space<semaphore_mem>>
        %dma_start3A_72 = arith.constant 0 : i32
        %dma_start3A_73 = tpu.memref_slice %arg10[%mul3A_70, %dma_start3A_72] : memref<10000x128xf32, #tpu.memory_space<vmem_shared>> -> memref<80x128xf32, #tpu.memory_space<vmem_shared>>
        %dma_start3A_74 = arith.constant 0 : i32
        %dma_start3A_75 = tpu.memref_slice %arg10[%mul3A_70, %dma_start3A_74] : memref<10000x128xf32, #tpu.memory_space<vmem_shared>> -> memref<80x128xf32, #tpu.memory_space<vmem_shared>>
        tpu.enqueue_dma source(%dma_start3A_75 : memref<80x128xf32, #tpu.memory_space<vmem_shared>>) target(%arg9 : memref<80x128xf32, #tpu.memory_space<vmem>>) target_semaphore(%run_scoped3A_71 : memref<!tpu.dma_semaphore, #tpu.memory_space<semaphore_mem>>)
        %dma_wait3A_76 = arith.constant 0 : i32
        %dma_wait3A_77 = tpu.memref_slice %arg10[%mul3A_70, %dma_wait3A_76] : memref<10000x128xf32, #tpu.memory_space<vmem_shared>> -> memref<80x128xf32, #tpu.memory_space<vmem_shared>>
        %dma_wait3A_78 = arith.constant 0 : i32
        %dma_wait3A_79 = tpu.memref_slice %arg10[%mul3A_70, %dma_wait3A_78] : memref<10000x128xf32, #tpu.memory_space<vmem_shared>> -> memref<80x128xf32, #tpu.memory_space<vmem_shared>>
        tpu.wait_dma2 semaphore(%run_scoped3A_71 : memref<!tpu.dma_semaphore, #tpu.memory_space<semaphore_mem>>) src(%dma_wait3A_79 : memref<80x128xf32, #tpu.memory_space<vmem_shared>>) dst(%arg9 : memref<80x128xf32, #tpu.memory_space<vmem>>)
        tpu.yield
      }) : () -> ()
      "tpu.region"() ({
        %run_scoped3A_71 = tpu.sem_alloc : memref<!tpu.dma_semaphore, #tpu.memory_space<semaphore_mem>>
        %dma_start3A_72 = arith.constant 0 : i32
        %dma_start3A_73 = tpu.memref_slice %arg6[%arg0, %mul3A_70, %dma_start3A_72] : memref<2x10000x128xf32, #tpu.memory_space<hbm>> -> memref<1x80x128xf32, #tpu.memory_space<hbm>>
        %dma_start3A_74 = tpu.memref_squeeze %dma_start3A_73 : memref<1x80x128xf32, #tpu.memory_space<hbm>> -> memref<80x128xf32, #tpu.memory_space<hbm>>
        %dma_start3A_75 = arith.constant 0 : i32
        %dma_start3A_76 = tpu.memref_slice %arg6[%arg0, %mul3A_70, %dma_start3A_75] : memref<2x10000x128xf32, #tpu.memory_space<hbm>> -> memref<1x80x128xf32, #tpu.memory_space<hbm>>
        %dma_start3A_77 = tpu.memref_squeeze %dma_start3A_76 : memref<1x80x128xf32, #tpu.memory_space<hbm>> -> memref<80x128xf32, #tpu.memory_space<hbm>>
        tpu.enqueue_dma source(%arg9 : memref<80x128xf32, #tpu.memory_space<vmem>>) target(%dma_start3A_77 : memref<80x128xf32, #tpu.memory_space<hbm>>) target_semaphore(%run_scoped3A_71 : memref<!tpu.dma_semaphore, #tpu.memory_space<semaphore_mem>>)
        %dma_wait3A_78 = arith.constant 0 : i32
        %dma_wait3A_79 = tpu.memref_slice %arg6[%arg0, %mul3A_70, %dma_wait3A_78] : memref<2x10000x128xf32, #tpu.memory_space<hbm>> -> memref<1x80x128xf32, #tpu.memory_space<hbm>>
        %dma_wait3A_80 = tpu.memref_squeeze %dma_wait3A_79 : memref<1x80x128xf32, #tpu.memory_space<hbm>> -> memref<80x128xf32, #tpu.memory_space<hbm>>
        %dma_wait3A_81 = arith.constant 0 : i32
        %dma_wait3A_82 = tpu.memref_slice %arg6[%arg0, %mul3A_70, %dma_wait3A_81] : memref<2x10000x128xf32, #tpu.memory_space<hbm>> -> memref<1x80x128xf32, #tpu.memory_space<hbm>>
        %dma_wait3A_83 = tpu.memref_squeeze %dma_wait3A_82 : memref<1x80x128xf32, #tpu.memory_space<hbm>> -> memref<80x128xf32, #tpu.memory_space<hbm>>
        tpu.wait_dma2 semaphore(%run_scoped3A_71 : memref<!tpu.dma_semaphore, #tpu.memory_space<semaphore_mem>>) src(%arg9 : memref<80x128xf32, #tpu.memory_space<vmem>>) dst(%dma_wait3A_83 : memref<80x128xf32, #tpu.memory_space<hbm>>)
        tpu.yield
      }) : () -> ()
    }
    return
  }
}

#map = affine_map<(d0, d1) -> (0, 0)>
#map1 = affine_map<(d0, d1) -> (0)>
#map2 = affine_map<(d0, d1) -> (0, 0, 0)>
module attributes {stable_mosaic.version = 14 : i64} {
  func.func @body(%arg0: i32, %arg1: i32, %arg2: memref<10000x128xf32, #tpu.memory_space<hbm>>, %arg3: memref<320000xi32, #tpu.memory_space<hbm>>, %arg4: memref<32x125x80xi32, #tpu.memory_space<hbm>>, %arg5: memref<80x128xf32, #tpu.memory_space<hbm>>, %arg6: memref<2x10000x128xf32, #tpu.memory_space<hbm>>, %arg7: memref<10000xi32, #tpu.memory_space<vmem>>, %arg8: memref<125x80xi32, #tpu.memory_space<vmem>>, %arg9: memref<80x128xf32, #tpu.memory_space<vmem>>, %arg10: memref<10000x128xf32, #tpu.memory_space<vmem_shared>>, %arg11: memref<!tpu.dma_semaphore, #tpu.memory_space<semaphore_mem>>, %arg12: memref<80x128xf32, #tpu.memory_space<vmem>>, %arg13: memref<!tpu.dma_semaphore, #tpu.memory_space<semaphore_mem>>, %arg14: memref<!tpu.dma_semaphore, #tpu.memory_space<semaphore_mem>>, %arg15: memref<!tpu.dma_semaphore, #tpu.memory_space<semaphore_mem>>) attributes {dimension_semantics = [#tpu.dimension_semantics<core_parallel>, #tpu.dimension_semantics<subcore_parallel>], iteration_bounds = array<i64: 2, 16>, scalar_prefetch = 0 : i64, scratch_operands = 9 : i64, tpu.core_type = #tpu.core_type<sc_vector_subcore>, window_params = [{transform_indices = #map}, {transform_indices = #map1}, {transform_indices = #map2}, {transform_indices = #map}, {transform_indices = #map2}]} {
    %mul3A = arith.constant 2 : i32
    %mul3A_0 = arith.muli %arg1, %mul3A : i32
    %add3A = arith.addi %mul3A_0, %arg0 : i32
    %mul3A_1 = arith.constant 10000 : i32
    %mul3A_2 = arith.muli %add3A, %mul3A_1 : i32
    "tpu.region"() ({
      %run_scoped3A_65 = tpu.sem_alloc : memref<!tpu.dma_semaphore, #tpu.memory_space<semaphore_mem>>
      %dma_start3A_66 = tpu.memref_slice %arg3[%mul3A_2] : memref<320000xi32, #tpu.memory_space<hbm>> -> memref<10000xi32, #tpu.memory_space<hbm>>
      %dma_start3A_67 = tpu.memref_slice %arg3[%mul3A_2] : memref<320000xi32, #tpu.memory_space<hbm>> -> memref<10000xi32, #tpu.memory_space<hbm>>
      tpu.enqueue_dma source(%dma_start3A_67 : memref<10000xi32, #tpu.memory_space<hbm>>) target(%arg7 : memref<10000xi32, #tpu.memory_space<vmem>>) target_semaphore(%run_scoped3A_65 : memref<!tpu.dma_semaphore, #tpu.memory_space<semaphore_mem>>)
      %dma_wait3A_68 = tpu.memref_slice %arg3[%mul3A_2] : memref<320000xi32, #tpu.memory_space<hbm>> -> memref<10000xi32, #tpu.memory_space<hbm>>
      %dma_wait3A_69 = tpu.memref_slice %arg3[%mul3A_2] : memref<320000xi32, #tpu.memory_space<hbm>> -> memref<10000xi32, #tpu.memory_space<hbm>>
      tpu.wait_dma2 semaphore(%run_scoped3A_65 : memref<!tpu.dma_semaphore, #tpu.memory_space<semaphore_mem>>) src(%dma_wait3A_69 : memref<10000xi32, #tpu.memory_space<hbm>>) dst(%arg7 : memref<10000xi32, #tpu.memory_space<vmem>>)
      tpu.yield
    }) : () -> ()
    "tpu.region"() ({
      %run_scoped3A_65 = tpu.sem_alloc : memref<!tpu.dma_semaphore, #tpu.memory_space<semaphore_mem>>
      %dma_start3A_66 = arith.constant 0 : i32
      %dma_start3A_67 = arith.constant 0 : i32
      %dma_start3A_68 = tpu.memref_slice %arg4[%add3A, %dma_start3A_66, %dma_start3A_67] : memref<32x125x80xi32, #tpu.memory_space<hbm>> -> memref<1x125x80xi32, #tpu.memory_space<hbm>>
      %dma_start3A_69 = tpu.memref_squeeze %dma_start3A_68 : memref<1x125x80xi32, #tpu.memory_space<hbm>> -> memref<125x80xi32, #tpu.memory_space<hbm>>
      %dma_start3A_70 = arith.constant 0 : i32
      %dma_start3A_71 = arith.constant 0 : i32
      %dma_start3A_72 = tpu.memref_slice %arg4[%add3A, %dma_start3A_70, %dma_start3A_71] : memref<32x125x80xi32, #tpu.memory_space<hbm>> -> memref<1x125x80xi32, #tpu.memory_space<hbm>>
      %dma_start3A_73 = tpu.memref_squeeze %dma_start3A_72 : memref<1x125x80xi32, #tpu.memory_space<hbm>> -> memref<125x80xi32, #tpu.memory_space<hbm>>
      tpu.enqueue_dma source(%dma_start3A_73 : memref<125x80xi32, #tpu.memory_space<hbm>>) target(%arg8 : memref<125x80xi32, #tpu.memory_space<vmem>>) target_semaphore(%run_scoped3A_65 : memref<!tpu.dma_semaphore, #tpu.memory_space<semaphore_mem>>)
      %dma_wait3A_74 = arith.constant 0 : i32
      %dma_wait3A_75 = arith.constant 0 : i32
      %dma_wait3A_76 = tpu.memref_slice %arg4[%add3A, %dma_wait3A_74, %dma_wait3A_75] : memref<32x125x80xi32, #tpu.memory_space<hbm>> -> memref<1x125x80xi32, #tpu.memory_space<hbm>>
      %dma_wait3A_77 = tpu.memref_squeeze %dma_wait3A_76 : memref<1x125x80xi32, #tpu.memory_space<hbm>> -> memref<125x80xi32, #tpu.memory_space<hbm>>
      %dma_wait3A_78 = arith.constant 0 : i32
      %dma_wait3A_79 = arith.constant 0 : i32
      %dma_wait3A_80 = tpu.memref_slice %arg4[%add3A, %dma_wait3A_78, %dma_wait3A_79] : memref<32x125x80xi32, #tpu.memory_space<hbm>> -> memref<1x125x80xi32, #tpu.memory_space<hbm>>
      %dma_wait3A_81 = tpu.memref_squeeze %dma_wait3A_80 : memref<1x125x80xi32, #tpu.memory_space<hbm>> -> memref<125x80xi32, #tpu.memory_space<hbm>>
      tpu.wait_dma2 semaphore(%run_scoped3A_65 : memref<!tpu.dma_semaphore, #tpu.memory_space<semaphore_mem>>) src(%dma_wait3A_81 : memref<125x80xi32, #tpu.memory_space<hbm>>) dst(%arg8 : memref<125x80xi32, #tpu.memory_space<vmem>>)
      tpu.yield
    }) : () -> ()
    "tpu.region"() ({
      %run_scoped3A_65 = tpu.sem_alloc : memref<!tpu.dma_semaphore, #tpu.memory_space<semaphore_mem>>
      tpu.enqueue_dma source(%arg5 : memref<80x128xf32, #tpu.memory_space<hbm>>) target(%arg9 : memref<80x128xf32, #tpu.memory_space<vmem>>) target_semaphore(%run_scoped3A_65 : memref<!tpu.dma_semaphore, #tpu.memory_space<semaphore_mem>>)
      tpu.wait_dma2 semaphore(%run_scoped3A_65 : memref<!tpu.dma_semaphore, #tpu.memory_space<semaphore_mem>>) src(%arg5 : memref<80x128xf32, #tpu.memory_space<hbm>>) dst(%arg9 : memref<80x128xf32, #tpu.memory_space<vmem>>)
      tpu.yield
    }) : () -> ()
    %sub3A = arith.constant 125 : i32
    %sub3A_3 = arith.subi %sub3A, %arg1 : i32
    %add3A_4 = arith.constant 16 : i32
    %add3A_5 = arith.addi %sub3A_3, %add3A_4 : i32
    %sub3A_6 = arith.constant 1 : i32
    %sub3A_7 = arith.subi %add3A_5, %sub3A_6 : i32
    %jit3A = arith.constant 16 : i32
    %div3A = arith.divsi %sub3A_7, %jit3A : i32
    %sign3A = arith.constant 0 : i32
    %sign3A_8 = arith.cmpi sgt, %sub3A_7, %sign3A : i32
    %sign3A_9 = arith.extui %sign3A_8 : i1 to i32
    %sign3A_10 = arith.constant 0 : i32
    %sign3A_11 = arith.cmpi slt, %sub3A_7, %sign3A_10 : i32
    %sign3A_12 = arith.extui %sign3A_11 : i1 to i32
    %sign3A_13 = arith.subi %sign3A_9, %sign3A_12 : i32
    %sign3A_14 = arith.constant 0 : i32
    %sign3A_15 = arith.cmpi sgt, %jit3A, %sign3A_14 : i32
    %sign3A_16 = arith.extui %sign3A_15 : i1 to i32
    %sign3A_17 = arith.constant 0 : i32
    %sign3A_18 = arith.cmpi slt, %jit3A, %sign3A_17 : i32
    %sign3A_19 = arith.extui %sign3A_18 : i1 to i32
    %sign3A_20 = arith.subi %sign3A_16, %sign3A_19 : i32
    %ne3A = arith.cmpi ne, %sign3A_13, %sign3A_20 : i32
    %rem3A = arith.remsi %sub3A_7, %jit3A : i32
    %ne3A_21 = arith.constant 0 : i32
    %ne3A_22 = arith.cmpi ne, %rem3A, %ne3A_21 : i32
    %and3A = arith.andi %ne3A, %ne3A_22 : i1
    %sub3A_23 = arith.constant 1 : i32
    %sub3A_24 = arith.subi %div3A, %sub3A_23 : i32
    %select_n3A = arith.select %and3A, %sub3A_24, %div3A : i32
    %while3A = arith.constant 0 : i32
    %while3A_25 = arith.constant 0 : i32
    %while3A_26 = arith.subi %select_n3A, %while3A_25 : i32
    %while3A_27 = arith.addi %while3A_25, %while3A_26 : i32
    %while3A_28 = arith.constant 1 : i32
    %while3A_29 = arith.divsi %while3A_26, %while3A_28 : i32
    %while3A_30 = arith.muli %while3A_29, %while3A_28 : i32
    %while3A_31 = arith.addi %while3A_25, %while3A_30 : i32
    %while3A_32 = arith.constant 1 : i32
    scf.for %while3A_65 = %while3A_25 to %while3A_31 step %while3A_32  : i32 {
      %mul3A_66 = arith.constant 16 : i32
      %mul3A_67 = arith.muli %while3A_65, %mul3A_66 : i32
      %add3A_68 = arith.addi %arg1, %mul3A_67 : i32
      %mul3A_69 = arith.constant 80 : i32
      %mul3A_70 = arith.muli %add3A_68, %mul3A_69 : i32
      "tpu.region"() ({
        %run_scoped3A_71 = tpu.sem_alloc : memref<!tpu.dma_semaphore, #tpu.memory_space<semaphore_mem>>
        %dma_start3A_72 = arith.constant 0 : i32
        %dma_start3A_73 = tpu.memref_slice %arg10[%mul3A_70, %dma_start3A_72] : memref<10000x128xf32, #tpu.memory_space<vmem_shared>> -> memref<80x128xf32, #tpu.memory_space<vmem_shared>>
        %dma_start3A_74 = arith.constant 0 : i32
        %dma_start3A_75 = tpu.memref_slice %arg10[%mul3A_70, %dma_start3A_74] : memref<10000x128xf32, #tpu.memory_space<vmem_shared>> -> memref<80x128xf32, #tpu.memory_space<vmem_shared>>
        tpu.enqueue_dma source(%arg9 : memref<80x128xf32, #tpu.memory_space<vmem>>) target(%dma_start3A_75 : memref<80x128xf32, #tpu.memory_space<vmem_shared>>) target_semaphore(%run_scoped3A_71 : memref<!tpu.dma_semaphore, #tpu.memory_space<semaphore_mem>>)
        %dma_wait3A_76 = arith.constant 0 : i32
        %dma_wait3A_77 = tpu.memref_slice %arg10[%mul3A_70, %dma_wait3A_76] : memref<10000x128xf32, #tpu.memory_space<vmem_shared>> -> memref<80x128xf32, #tpu.memory_space<vmem_shared>>
        %dma_wait3A_78 = arith.constant 0 : i32
        %dma_wait3A_79 = tpu.memref_slice %arg10[%mul3A_70, %dma_wait3A_78] : memref<10000x128xf32, #tpu.memory_space<vmem_shared>> -> memref<80x128xf32, #tpu.memory_space<vmem_shared>>
        tpu.wait_dma2 semaphore(%run_scoped3A_71 : memref<!tpu.dma_semaphore, #tpu.memory_space<semaphore_mem>>) src(%arg9 : memref<80x128xf32, #tpu.memory_space<vmem>>) dst(%dma_wait3A_79 : memref<80x128xf32, #tpu.memory_space<vmem_shared>>)
        tpu.yield
      }) : () -> ()
    }
    %while3A_33 = arith.constant 1 : i32
    scf.for %while3A_65 = %while3A_31 to %while3A_27 step %while3A_33  : i32 {
      %mul3A_66 = arith.constant 16 : i32
      %mul3A_67 = arith.muli %while3A_65, %mul3A_66 : i32
      %add3A_68 = arith.addi %arg1, %mul3A_67 : i32
      %mul3A_69 = arith.constant 80 : i32
      %mul3A_70 = arith.muli %add3A_68, %mul3A_69 : i32
      "tpu.region"() ({
        %run_scoped3A_71 = tpu.sem_alloc : memref<!tpu.dma_semaphore, #tpu.memory_space<semaphore_mem>>
        %dma_start3A_72 = arith.constant 0 : i32
        %dma_start3A_73 = tpu.memref_slice %arg10[%mul3A_70, %dma_start3A_72] : memref<10000x128xf32, #tpu.memory_space<vmem_shared>> -> memref<80x128xf32, #tpu.memory_space<vmem_shared>>
        %dma_start3A_74 = arith.constant 0 : i32
        %dma_start3A_75 = tpu.memref_slice %arg10[%mul3A_70, %dma_start3A_74] : memref<10000x128xf32, #tpu.memory_space<vmem_shared>> -> memref<80x128xf32, #tpu.memory_space<vmem_shared>>
        tpu.enqueue_dma source(%arg9 : memref<80x128xf32, #tpu.memory_space<vmem>>) target(%dma_start3A_75 : memref<80x128xf32, #tpu.memory_space<vmem_shared>>) target_semaphore(%run_scoped3A_71 : memref<!tpu.dma_semaphore, #tpu.memory_space<semaphore_mem>>)
        %dma_wait3A_76 = arith.constant 0 : i32
        %dma_wait3A_77 = tpu.memref_slice %arg10[%mul3A_70, %dma_wait3A_76] : memref<10000x128xf32, #tpu.memory_space<vmem_shared>> -> memref<80x128xf32, #tpu.memory_space<vmem_shared>>
        %dma_wait3A_78 = arith.constant 0 : i32
        %dma_wait3A_79 = tpu.memref_slice %arg10[%mul3A_70, %dma_wait3A_78] : memref<10000x128xf32, #tpu.memory_space<vmem_shared>> -> memref<80x128xf32, #tpu.memory_space<vmem_shared>>
        tpu.wait_dma2 semaphore(%run_scoped3A_71 : memref<!tpu.dma_semaphore, #tpu.memory_space<semaphore_mem>>) src(%arg9 : memref<80x128xf32, #tpu.memory_space<vmem>>) dst(%dma_wait3A_79 : memref<80x128xf32, #tpu.memory_space<vmem_shared>>)
        tpu.yield
      }) : () -> ()
    }
    %dma_start3A = arith.constant 0 : i32
    %dma_start3A_34 = tpu.memref_slice %arg7[%dma_start3A] : memref<10000xi32, #tpu.memory_space<vmem>> -> memref<80xi32, #tpu.memory_space<vmem>>
    %dma_start3A_35 = arith.constant 0 : i32
    %dma_start3A_36 = arith.constant 0 : i32
    %dma_start3A_37 = tpu.memref_slice %arg2[%dma_start3A_35, %dma_start3A_36] : memref<10000x128xf32, #tpu.memory_space<hbm>> -> memref<10000x128xf32, #tpu.memory_space<hbm>>
    tpu.enqueue_indirect_dma source(%dma_start3A_37 : memref<10000x128xf32, #tpu.memory_space<hbm>>) target(%arg9 : memref<80x128xf32, #tpu.memory_space<vmem>>) offsets(%dma_start3A_34 : memref<80xi32, #tpu.memory_space<vmem>>) semaphore(%arg11 : memref<!tpu.dma_semaphore, #tpu.memory_space<semaphore_mem>>)
    %barrier3A = arith.constant 0 : index
    tpu.barrier barrier_id(%barrier3A)
    %scan3A = arith.constant 0 : i32
    %scan3A_38 = arith.constant 0 : i32
    %scan3A_39 = arith.constant 62 : i32
    %scan3A_40 = arith.addi %scan3A_38, %scan3A_39 : i32
    %scan3A_41 = arith.constant 1 : i32
    scf.for %scan3A_65 = %scan3A_38 to %scan3A_40 step %scan3A_41  : i32 {
      %mul3A_66 = arith.constant 2 : i32
      %mul3A_67 = arith.muli %mul3A_66, %scan3A_65 : i32
      %mul3A_68 = arith.constant 80 : i32
      %mul3A_69 = arith.muli %mul3A_67, %mul3A_68 : i32
      %dma_wait3A_70 = tpu.memref_slice %arg7[%mul3A_69] : memref<10000xi32, #tpu.memory_space<vmem>> -> memref<80xi32, #tpu.memory_space<vmem>>
      %dma_wait3A_71 = arith.constant 0 : i32
      %dma_wait3A_72 = arith.constant 0 : i32
      %dma_wait3A_73 = tpu.memref_slice %arg2[%dma_wait3A_71, %dma_wait3A_72] : memref<10000x128xf32, #tpu.memory_space<hbm>> -> memref<10000x128xf32, #tpu.memory_space<hbm>>
      tpu.wait_indirect_dma semaphore(%arg11 : memref<!tpu.dma_semaphore, #tpu.memory_space<semaphore_mem>>) src(%dma_wait3A_73 : memref<10000x128xf32, #tpu.memory_space<hbm>>) dst(%arg9 : memref<80x128xf32, #tpu.memory_space<vmem>>)
      %gt3A = arith.constant 0 : i32
      %gt3A_74 = arith.cmpi sgt, %scan3A_65, %gt3A : i32
      %convert_element_type3A = arith.extui %gt3A_74 : i1 to i32
      %cond3A = arith.constant 0 : i32
      %cond3A_75 = arith.cmpi ne, %convert_element_type3A, %cond3A : i32
      scf.if %cond3A_75 {
        %sub3A_118 = arith.constant 1 : i32
        %sub3A_119 = arith.subi %mul3A_67, %sub3A_118 : i32
        %dma_wait3A_120 = arith.constant 0 : i32
        %dma_wait3A_121 = tpu.memref_slice %arg8[%sub3A_119, %dma_wait3A_120] : memref<125x80xi32, #tpu.memory_space<vmem>> -> memref<1x80xi32, #tpu.memory_space<vmem>>
        %dma_wait3A_122 = tpu.memref_squeeze %dma_wait3A_121 : memref<1x80xi32, #tpu.memory_space<vmem>> -> memref<80xi32, #tpu.memory_space<vmem>>
        %dma_wait3A_123 = arith.constant 0 : i32
        %dma_wait3A_124 = arith.constant 0 : i32
        %dma_wait3A_125 = tpu.memref_slice %arg10[%dma_wait3A_123, %dma_wait3A_124] : memref<10000x128xf32, #tpu.memory_space<vmem_shared>> -> memref<10000x128xf32, #tpu.memory_space<vmem_shared>>
        tpu.wait_indirect_dma semaphore(%arg15 : memref<!tpu.dma_semaphore, #tpu.memory_space<semaphore_mem>>) src(%arg12 : memref<80x128xf32, #tpu.memory_space<vmem>>) dst(%dma_wait3A_125 : memref<10000x128xf32, #tpu.memory_space<vmem_shared>>)
      } else {
      }
      %add3A_76 = arith.constant 1 : i32
      %add3A_77 = arith.addi %mul3A_67, %add3A_76 : i32
      %mul3A_78 = arith.constant 80 : i32
      %mul3A_79 = arith.muli %add3A_77, %mul3A_78 : i32
      %dma_start3A_80 = tpu.memref_slice %arg7[%mul3A_79] : memref<10000xi32, #tpu.memory_space<vmem>> -> memref<80xi32, #tpu.memory_space<vmem>>
      %dma_start3A_81 = arith.constant 0 : i32
      %dma_start3A_82 = arith.constant 0 : i32
      %dma_start3A_83 = tpu.memref_slice %arg2[%dma_start3A_81, %dma_start3A_82] : memref<10000x128xf32, #tpu.memory_space<hbm>> -> memref<10000x128xf32, #tpu.memory_space<hbm>>
      tpu.enqueue_indirect_dma source(%dma_start3A_83 : memref<10000x128xf32, #tpu.memory_space<hbm>>) target(%arg12 : memref<80x128xf32, #tpu.memory_space<vmem>>) offsets(%dma_start3A_80 : memref<80xi32, #tpu.memory_space<vmem>>) semaphore(%arg13 : memref<!tpu.dma_semaphore, #tpu.memory_space<semaphore_mem>>)
      %dma_start3A_84 = arith.constant 0 : i32
      %dma_start3A_85 = tpu.memref_slice %arg8[%mul3A_67, %dma_start3A_84] : memref<125x80xi32, #tpu.memory_space<vmem>> -> memref<1x80xi32, #tpu.memory_space<vmem>>
      %dma_start3A_86 = tpu.memref_squeeze %dma_start3A_85 : memref<1x80xi32, #tpu.memory_space<vmem>> -> memref<80xi32, #tpu.memory_space<vmem>>
      %dma_start3A_87 = arith.constant 0 : i32
      %dma_start3A_88 = arith.constant 0 : i32
      %dma_start3A_89 = tpu.memref_slice %arg10[%dma_start3A_87, %dma_start3A_88] : memref<10000x128xf32, #tpu.memory_space<vmem_shared>> -> memref<10000x128xf32, #tpu.memory_space<vmem_shared>>
      tpu.enqueue_indirect_dma source(%arg9 : memref<80x128xf32, #tpu.memory_space<vmem>>) target(%dma_start3A_89 : memref<10000x128xf32, #tpu.memory_space<vmem_shared>>) offsets(%dma_start3A_86 : memref<80xi32, #tpu.memory_space<vmem>>) semaphore(%arg14 : memref<!tpu.dma_semaphore, #tpu.memory_space<semaphore_mem>>) {add = true}
      %add3A_90 = arith.constant 1 : i32
      %add3A_91 = arith.addi %mul3A_67, %add3A_90 : i32
      %mul3A_92 = arith.constant 80 : i32
      %mul3A_93 = arith.muli %add3A_91, %mul3A_92 : i32
      %dma_wait3A_94 = tpu.memref_slice %arg7[%mul3A_93] : memref<10000xi32, #tpu.memory_space<vmem>> -> memref<80xi32, #tpu.memory_space<vmem>>
      %dma_wait3A_95 = arith.constant 0 : i32
      %dma_wait3A_96 = arith.constant 0 : i32
      %dma_wait3A_97 = tpu.memref_slice %arg2[%dma_wait3A_95, %dma_wait3A_96] : memref<10000x128xf32, #tpu.memory_space<hbm>> -> memref<10000x128xf32, #tpu.memory_space<hbm>>
      tpu.wait_indirect_dma semaphore(%arg13 : memref<!tpu.dma_semaphore, #tpu.memory_space<semaphore_mem>>) src(%dma_wait3A_97 : memref<10000x128xf32, #tpu.memory_space<hbm>>) dst(%arg12 : memref<80x128xf32, #tpu.memory_space<vmem>>)
      %add3A_98 = arith.constant 1 : i32
      %add3A_99 = arith.addi %mul3A_67, %add3A_98 : i32
      %dma_start3A_100 = arith.constant 0 : i32
      %dma_start3A_101 = tpu.memref_slice %arg8[%add3A_99, %dma_start3A_100] : memref<125x80xi32, #tpu.memory_space<vmem>> -> memref<1x80xi32, #tpu.memory_space<vmem>>
      %dma_start3A_102 = tpu.memref_squeeze %dma_start3A_101 : memref<1x80xi32, #tpu.memory_space<vmem>> -> memref<80xi32, #tpu.memory_space<vmem>>
      %dma_start3A_103 = arith.constant 0 : i32
      %dma_start3A_104 = arith.constant 0 : i32
      %dma_start3A_105 = tpu.memref_slice %arg10[%dma_start3A_103, %dma_start3A_104] : memref<10000x128xf32, #tpu.memory_space<vmem_shared>> -> memref<10000x128xf32, #tpu.memory_space<vmem_shared>>
      tpu.enqueue_indirect_dma source(%arg12 : memref<80x128xf32, #tpu.memory_space<vmem>>) target(%dma_start3A_105 : memref<10000x128xf32, #tpu.memory_space<vmem_shared>>) offsets(%dma_start3A_102 : memref<80xi32, #tpu.memory_space<vmem>>) semaphore(%arg15 : memref<!tpu.dma_semaphore, #tpu.memory_space<semaphore_mem>>) {add = true}
      %dma_wait3A_106 = arith.constant 0 : i32
      %dma_wait3A_107 = tpu.memref_slice %arg8[%mul3A_67, %dma_wait3A_106] : memref<125x80xi32, #tpu.memory_space<vmem>> -> memref<1x80xi32, #tpu.memory_space<vmem>>
      %dma_wait3A_108 = tpu.memref_squeeze %dma_wait3A_107 : memref<1x80xi32, #tpu.memory_space<vmem>> -> memref<80xi32, #tpu.memory_space<vmem>>
      %dma_wait3A_109 = arith.constant 0 : i32
      %dma_wait3A_110 = arith.constant 0 : i32
      %dma_wait3A_111 = tpu.memref_slice %arg10[%dma_wait3A_109, %dma_wait3A_110] : memref<10000x128xf32, #tpu.memory_space<vmem_shared>> -> memref<10000x128xf32, #tpu.memory_space<vmem_shared>>
      tpu.wait_indirect_dma semaphore(%arg14 : memref<!tpu.dma_semaphore, #tpu.memory_space<semaphore_mem>>) src(%arg9 : memref<80x128xf32, #tpu.memory_space<vmem>>) dst(%dma_wait3A_111 : memref<10000x128xf32, #tpu.memory_space<vmem_shared>>)
      %add3A_112 = arith.constant 2 : i32
      %add3A_113 = arith.addi %mul3A_67, %add3A_112 : i32
      %lt3A = arith.constant 125 : i32
      %lt3A_114 = arith.cmpi slt, %add3A_113, %lt3A : i32
      %convert_element_type3A_115 = arith.extui %lt3A_114 : i1 to i32
      %cond3A_116 = arith.constant 0 : i32
      %cond3A_117 = arith.cmpi ne, %convert_element_type3A_115, %cond3A_116 : i32
      scf.if %cond3A_117 {
        %add3A_118 = arith.constant 2 : i32
        %add3A_119 = arith.addi %mul3A_67, %add3A_118 : i32
        %mul3A_120 = arith.constant 80 : i32
        %mul3A_121 = arith.muli %add3A_119, %mul3A_120 : i32
        %dma_start3A_122 = tpu.memref_slice %arg7[%mul3A_121] : memref<10000xi32, #tpu.memory_space<vmem>> -> memref<80xi32, #tpu.memory_space<vmem>>
        %dma_start3A_123 = arith.constant 0 : i32
        %dma_start3A_124 = arith.constant 0 : i32
        %dma_start3A_125 = tpu.memref_slice %arg2[%dma_start3A_123, %dma_start3A_124] : memref<10000x128xf32, #tpu.memory_space<hbm>> -> memref<10000x128xf32, #tpu.memory_space<hbm>>
        tpu.enqueue_indirect_dma source(%dma_start3A_125 : memref<10000x128xf32, #tpu.memory_space<hbm>>) target(%arg9 : memref<80x128xf32, #tpu.memory_space<vmem>>) offsets(%dma_start3A_122 : memref<80xi32, #tpu.memory_space<vmem>>) semaphore(%arg11 : memref<!tpu.dma_semaphore, #tpu.memory_space<semaphore_mem>>)
      } else {
      }
    }
    %scan3A_42 = arith.constant 62 : i32
    %dma_wait3A = arith.constant 123 : i32
    %dma_wait3A_43 = arith.constant 0 : i32
    %dma_wait3A_44 = tpu.memref_slice %arg8[%dma_wait3A, %dma_wait3A_43] : memref<125x80xi32, #tpu.memory_space<vmem>> -> memref<1x80xi32, #tpu.memory_space<vmem>>
    %dma_wait3A_45 = tpu.memref_squeeze %dma_wait3A_44 : memref<1x80xi32, #tpu.memory_space<vmem>> -> memref<80xi32, #tpu.memory_space<vmem>>
    %dma_wait3A_46 = arith.constant 0 : i32
    %dma_wait3A_47 = arith.constant 0 : i32
    %dma_wait3A_48 = tpu.memref_slice %arg10[%dma_wait3A_46, %dma_wait3A_47] : memref<10000x128xf32, #tpu.memory_space<vmem_shared>> -> memref<10000x128xf32, #tpu.memory_space<vmem_shared>>
    tpu.wait_indirect_dma semaphore(%arg15 : memref<!tpu.dma_semaphore, #tpu.memory_space<semaphore_mem>>) src(%arg12 : memref<80x128xf32, #tpu.memory_space<vmem>>) dst(%dma_wait3A_48 : memref<10000x128xf32, #tpu.memory_space<vmem_shared>>)
    %dma_wait3A_49 = arith.constant 9920 : i32
    %dma_wait3A_50 = tpu.memref_slice %arg7[%dma_wait3A_49] : memref<10000xi32, #tpu.memory_space<vmem>> -> memref<80xi32, #tpu.memory_space<vmem>>
    %dma_wait3A_51 = arith.constant 0 : i32
    %dma_wait3A_52 = arith.constant 0 : i32
    %dma_wait3A_53 = tpu.memref_slice %arg2[%dma_wait3A_51, %dma_wait3A_52] : memref<10000x128xf32, #tpu.memory_space<hbm>> -> memref<10000x128xf32, #tpu.memory_space<hbm>>
    tpu.wait_indirect_dma semaphore(%arg11 : memref<!tpu.dma_semaphore, #tpu.memory_space<semaphore_mem>>) src(%dma_wait3A_53 : memref<10000x128xf32, #tpu.memory_space<hbm>>) dst(%arg9 : memref<80x128xf32, #tpu.memory_space<vmem>>)
    %run_scoped3A = arith.constant 124 : i32
    "tpu.region"() ({
      %run_scoped3A_65 = tpu.sem_alloc : memref<!tpu.dma_semaphore, #tpu.memory_space<semaphore_mem>>
      %dma_start3A_66 = arith.constant 0 : i32
      %dma_start3A_67 = tpu.memref_slice %arg8[%run_scoped3A, %dma_start3A_66] : memref<125x80xi32, #tpu.memory_space<vmem>> -> memref<1x80xi32, #tpu.memory_space<vmem>>
      %dma_start3A_68 = tpu.memref_squeeze %dma_start3A_67 : memref<1x80xi32, #tpu.memory_space<vmem>> -> memref<80xi32, #tpu.memory_space<vmem>>
      %dma_start3A_69 = arith.constant 0 : i32
      %dma_start3A_70 = arith.constant 0 : i32
      %dma_start3A_71 = tpu.memref_slice %arg10[%dma_start3A_69, %dma_start3A_70] : memref<10000x128xf32, #tpu.memory_space<vmem_shared>> -> memref<10000x128xf32, #tpu.memory_space<vmem_shared>>
      tpu.enqueue_indirect_dma source(%arg9 : memref<80x128xf32, #tpu.memory_space<vmem>>) target(%dma_start3A_71 : memref<10000x128xf32, #tpu.memory_space<vmem_shared>>) offsets(%dma_start3A_68 : memref<80xi32, #tpu.memory_space<vmem>>) semaphore(%run_scoped3A_65 : memref<!tpu.dma_semaphore, #tpu.memory_space<semaphore_mem>>) {add = true}
      %dma_wait3A_72 = arith.constant 0 : i32
      %dma_wait3A_73 = tpu.memref_slice %arg8[%run_scoped3A, %dma_wait3A_72] : memref<125x80xi32, #tpu.memory_space<vmem>> -> memref<1x80xi32, #tpu.memory_space<vmem>>
      %dma_wait3A_74 = tpu.memref_squeeze %dma_wait3A_73 : memref<1x80xi32, #tpu.memory_space<vmem>> -> memref<80xi32, #tpu.memory_space<vmem>>
      %dma_wait3A_75 = arith.constant 0 : i32
      %dma_wait3A_76 = arith.constant 0 : i32
      %dma_wait3A_77 = tpu.memref_slice %arg10[%dma_wait3A_75, %dma_wait3A_76] : memref<10000x128xf32, #tpu.memory_space<vmem_shared>> -> memref<10000x128xf32, #tpu.memory_space<vmem_shared>>
      tpu.wait_indirect_dma semaphore(%run_scoped3A_65 : memref<!tpu.dma_semaphore, #tpu.memory_space<semaphore_mem>>) src(%arg9 : memref<80x128xf32, #tpu.memory_space<vmem>>) dst(%dma_wait3A_77 : memref<10000x128xf32, #tpu.memory_space<vmem_shared>>)
      tpu.yield
    }) : () -> ()
    %barrier3A_54 = arith.constant 0 : index
    tpu.barrier barrier_id(%barrier3A_54)
    %while3A_55 = arith.constant 0 : i32
    %while3A_56 = arith.constant 0 : i32
    %while3A_57 = arith.subi %select_n3A, %while3A_56 : i32
    %while3A_58 = arith.addi %while3A_56, %while3A_57 : i32
    %while3A_59 = arith.constant 1 : i32
    %while3A_60 = arith.divsi %while3A_57, %while3A_59 : i32
    %while3A_61 = arith.muli %while3A_60, %while3A_59 : i32
    %while3A_62 = arith.addi %while3A_56, %while3A_61 : i32
    %while3A_63 = arith.constant 1 : i32
    scf.for %while3A_65 = %while3A_56 to %while3A_62 step %while3A_63  : i32 {
      %mul3A_66 = arith.constant 16 : i32
      %mul3A_67 = arith.muli %while3A_65, %mul3A_66 : i32
      %add3A_68 = arith.addi %arg1, %mul3A_67 : i32
      %mul3A_69 = arith.constant 80 : i32
      %mul3A_70 = arith.muli %add3A_68, %mul3A_69 : i32
      "tpu.region"() ({
        %run_scoped3A_71 = tpu.sem_alloc : memref<!tpu.dma_semaphore, #tpu.memory_space<semaphore_mem>>
        %dma_start3A_72 = arith.constant 0 : i32
        %dma_start3A_73 = tpu.memref_slice %arg10[%mul3A_70, %dma_start3A_72] : memref<10000x128xf32, #tpu.memory_space<vmem_shared>> -> memref<80x128xf32, #tpu.memory_space<vmem_shared>>
        %dma_start3A_74 = arith.constant 0 : i32
        %dma_start3A_75 = tpu.memref_slice %arg10[%mul3A_70, %dma_start3A_74] : memref<10000x128xf32, #tpu.memory_space<vmem_shared>> -> memref<80x128xf32, #tpu.memory_space<vmem_shared>>
        tpu.enqueue_dma source(%dma_start3A_75 : memref<80x128xf32, #tpu.memory_space<vmem_shared>>) target(%arg9 : memref<80x128xf32, #tpu.memory_space<vmem>>) target_semaphore(%run_scoped3A_71 : memref<!tpu.dma_semaphore, #tpu.memory_space<semaphore_mem>>)
        %dma_wait3A_76 = arith.constant 0 : i32
        %dma_wait3A_77 = tpu.memref_slice %arg10[%mul3A_70, %dma_wait3A_76] : memref<10000x128xf32, #tpu.memory_space<vmem_shared>> -> memref<80x128xf32, #tpu.memory_space<vmem_shared>>
        %dma_wait3A_78 = arith.constant 0 : i32
        %dma_wait3A_79 = tpu.memref_slice %arg10[%mul3A_70, %dma_wait3A_78] : memref<10000x128xf32, #tpu.memory_space<vmem_shared>> -> memref<80x128xf32, #tpu.memory_space<vmem_shared>>
        tpu.wait_dma2 semaphore(%run_scoped3A_71 : memref<!tpu.dma_semaphore, #tpu.memory_space<semaphore_mem>>) src(%dma_wait3A_79 : memref<80x128xf32, #tpu.memory_space<vmem_shared>>) dst(%arg9 : memref<80x128xf32, #tpu.memory_space<vmem>>)
        tpu.yield
      }) : () -> ()
      "tpu.region"() ({
        %run_scoped3A_71 = tpu.sem_alloc : memref<!tpu.dma_semaphore, #tpu.memory_space<semaphore_mem>>
        %dma_start3A_72 = arith.constant 0 : i32
        %dma_start3A_73 = tpu.memref_slice %arg6[%arg0, %mul3A_70, %dma_start3A_72] : memref<2x10000x128xf32, #tpu.memory_space<hbm>> -> memref<1x80x128xf32, #tpu.memory_space<hbm>>
        %dma_start3A_74 = tpu.memref_squeeze %dma_start3A_73 : memref<1x80x128xf32, #tpu.memory_space<hbm>> -> memref<80x128xf32, #tpu.memory_space<hbm>>
        %dma_start3A_75 = arith.constant 0 : i32
        %dma_start3A_76 = tpu.memref_slice %arg6[%arg0, %mul3A_70, %dma_start3A_75] : memref<2x10000x128xf32, #tpu.memory_space<hbm>> -> memref<1x80x128xf32, #tpu.memory_space<hbm>>
        %dma_start3A_77 = tpu.memref_squeeze %dma_start3A_76 : memref<1x80x128xf32, #tpu.memory_space<hbm>> -> memref<80x128xf32, #tpu.memory_space<hbm>>
        tpu.enqueue_dma source(%arg9 : memref<80x128xf32, #tpu.memory_space<vmem>>) target(%dma_start3A_77 : memref<80x128xf32, #tpu.memory_space<hbm>>) target_semaphore(%run_scoped3A_71 : memref<!tpu.dma_semaphore, #tpu.memory_space<semaphore_mem>>)
        %dma_wait3A_78 = arith.constant 0 : i32
        %dma_wait3A_79 = tpu.memref_slice %arg6[%arg0, %mul3A_70, %dma_wait3A_78] : memref<2x10000x128xf32, #tpu.memory_space<hbm>> -> memref<1x80x128xf32, #tpu.memory_space<hbm>>
        %dma_wait3A_80 = tpu.memref_squeeze %dma_wait3A_79 : memref<1x80x128xf32, #tpu.memory_space<hbm>> -> memref<80x128xf32, #tpu.memory_space<hbm>>
        %dma_wait3A_81 = arith.constant 0 : i32
        %dma_wait3A_82 = tpu.memref_slice %arg6[%arg0, %mul3A_70, %dma_wait3A_81] : memref<2x10000x128xf32, #tpu.memory_space<hbm>> -> memref<1x80x128xf32, #tpu.memory_space<hbm>>
        %dma_wait3A_83 = tpu.memref_squeeze %dma_wait3A_82 : memref<1x80x128xf32, #tpu.memory_space<hbm>> -> memref<80x128xf32, #tpu.memory_space<hbm>>
        tpu.wait_dma2 semaphore(%run_scoped3A_71 : memref<!tpu.dma_semaphore, #tpu.memory_space<semaphore_mem>>) src(%arg9 : memref<80x128xf32, #tpu.memory_space<vmem>>) dst(%dma_wait3A_83 : memref<80x128xf32, #tpu.memory_space<hbm>>)
        tpu.yield
      }) : () -> ()
    }
    %while3A_64 = arith.constant 1 : i32
    scf.for %while3A_65 = %while3A_62 to %while3A_58 step %while3A_64  : i32 {
      %mul3A_66 = arith.constant 16 : i32
      %mul3A_67 = arith.muli %while3A_65, %mul3A_66 : i32
      %add3A_68 = arith.addi %arg1, %mul3A_67 : i32
      %mul3A_69 = arith.constant 80 : i32
      %mul3A_70 = arith.muli %add3A_68, %mul3A_69 : i32
      "tpu.region"() ({
        %run_scoped3A_71 = tpu.sem_alloc : memref<!tpu.dma_semaphore, #tpu.memory_space<semaphore_mem>>
        %dma_start3A_72 = arith.constant 0 : i32
        %dma_start3A_73 = tpu.memref_slice %arg10[%mul3A_70, %dma_start3A_72] : memref<10000x128xf32, #tpu.memory_space<vmem_shared>> -> memref<80x128xf32, #tpu.memory_space<vmem_shared>>
        %dma_start3A_74 = arith.constant 0 : i32
        %dma_start3A_75 = tpu.memref_slice %arg10[%mul3A_70, %dma_start3A_74] : memref<10000x128xf32, #tpu.memory_space<vmem_shared>> -> memref<80x128xf32, #tpu.memory_space<vmem_shared>>
        tpu.enqueue_dma source(%dma_start3A_75 : memref<80x128xf32, #tpu.memory_space<vmem_shared>>) target(%arg9 : memref<80x128xf32, #tpu.memory_space<vmem>>) target_semaphore(%run_scoped3A_71 : memref<!tpu.dma_semaphore, #tpu.memory_space<semaphore_mem>>)
        %dma_wait3A_76 = arith.constant 0 : i32
        %dma_wait3A_77 = tpu.memref_slice %arg10[%mul3A_70, %dma_wait3A_76] : memref<10000x128xf32, #tpu.memory_space<vmem_shared>> -> memref<80x128xf32, #tpu.memory_space<vmem_shared>>
        %dma_wait3A_78 = arith.constant 0 : i32
        %dma_wait3A_79 = tpu.memref_slice %arg10[%mul3A_70, %dma_wait3A_78] : memref<10000x128xf32, #tpu.memory_space<vmem_shared>> -> memref<80x128xf32, #tpu.memory_space<vmem_shared>>
        tpu.wait_dma2 semaphore(%run_scoped3A_71 : memref<!tpu.dma_semaphore, #tpu.memory_space<semaphore_mem>>) src(%dma_wait3A_79 : memref<80x128xf32, #tpu.memory_space<vmem_shared>>) dst(%arg9 : memref<80x128xf32, #tpu.memory_space<vmem>>)
        tpu.yield
      }) : () -> ()
      "tpu.region"() ({
        %run_scoped3A_71 = tpu.sem_alloc : memref<!tpu.dma_semaphore, #tpu.memory_space<semaphore_mem>>
        %dma_start3A_72 = arith.constant 0 : i32
        %dma_start3A_73 = tpu.memref_slice %arg6[%arg0, %mul3A_70, %dma_start3A_72] : memref<2x10000x128xf32, #tpu.memory_space<hbm>> -> memref<1x80x128xf32, #tpu.memory_space<hbm>>
        %dma_start3A_74 = tpu.memref_squeeze %dma_start3A_73 : memref<1x80x128xf32, #tpu.memory_space<hbm>> -> memref<80x128xf32, #tpu.memory_space<hbm>>
        %dma_start3A_75 = arith.constant 0 : i32
        %dma_start3A_76 = tpu.memref_slice %arg6[%arg0, %mul3A_70, %dma_start3A_75] : memref<2x10000x128xf32, #tpu.memory_space<hbm>> -> memref<1x80x128xf32, #tpu.memory_space<hbm>>
        %dma_start3A_77 = tpu.memref_squeeze %dma_start3A_76 : memref<1x80x128xf32, #tpu.memory_space<hbm>> -> memref<80x128xf32, #tpu.memory_space<hbm>>
        tpu.enqueue_dma source(%arg9 : memref<80x128xf32, #tpu.memory_space<vmem>>) target(%dma_start3A_77 : memref<80x128xf32, #tpu.memory_space<hbm>>) target_semaphore(%run_scoped3A_71 : memref<!tpu.dma_semaphore, #tpu.memory_space<semaphore_mem>>)
        %dma_wait3A_78 = arith.constant 0 : i32
        %dma_wait3A_79 = tpu.memref_slice %arg6[%arg0, %mul3A_70, %dma_wait3A_78] : memref<2x10000x128xf32, #tpu.memory_space<hbm>> -> memref<1x80x128xf32, #tpu.memory_space<hbm>>
        %dma_wait3A_80 = tpu.memref_squeeze %dma_wait3A_79 : memref<1x80x128xf32, #tpu.memory_space<hbm>> -> memref<80x128xf32, #tpu.memory_space<hbm>>
        %dma_wait3A_81 = arith.constant 0 : i32
        %dma_wait3A_82 = tpu.memref_slice %arg6[%arg0, %mul3A_70, %dma_wait3A_81] : memref<2x10000x128xf32, #tpu.memory_space<hbm>> -> memref<1x80x128xf32, #tpu.memory_space<hbm>>
        %dma_wait3A_83 = tpu.memref_squeeze %dma_wait3A_82 : memref<1x80x128xf32, #tpu.memory_space<hbm>> -> memref<80x128xf32, #tpu.memory_space<hbm>>
        tpu.wait_dma2 semaphore(%run_scoped3A_71 : memref<!tpu.dma_semaphore, #tpu.memory_space<semaphore_mem>>) src(%arg9 : memref<80x128xf32, #tpu.memory_space<vmem>>) dst(%dma_wait3A_83 : memref<80x128xf32, #tpu.memory_space<hbm>>)
        tpu.yield
      }) : () -> ()
    }
    return
  }
}

module attributes {stable_mosaic.version = 14 : i64} {
  func.func @_cntred_body(%arg0: i32, %arg1: memref<2x1000x128xf32, #tpu.memory_space<vmem>>, %arg2: memref<1000x1xf32, #tpu.memory_space<vmem>>) attributes {dimension_semantics = [#tpu.dimension_semantics<arbitrary>], iteration_bounds = array<i64: 10>, scalar_prefetch = 0 : i64, scratch_operands = 0 : i64, tpu.core_type = #tpu.core_type<tc>, window_params = [{transform_indices = @transform_0, window_bounds = array<i64: 2, 1000, 128>}, {transform_indices = @transform_1, window_bounds = array<i64: 1000, 1>}]} {
    %get3A = arith.constant 0 : index
    %get3A_0 = arith.constant 0 : index
    %get3A_1 = arith.constant 0 : index
    %get3A_2 = vector.load %arg1[%get3A, %get3A_0, %get3A_1] : memref<2x1000x128xf32, #tpu.memory_space<vmem>>, vector<1x1000x1xf32>
    %get3A_3 = vector.shape_cast %get3A_2 : vector<1x1000x1xf32> to vector<1000x1xf32>
    %get3A_4 = arith.constant 1 : index
    %get3A_5 = arith.constant 0 : index
    %get3A_6 = arith.constant 0 : index
    %get3A_7 = vector.load %arg1[%get3A_4, %get3A_5, %get3A_6] : memref<2x1000x128xf32, #tpu.memory_space<vmem>>, vector<1x1000x1xf32>
    %get3A_8 = vector.shape_cast %get3A_7 : vector<1x1000x1xf32> to vector<1000x1xf32>
    %add3A = arith.addf %get3A_3, %get3A_8 : vector<1000x1xf32>
    %max3A = arith.constant 1.000000e+00 : f32
    %max3A_9 = vector.broadcast %max3A : f32 to vector<1000x1xf32>
    %max3A_10 = arith.maximumf %add3A, %max3A_9 : vector<1000x1xf32>
    %div3A = arith.constant 1.000000e+00 : f32
    %div3A_11 = vector.broadcast %div3A : f32 to vector<1000x1xf32>
    %div3A_12 = arith.divf %div3A_11, %max3A_10 : vector<1000x1xf32>
    %swap3A = arith.constant 0 : index
    %swap3A_13 = arith.constant 0 : index
    %swap3A_14 = vector.load %arg2[%swap3A, %swap3A_13] : memref<1000x1xf32, #tpu.memory_space<vmem>>, vector<1000x1xf32>
    tpu.vector_store %arg2[%swap3A, %swap3A_13], %div3A_12 {strides = array<i32>} : memref<1000x1xf32, #tpu.memory_space<vmem>>, vector<1000x1xf32>,
    return
  }
  func.func @transform_0(%arg0: i32) -> (i32, i32, i32) {
    %c0_i32 = arith.constant 0 : i32
    %c0_i32_0 = arith.constant 0 : i32
    %c0_i32_1 = arith.constant 0 : i32
    return %c0_i32, %arg0, %c0_i32_0 : i32, i32, i32
  }
  func.func @transform_1(%arg0: i32) -> (i32, i32) {
    %c0_i32 = arith.constant 0 : i32
    %c0_i32_0 = arith.constant 0 : i32
    return %arg0, %c0_i32 : i32, i32
  }
}

module attributes {stable_mosaic.version = 14 : i64} {
  func.func @_dense_body(%arg0: i32, %arg1: memref<2x1000x128xf32, #tpu.memory_space<vmem>>, %arg2: memref<1000x1xf32, #tpu.memory_space<vmem>>, %arg3: memref<1000x128xf32, #tpu.memory_space<vmem>>, %arg4: memref<128x128xf32, #tpu.memory_space<vmem>>, %arg5: memref<1x128xf32, #tpu.memory_space<vmem>>, %arg6: memref<128x128xf32, #tpu.memory_space<vmem>>, %arg7: memref<1000x128xf32, #tpu.memory_space<vmem>>) attributes {dimension_semantics = [#tpu.dimension_semantics<arbitrary>], iteration_bounds = array<i64: 10>, scalar_prefetch = 0 : i64, scratch_operands = 0 : i64, tpu.core_type = #tpu.core_type<tc>, window_params = [{transform_indices = @transform_0, window_bounds = array<i64: 2, 1000, 128>}, {transform_indices = @transform_1, window_bounds = array<i64: 1000, 1>}, {transform_indices = @transform_2, window_bounds = array<i64: 1000, 128>}, {pipeline_mode = #tpu.pipeline_mode<synchronous>, transform_indices = @transform_3, window_bounds = array<i64: 128, 128>}, {pipeline_mode = #tpu.pipeline_mode<synchronous>, transform_indices = @transform_4, window_bounds = array<i64: 1, 128>}, {pipeline_mode = #tpu.pipeline_mode<synchronous>, transform_indices = @transform_5, window_bounds = array<i64: 128, 128>}, {transform_indices = @transform_6, window_bounds = array<i64: 1000, 128>}]} {
    %get3A = arith.constant 0 : index
    %get3A_0 = arith.constant 0 : index
    %get3A_1 = arith.constant 0 : index
    %get3A_2 = vector.load %arg1[%get3A, %get3A_0, %get3A_1] : memref<2x1000x128xf32, #tpu.memory_space<vmem>>, vector<1x1000x128xf32>
    %get3A_3 = vector.shape_cast %get3A_2 : vector<1x1000x128xf32> to vector<1000x128xf32>
    %get3A_4 = arith.constant 1 : index
    %get3A_5 = arith.constant 0 : index
    %get3A_6 = arith.constant 0 : index
    %get3A_7 = vector.load %arg1[%get3A_4, %get3A_5, %get3A_6] : memref<2x1000x128xf32, #tpu.memory_space<vmem>>, vector<1x1000x128xf32>
    %get3A_8 = vector.shape_cast %get3A_7 : vector<1x1000x128xf32> to vector<1000x128xf32>
    %add3A = arith.addf %get3A_3, %get3A_8 : vector<1000x128xf32>
    %get3A_9 = arith.constant 0 : index
    %get3A_10 = arith.constant 0 : index
    %get3A_11 = vector.load %arg2[%get3A_9, %get3A_10] : memref<1000x1xf32, #tpu.memory_space<vmem>>, vector<1000x1xf32>
    %mul3A = vector.broadcast %get3A_11 : vector<1000x1xf32> to vector<1000x128xf32>
    %mul3A_12 = arith.mulf %add3A, %mul3A : vector<1000x128xf32>
    %get3A_13 = arith.constant 0 : index
    %get3A_14 = arith.constant 0 : index
    %get3A_15 = vector.load %arg4[%get3A_13, %get3A_14] : memref<128x128xf32, #tpu.memory_space<vmem>>, vector<128x128xf32>
    %dot_general3A = arith.constant dense<0.000000e+00> : vector<1000x128xf32>
    %dot_general3A_16 = tpu.matmul %mul3A_12, %get3A_15, %dot_general3A {dimension_numbers = #tpu.dot_dimension_numbers<[1], [0], [0], [1], [0, 0, 1, 1], [], []>, transpose_lhs_hint = false} : vector<1000x128xf32>, vector<128x128xf32>, vector<1000x128xf32> -> vector<1000x128xf32>
    %get3A_17 = arith.constant 0 : index
    %get3A_18 = arith.constant 0 : index
    %get3A_19 = vector.load %arg3[%get3A_17, %get3A_18] : memref<1000x128xf32, #tpu.memory_space<vmem>>, vector<1000x128xf32>
    %get3A_20 = arith.constant 0 : index
    %get3A_21 = arith.constant 0 : index
    %get3A_22 = vector.load %arg6[%get3A_20, %get3A_21] : memref<128x128xf32, #tpu.memory_space<vmem>>, vector<128x128xf32>
    %dot_general3A_23 = arith.constant dense<0.000000e+00> : vector<1000x128xf32>
    %dot_general3A_24 = tpu.matmul %get3A_19, %get3A_22, %dot_general3A_23 {dimension_numbers = #tpu.dot_dimension_numbers<[1], [0], [0], [1], [0, 0, 1, 1], [], []>, transpose_lhs_hint = false} : vector<1000x128xf32>, vector<128x128xf32>, vector<1000x128xf32> -> vector<1000x128xf32>
    %add3A_25 = arith.addf %dot_general3A_16, %dot_general3A_24 : vector<1000x128xf32>
    %get3A_26 = arith.constant 0 : index
    %get3A_27 = arith.constant 0 : index
    %get3A_28 = vector.load %arg5[%get3A_26, %get3A_27] : memref<1x128xf32, #tpu.memory_space<vmem>>, vector<1x128xf32>
    %add3A_29 = vector.broadcast %get3A_28 : vector<1x128xf32> to vector<1000x128xf32>
    %add3A_30 = arith.addf %add3A_25, %add3A_29 : vector<1000x128xf32>
    %max3A = arith.constant 0.000000e+00 : f32
    %max3A_31 = vector.broadcast %max3A : f32 to vector<1000x128xf32>
    %max3A_32 = arith.maximumf %add3A_30, %max3A_31 : vector<1000x128xf32>
    %swap3A = arith.constant 0 : index
    %swap3A_33 = arith.constant 0 : index
    %swap3A_34 = vector.load %arg7[%swap3A, %swap3A_33] : memref<1000x128xf32, #tpu.memory_space<vmem>>, vector<1000x128xf32>
    tpu.vector_store %arg7[%swap3A, %swap3A_33], %max3A_32 {strides = array<i32>} : memref<1000x128xf32, #tpu.memory_space<vmem>>, vector<1000x128xf32>,
    return
  }
  func.func @transform_0(%arg0: i32) -> (i32, i32, i32) {
    %c0_i32 = arith.constant 0 : i32
    %c0_i32_0 = arith.constant 0 : i32
    %c0_i32_1 = arith.constant 0 : i32
    return %c0_i32, %arg0, %c0_i32_0 : i32, i32, i32
  }
  func.func @transform_1(%arg0: i32) -> (i32, i32) {
    %c0_i32 = arith.constant 0 : i32
    %c0_i32_0 = arith.constant 0 : i32
    return %arg0, %c0_i32 : i32, i32
  }
  func.func @transform_2(%arg0: i32) -> (i32, i32) {
    %c0_i32 = arith.constant 0 : i32
    %c0_i32_0 = arith.constant 0 : i32
    return %arg0, %c0_i32 : i32, i32
  }
  func.func @transform_3(%arg0: i32) -> (i32, i32) {
    %c0_i32 = arith.constant 0 : i32
    %c0_i32_0 = arith.constant 0 : i32
    %c0_i32_1 = arith.constant 0 : i32
    return %c0_i32, %c0_i32_0 : i32, i32
  }
  func.func @transform_4(%arg0: i32) -> (i32, i32) {
    %c0_i32 = arith.constant 0 : i32
    %c0_i32_0 = arith.constant 0 : i32
    %c0_i32_1 = arith.constant 0 : i32
    return %c0_i32, %c0_i32_0 : i32, i32
  }
  func.func @transform_5(%arg0: i32) -> (i32, i32) {
    %c0_i32 = arith.constant 0 : i32
    %c0_i32_0 = arith.constant 0 : i32
    %c0_i32_1 = arith.constant 0 : i32
    return %c0_i32, %c0_i32_0 : i32, i32
  }
  func.func @transform_6(%arg0: i32) -> (i32, i32) {
    %c0_i32 = arith.constant 0 : i32
    %c0_i32_0 = arith.constant 0 : i32
    return %arg0, %c0_i32 : i32, i32
  }
}

module attributes {stable_mosaic.version = 14 : i64} {
  func.func @_final_body(%arg0: i32, %arg1: memref<2x1000x128xf32, #tpu.memory_space<vmem>>, %arg2: memref<1000x1xf32, #tpu.memory_space<vmem>>, %arg3: memref<1000x128xf32, #tpu.memory_space<vmem>>, %arg4: memref<128x128xf32, #tpu.memory_space<vmem>>, %arg5: memref<1x128xf32, #tpu.memory_space<vmem>>, %arg6: memref<128x128xf32, #tpu.memory_space<vmem>>, %arg7: memref<128x1xf32, #tpu.memory_space<vmem>>, %arg8: memref<1x1xf32, #tpu.memory_space<vmem>>, %arg9: memref<128x128xf32, #tpu.memory_space<vmem>>, %arg10: memref<1x128xf32, #tpu.memory_space<vmem>>, %arg11: memref<128x40xf32, #tpu.memory_space<vmem>>, %arg12: memref<1x40xf32, #tpu.memory_space<vmem>>, %arg13: memref<1000x1xi32, #tpu.memory_space<vmem>>, %arg14: memref<64x40xf32, #tpu.memory_space<vmem>>, %arg15: memref<1x64xf32, #tpu.memory_space<vmem>>, %arg16: memref<1x64xf32, #tpu.memory_space<vmem>>, %arg17: memref<128x64xf32, #tpu.memory_space<vmem>>) attributes {dimension_semantics = [#tpu.dimension_semantics<arbitrary>], iteration_bounds = array<i64: 10>, scalar_prefetch = 0 : i64, scratch_operands = 3 : i64, tpu.core_type = #tpu.core_type<tc>, window_params = [{transform_indices = @transform_0, window_bounds = array<i64: 2, 1000, 128>}, {transform_indices = @transform_1, window_bounds = array<i64: 1000, 1>}, {transform_indices = @transform_2, window_bounds = array<i64: 1000, 128>}, {pipeline_mode = #tpu.pipeline_mode<synchronous>, transform_indices = @transform_3, window_bounds = array<i64: 128, 128>}, {pipeline_mode = #tpu.pipeline_mode<synchronous>, transform_indices = @transform_4, window_bounds = array<i64: 1, 128>}, {pipeline_mode = #tpu.pipeline_mode<synchronous>, transform_indices = @transform_5, window_bounds = array<i64: 128, 128>}, {pipeline_mode = #tpu.pipeline_mode<synchronous>, transform_indices = @transform_6, window_bounds = array<i64: 128, 1>}, {pipeline_mode = #tpu.pipeline_mode<synchronous>, transform_indices = @transform_7, window_bounds = array<i64: 1, 1>}, {pipeline_mode = #tpu.pipeline_mode<synchronous>, transform_indices = @transform_8, window_bounds = array<i64: 128, 128>}, {pipeline_mode = #tpu.pipeline_mode<synchronous>, transform_indices = @transform_9, window_bounds = array<i64: 1, 128>}, {pipeline_mode = #tpu.pipeline_mode<synchronous>, transform_indices = @transform_10, window_bounds = array<i64: 128, 40>}, {pipeline_mode = #tpu.pipeline_mode<synchronous>, transform_indices = @transform_11, window_bounds = array<i64: 1, 40>}, {transform_indices = @transform_12, window_bounds = array<i64: 1000, 1>}, {pipeline_mode = #tpu.pipeline_mode<synchronous>, transform_indices = @transform_13, window_bounds = array<i64: 64, 40>}]} {
    %get3A = arith.constant 0 : index
    %get3A_0 = arith.constant 0 : index
    %get3A_1 = arith.constant 0 : index
    %get3A_2 = vector.load %arg1[%get3A, %get3A_0, %get3A_1] : memref<2x1000x128xf32, #tpu.memory_space<vmem>>, vector<1x1000x128xf32>
    %get3A_3 = vector.shape_cast %get3A_2 : vector<1x1000x128xf32> to vector<1000x128xf32>
    %get3A_4 = arith.constant 1 : index
    %get3A_5 = arith.constant 0 : index
    %get3A_6 = arith.constant 0 : index
    %get3A_7 = vector.load %arg1[%get3A_4, %get3A_5, %get3A_6] : memref<2x1000x128xf32, #tpu.memory_space<vmem>>, vector<1x1000x128xf32>
    %get3A_8 = vector.shape_cast %get3A_7 : vector<1x1000x128xf32> to vector<1000x128xf32>
    %add3A = arith.addf %get3A_3, %get3A_8 : vector<1000x128xf32>
    %get3A_9 = arith.constant 0 : index
    %get3A_10 = arith.constant 0 : index
    %get3A_11 = vector.load %arg2[%get3A_9, %get3A_10] : memref<1000x1xf32, #tpu.memory_space<vmem>>, vector<1000x1xf32>
    %mul3A = vector.broadcast %get3A_11 : vector<1000x1xf32> to vector<1000x128xf32>
    %mul3A_12 = arith.mulf %add3A, %mul3A : vector<1000x128xf32>
    %get3A_13 = arith.constant 0 : index
    %get3A_14 = arith.constant 0 : index
    %get3A_15 = vector.load %arg4[%get3A_13, %get3A_14] : memref<128x128xf32, #tpu.memory_space<vmem>>, vector<128x128xf32>
    %dot_general3A = arith.constant dense<0.000000e+00> : vector<1000x128xf32>
    %dot_general3A_16 = tpu.matmul %mul3A_12, %get3A_15, %dot_general3A {dimension_numbers = #tpu.dot_dimension_numbers<[1], [0], [0], [1], [0, 0, 1, 1], [], []>, transpose_lhs_hint = false} : vector<1000x128xf32>, vector<128x128xf32>, vector<1000x128xf32> -> vector<1000x128xf32>
    %get3A_17 = arith.constant 0 : index
    %get3A_18 = arith.constant 0 : index
    %get3A_19 = vector.load %arg3[%get3A_17, %get3A_18] : memref<1000x128xf32, #tpu.memory_space<vmem>>, vector<1000x128xf32>
    %get3A_20 = arith.constant 0 : index
    %get3A_21 = arith.constant 0 : index
    %get3A_22 = vector.load %arg6[%get3A_20, %get3A_21] : memref<128x128xf32, #tpu.memory_space<vmem>>, vector<128x128xf32>
    %dot_general3A_23 = arith.constant dense<0.000000e+00> : vector<1000x128xf32>
    %dot_general3A_24 = tpu.matmul %get3A_19, %get3A_22, %dot_general3A_23 {dimension_numbers = #tpu.dot_dimension_numbers<[1], [0], [0], [1], [0, 0, 1, 1], [], []>, transpose_lhs_hint = false} : vector<1000x128xf32>, vector<128x128xf32>, vector<1000x128xf32> -> vector<1000x128xf32>
    %add3A_25 = arith.addf %dot_general3A_16, %dot_general3A_24 : vector<1000x128xf32>
    %get3A_26 = arith.constant 0 : index
    %get3A_27 = arith.constant 0 : index
    %get3A_28 = vector.load %arg5[%get3A_26, %get3A_27] : memref<1x128xf32, #tpu.memory_space<vmem>>, vector<1x128xf32>
    %add3A_29 = vector.broadcast %get3A_28 : vector<1x128xf32> to vector<1000x128xf32>
    %add3A_30 = arith.addf %add3A_25, %add3A_29 : vector<1000x128xf32>
    %max3A = arith.constant 0.000000e+00 : f32
    %max3A_31 = vector.broadcast %max3A : f32 to vector<1000x128xf32>
    %max3A_32 = arith.maximumf %add3A_30, %max3A_31 : vector<1000x128xf32>
    %get3A_33 = arith.constant 0 : index
    %get3A_34 = arith.constant 0 : index
    %get3A_35 = vector.load %arg7[%get3A_33, %get3A_34] : memref<128x1xf32, #tpu.memory_space<vmem>>, vector<128x1xf32>
    %dot_general3A_36 = arith.constant dense<0.000000e+00> : vector<1000x1xf32>
    %dot_general3A_37 = tpu.matmul %max3A_32, %get3A_35, %dot_general3A_36 {dimension_numbers = #tpu.dot_dimension_numbers<[1], [0], [0], [1], [0, 0, 1, 1], [], []>, transpose_lhs_hint = false} : vector<1000x128xf32>, vector<128x1xf32>, vector<1000x1xf32> -> vector<1000x1xf32>
    %get3A_38 = arith.constant 0 : index
    %get3A_39 = arith.constant 0 : index
    %get3A_40 = vector.load %arg8[%get3A_38, %get3A_39] : memref<1x1xf32, #tpu.memory_space<vmem>>, vector<1x1xf32>
    %add3A_41 = vector.broadcast %get3A_40 : vector<1x1xf32> to vector<1000x1xf32>
    %add3A_42 = arith.addf %dot_general3A_37, %add3A_41 : vector<1000x1xf32>
    %iota3A = tpu.iota {dimensions = array<i32: 1>} : vector<1000x64xi32>
    %get3A_43 = arith.constant 0 : index
    %get3A_44 = arith.constant 0 : index
    %get3A_45 = vector.load %arg13[%get3A_43, %get3A_44] : memref<1000x1xi32, #tpu.memory_space<vmem>>, vector<1000x1xi32>
    %eq3A = vector.broadcast %get3A_45 : vector<1000x1xi32> to vector<1000x64xi32>
    %eq3A_46 = arith.cmpi eq, %eq3A, %iota3A : vector<1000x64xi32>
    %eq3A_47 = arith.constant 0 : i32
    %eq3A_48 = arith.cmpi eq, %arg0, %eq3A_47 : i32
    %get3A_49 = arith.constant 0 : index
    %get3A_50 = arith.constant 0 : index
    %get3A_51 = vector.load %arg15[%get3A_49, %get3A_50] : memref<1x64xf32, #tpu.memory_space<vmem>>, vector<1x64xf32>
    %jit3A = arith.constant 0xFF800000 : f32
    %broadcast_in_dim3A = vector.broadcast %jit3A : f32 to vector<1x64xf32>
    %select_n3A = arith.select %eq3A_48, %broadcast_in_dim3A, %get3A_51 : vector<1x64xf32>
    %jit3A_52 = arith.constant 0xFF800000 : f32
    %broadcast_in_dim3A_53 = vector.shape_cast %add3A_42 : vector<1000x1xf32> to vector<1000x1xf32>
    %broadcast_in_dim3A_54 = vector.broadcast %broadcast_in_dim3A_53 : vector<1000x1xf32> to vector<1000x64xf32>
    %broadcast_in_dim3A_55 = vector.broadcast %jit3A_52 : f32 to vector<1000x64xf32>
    %select_n3A_56 = arith.select %eq3A_46, %broadcast_in_dim3A_54, %broadcast_in_dim3A_55 : vector<1000x64xi1>, vector<1000x64xf32>
    %reduce_max3A = arith.constant dense<0xFF800000> : vector<64xf32>
    %reduce_max3A_57 = vector.multi_reduction <maximumf>, %select_n3A_56, %reduce_max3A [0] : vector<1000x64xf32> to vector<64xf32>
    %broadcast_in_dim3A_58 = vector.shape_cast %reduce_max3A_57 : vector<64xf32> to vector<1x64xf32>
    %max3A_59 = arith.maximumf %select_n3A, %broadcast_in_dim3A_58 : vector<1x64xf32>
    %is_finite3A = tpu.weird %max3A_59 : vector<1x64xf32> -> vector<1x64xi1>
    %is_finite3A_60 = arith.constant dense<true> : vector<1x64xi1>
    %is_finite3A_61 = arith.xori %is_finite3A, %is_finite3A_60 : vector<1x64xi1>
    %sub3A = arith.subf %select_n3A, %max3A_59 : vector<1x64xf32>
    %exp3A = math.exp %sub3A : vector<1x64xf32>
    %jit3A_62 = arith.constant 0.000000e+00 : f32
    %broadcast_in_dim3A_63 = vector.broadcast %jit3A_62 : f32 to vector<1x64xf32>
    %select_n3A_64 = arith.select %is_finite3A_61, %exp3A, %broadcast_in_dim3A_63 : vector<1x64xi1>, vector<1x64xf32>
    %jit3A_65 = arith.constant 0xFF800000 : f32
    %broadcast_in_dim3A_66 = vector.shape_cast %max3A_59 : vector<1x64xf32> to vector<1x64xf32>
    %broadcast_in_dim3A_67 = vector.broadcast %broadcast_in_dim3A_66 : vector<1x64xf32> to vector<1000x64xf32>
    %broadcast_in_dim3A_68 = vector.broadcast %jit3A_65 : f32 to vector<1000x64xf32>
    %select_n3A_69 = arith.select %eq3A_46, %broadcast_in_dim3A_67, %broadcast_in_dim3A_68 : vector<1000x64xi1>, vector<1000x64xf32>
    %reduce_max3A_70 = arith.constant dense<0xFF800000> : vector<1000xf32>
    %reduce_max3A_71 = vector.multi_reduction <maximumf>, %select_n3A_69, %reduce_max3A_70 [1] : vector<1000x64xf32> to vector<1000xf32>
    %broadcast_in_dim3A_72 = vector.shape_cast %reduce_max3A_71 : vector<1000xf32> to vector<1000x1xf32>
    %sub3A_73 = arith.subf %add3A_42, %broadcast_in_dim3A_72 : vector<1000x1xf32>
    %exp3A_74 = math.exp %sub3A_73 : vector<1000x1xf32>
    %jit3A_75 = arith.constant 0.000000e+00 : f32
    %broadcast_in_dim3A_76 = vector.shape_cast %exp3A_74 : vector<1000x1xf32> to vector<1000x1xf32>
    %broadcast_in_dim3A_77 = vector.broadcast %broadcast_in_dim3A_76 : vector<1000x1xf32> to vector<1000x64xf32>
    %broadcast_in_dim3A_78 = vector.broadcast %jit3A_75 : f32 to vector<1000x64xf32>
    %select_n3A_79 = arith.select %eq3A_46, %broadcast_in_dim3A_77, %broadcast_in_dim3A_78 : vector<1000x64xi1>, vector<1000x64xf32>
    %eq3A_80 = arith.constant 0 : i32
    %eq3A_81 = arith.cmpi eq, %arg0, %eq3A_80 : i32
    %get3A_82 = arith.constant 0 : index
    %get3A_83 = arith.constant 0 : index
    %get3A_84 = vector.load %arg16[%get3A_82, %get3A_83] : memref<1x64xf32, #tpu.memory_space<vmem>>, vector<1x64xf32>
    %jit3A_85 = arith.constant 0.000000e+00 : f32
    %broadcast_in_dim3A_86 = vector.broadcast %jit3A_85 : f32 to vector<1x64xf32>
    %select_n3A_87 = arith.select %eq3A_81, %broadcast_in_dim3A_86, %get3A_84 : vector<1x64xf32>
    %eq3A_88 = arith.constant 0 : i32
    %eq3A_89 = arith.cmpi eq, %arg0, %eq3A_88 : i32
    %get3A_90 = arith.constant 0 : index
    %get3A_91 = arith.constant 0 : index
    %get3A_92 = vector.load %arg17[%get3A_90, %get3A_91] : memref<128x64xf32, #tpu.memory_space<vmem>>, vector<128x64xf32>
    %jit3A_93 = arith.constant 0.000000e+00 : f32
    %broadcast_in_dim3A_94 = vector.broadcast %jit3A_93 : f32 to vector<128x64xf32>
    %select_n3A_95 = arith.select %eq3A_89, %broadcast_in_dim3A_94, %get3A_92 : vector<128x64xf32>
    %mul3A_96 = arith.mulf %select_n3A_87, %select_n3A_64 : vector<1x64xf32>
    %reduce_sum3A = arith.constant dense<0.000000e+00> : vector<64xf32>
    %reduce_sum3A_97 = vector.multi_reduction <add>, %select_n3A_79, %reduce_sum3A [0] : vector<1000x64xf32> to vector<64xf32>
    %broadcast_in_dim3A_98 = vector.shape_cast %reduce_sum3A_97 : vector<64xf32> to vector<1x64xf32>
    %add3A_99 = arith.addf %mul3A_96, %broadcast_in_dim3A_98 : vector<1x64xf32>
    %swap3A = arith.constant 0 : index
    %swap3A_100 = arith.constant 0 : index
    %swap3A_101 = vector.load %arg16[%swap3A, %swap3A_100] : memref<1x64xf32, #tpu.memory_space<vmem>>, vector<1x64xf32>
    tpu.vector_store %arg16[%swap3A, %swap3A_100], %add3A_99 {strides = array<i32>} : memref<1x64xf32, #tpu.memory_space<vmem>>, vector<1x64xf32>,
    %mul3A_102 = vector.broadcast %select_n3A_64 : vector<1x64xf32> to vector<128x64xf32>
    %mul3A_103 = arith.mulf %select_n3A_95, %mul3A_102 : vector<128x64xf32>
    %dot_general3A_104 = arith.constant dense<0.000000e+00> : vector<128x64xf32>
    %dot_general3A_105 = tpu.matmul %max3A_32, %select_n3A_79, %dot_general3A_104 {dimension_numbers = #tpu.dot_dimension_numbers<[0], [0], [1], [1], [0, 1, 1, 1], [], []>, transpose_lhs_hint = false} : vector<1000x128xf32>, vector<1000x64xf32>, vector<128x64xf32> -> vector<128x64xf32>
    %add3A_106 = arith.addf %mul3A_103, %dot_general3A_105 : vector<128x64xf32>
    %swap3A_107 = arith.constant 0 : index
    %swap3A_108 = arith.constant 0 : index
    %swap3A_109 = vector.load %arg17[%swap3A_107, %swap3A_108] : memref<128x64xf32, #tpu.memory_space<vmem>>, vector<128x64xf32>
    tpu.vector_store %arg17[%swap3A_107, %swap3A_108], %add3A_106 {strides = array<i32>} : memref<128x64xf32, #tpu.memory_space<vmem>>, vector<128x64xf32>,
    %swap3A_110 = arith.constant 0 : index
    %swap3A_111 = arith.constant 0 : index
    %swap3A_112 = vector.load %arg15[%swap3A_110, %swap3A_111] : memref<1x64xf32, #tpu.memory_space<vmem>>, vector<1x64xf32>
    tpu.vector_store %arg15[%swap3A_110, %swap3A_111], %max3A_59 {strides = array<i32>} : memref<1x64xf32, #tpu.memory_space<vmem>>, vector<1x64xf32>,
    %eq3A_113 = arith.constant 9 : i32
    %eq3A_114 = arith.cmpi eq, %arg0, %eq3A_113 : i32
    %convert_element_type3A = arith.extui %eq3A_114 : i1 to i32
    %cond3A = arith.constant 0 : i32
    %cond3A_115 = arith.cmpi ne, %convert_element_type3A, %cond3A : i32
    scf.if %cond3A_115 {
      %get3A_116 = arith.constant 0 : index
      %get3A_117 = arith.constant 0 : index
      %get3A_118 = vector.load %arg17[%get3A_116, %get3A_117] : memref<128x64xf32, #tpu.memory_space<vmem>>, vector<128x64xf32>
      %get3A_119 = arith.constant 0 : index
      %get3A_120 = arith.constant 0 : index
      %get3A_121 = vector.load %arg16[%get3A_119, %get3A_120] : memref<1x64xf32, #tpu.memory_space<vmem>>, vector<1x64xf32>
      %max3A_122 = arith.constant 1.000000e-16 : f32
      %max3A_123 = vector.broadcast %max3A_122 : f32 to vector<1x64xf32>
      %max3A_124 = arith.maximumf %get3A_121, %max3A_123 : vector<1x64xf32>
      %div3A = vector.broadcast %max3A_124 : vector<1x64xf32> to vector<128x64xf32>
      %div3A_125 = arith.divf %get3A_118, %div3A : vector<128x64xf32>
      %get3A_126 = arith.constant 0 : index
      %get3A_127 = arith.constant 0 : index
      %get3A_128 = vector.load %arg9[%get3A_126, %get3A_127] : memref<128x128xf32, #tpu.memory_space<vmem>>, vector<128x128xf32>
      %dot_general3A_129 = arith.constant dense<0.000000e+00> : vector<64x128xf32>
      %dot_general3A_130 = tpu.matmul %div3A_125, %get3A_128, %dot_general3A_129 {dimension_numbers = #tpu.dot_dimension_numbers<[0], [0], [1], [1], [0, 1, 1, 1], [], []>, transpose_lhs_hint = false} : vector<128x64xf32>, vector<128x128xf32>, vector<64x128xf32> -> vector<64x128xf32>
      %get3A_131 = arith.constant 0 : index
      %get3A_132 = arith.constant 0 : index
      %get3A_133 = vector.load %arg10[%get3A_131, %get3A_132] : memref<1x128xf32, #tpu.memory_space<vmem>>, vector<1x128xf32>
      %add3A_134 = vector.broadcast %get3A_133 : vector<1x128xf32> to vector<64x128xf32>
      %add3A_135 = arith.addf %dot_general3A_130, %add3A_134 : vector<64x128xf32>
      %max3A_136 = arith.constant 0.000000e+00 : f32
      %max3A_137 = vector.broadcast %max3A_136 : f32 to vector<64x128xf32>
      %max3A_138 = arith.maximumf %add3A_135, %max3A_137 : vector<64x128xf32>
      %get3A_139 = arith.constant 0 : index
      %get3A_140 = arith.constant 0 : index
      %get3A_141 = vector.load %arg11[%get3A_139, %get3A_140] : memref<128x40xf32, #tpu.memory_space<vmem>>, vector<128x40xf32>
      %dot_general3A_142 = arith.constant dense<0.000000e+00> : vector<64x40xf32>
      %dot_general3A_143 = tpu.matmul %max3A_138, %get3A_141, %dot_general3A_142 {dimension_numbers = #tpu.dot_dimension_numbers<[1], [0], [0], [1], [0, 0, 1, 1], [], []>, transpose_lhs_hint = false} : vector<64x128xf32>, vector<128x40xf32>, vector<64x40xf32> -> vector<64x40xf32>
      %get3A_144 = arith.constant 0 : index
      %get3A_145 = arith.constant 0 : index
      %get3A_146 = vector.load %arg12[%get3A_144, %get3A_145] : memref<1x40xf32, #tpu.memory_space<vmem>>, vector<1x40xf32>
      %add3A_147 = vector.broadcast %get3A_146 : vector<1x40xf32> to vector<64x40xf32>
      %add3A_148 = arith.addf %dot_general3A_143, %add3A_147 : vector<64x40xf32>
      %reduce_max3A_149 = arith.constant dense<0xFF800000> : vector<64xf32>
      %reduce_max3A_150 = vector.multi_reduction <maximumf>, %add3A_148, %reduce_max3A_149 [1] : vector<64x40xf32> to vector<64xf32>
      %broadcast_in_dim3A_151 = vector.shape_cast %reduce_max3A_150 : vector<64xf32> to vector<64x1xf32>
      %sub3A_152 = vector.broadcast %broadcast_in_dim3A_151 : vector<64x1xf32> to vector<64x40xf32>
      %sub3A_153 = arith.subf %add3A_148, %sub3A_152 : vector<64x40xf32>
      %exp3A_154 = math.exp %sub3A_153 : vector<64x40xf32>
      %reduce_sum3A_155 = arith.constant dense<0.000000e+00> : vector<64xf32>
      %reduce_sum3A_156 = vector.multi_reduction <add>, %exp3A_154, %reduce_sum3A_155 [1] : vector<64x40xf32> to vector<64xf32>
      %broadcast_in_dim3A_157 = vector.shape_cast %reduce_sum3A_156 : vector<64xf32> to vector<64x1xf32>
      %log3A = math.log %broadcast_in_dim3A_157 : vector<64x1xf32>
      %sub3A_158 = vector.broadcast %log3A : vector<64x1xf32> to vector<64x40xf32>
      %sub3A_159 = arith.subf %sub3A_153, %sub3A_158 : vector<64x40xf32>
      %swap3A_160 = arith.constant 0 : index
      %swap3A_161 = arith.constant 0 : index
      %swap3A_162 = vector.load %arg14[%swap3A_160, %swap3A_161] : memref<64x40xf32, #tpu.memory_space<vmem>>, vector<64x40xf32>
      tpu.vector_store %arg14[%swap3A_160, %swap3A_161], %sub3A_159 {strides = array<i32>} : memref<64x40xf32, #tpu.memory_space<vmem>>, vector<64x40xf32>,
    } else {
    }
    return
  }
  func.func @transform_0(%arg0: i32) -> (i32, i32, i32) {
    %c0_i32 = arith.constant 0 : i32
    %c0_i32_0 = arith.constant 0 : i32
    %c0_i32_1 = arith.constant 0 : i32
    return %c0_i32, %arg0, %c0_i32_0 : i32, i32, i32
  }
  func.func @transform_1(%arg0: i32) -> (i32, i32) {
    %c0_i32 = arith.constant 0 : i32
    %c0_i32_0 = arith.constant 0 : i32
    return %arg0, %c0_i32 : i32, i32
  }
  func.func @transform_2(%arg0: i32) -> (i32, i32) {
    %c0_i32 = arith.constant 0 : i32
    %c0_i32_0 = arith.constant 0 : i32
    return %arg0, %c0_i32 : i32, i32
  }
  func.func @transform_3(%arg0: i32) -> (i32, i32) {
    %c0_i32 = arith.constant 0 : i32
    %c0_i32_0 = arith.constant 0 : i32
    %c0_i32_1 = arith.constant 0 : i32
    return %c0_i32, %c0_i32_0 : i32, i32
  }
  func.func @transform_4(%arg0: i32) -> (i32, i32) {
    %c0_i32 = arith.constant 0 : i32
    %c0_i32_0 = arith.constant 0 : i32
    %c0_i32_1 = arith.constant 0 : i32
    return %c0_i32, %c0_i32_0 : i32, i32
  }
  func.func @transform_5(%arg0: i32) -> (i32, i32) {
    %c0_i32 = arith.constant 0 : i32
    %c0_i32_0 = arith.constant 0 : i32
    %c0_i32_1 = arith.constant 0 : i32
    return %c0_i32, %c0_i32_0 : i32, i32
  }
  func.func @transform_6(%arg0: i32) -> (i32, i32) {
    %c0_i32 = arith.constant 0 : i32
    %c0_i32_0 = arith.constant 0 : i32
    %c0_i32_1 = arith.constant 0 : i32
    return %c0_i32, %c0_i32_0 : i32, i32
  }
  func.func @transform_7(%arg0: i32) -> (i32, i32) {
    %c0_i32 = arith.constant 0 : i32
    %c0_i32_0 = arith.constant 0 : i32
    %c0_i32_1 = arith.constant 0 : i32
    return %c0_i32, %c0_i32_0 : i32, i32
  }
  func.func @transform_8(%arg0: i32) -> (i32, i32) {
    %c0_i32 = arith.constant 0 : i32
    %c0_i32_0 = arith.constant 0 : i32
    %c0_i32_1 = arith.constant 0 : i32
    return %c0_i32, %c0_i32_0 : i32, i32
  }
  func.func @transform_9(%arg0: i32) -> (i32, i32) {
    %c0_i32 = arith.constant 0 : i32
    %c0_i32_0 = arith.constant 0 : i32
    %c0_i32_1 = arith.constant 0 : i32
    return %c0_i32, %c0_i32_0 : i32, i32
  }
  func.func @transform_10(%arg0: i32) -> (i32, i32) {
    %c0_i32 = arith.constant 0 : i32
    %c0_i32_0 = arith.constant 0 : i32
    %c0_i32_1 = arith.constant 0 : i32
    return %c0_i32, %c0_i32_0 : i32, i32
  }
  func.func @transform_11(%arg0: i32) -> (i32, i32) {
    %c0_i32 = arith.constant 0 : i32
    %c0_i32_0 = arith.constant 0 : i32
    %c0_i32_1 = arith.constant 0 : i32
    return %c0_i32, %c0_i32_0 : i32, i32
  }
  func.func @transform_12(%arg0: i32) -> (i32, i32) {
    %c0_i32 = arith.constant 0 : i32
    %c0_i32_0 = arith.constant 0 : i32
    return %arg0, %c0_i32 : i32, i32
  }
  func.func @transform_13(%arg0: i32) -> (i32, i32) {
    %c0_i32 = arith.constant 0 : i32
    %c0_i32_0 = arith.constant 0 : i32
    %c0_i32_1 = arith.constant 0 : i32
    return %c0_i32, %c0_i32_0 : i32, i32
  }
}

</mosaic_0001>

<sc_bundles>
// kernel: kernel.10.cloned.1.call-start
scs
__scs_entry_jumppad:
0x0: {  	(pc) =	sbr.rel $0x88, $3  }
0x1: {  	(tag) =	ssettag $0x0;
	lr =	simm.s32 $0x1  }
0x2: {  	[smem:$0x3F8F] =	sst lr;
	_ =	strace $0xD0000000  }
0x3: {  	_ = 	snop  }
0x4: {  	_ = 	snop  }
0x5: {  	_ = 	snop  }
0x6: {  	_ = 	snop  }
0x7: {  	_ = 	snop  }
__scs_overlays_trampoline_lowered:
0x8: {  	[smem:$0x3F9E] =	sst s0  }
0x9: {  	[smem:$0x3F9F] =	sst s1  }
0xa: {  	[smem:$0x3FA0] =	sst s2  }
0xb: {  	[smem:$0x3FA1] =	sst s3  }
0xc: {  	[smem:$0x3FA2] =	sst s4  }
0xd: {  	[smem:$0x3FA3] =	sst s5  }
0xe: {  	[smem:$0x3FA4] =	sst s6  }
0xf: {  	[smem:$0x3FA5] =	sst s7  }
0x10: {  	[smem:$0x3FA6] =	sst s8  }
0x11: {  	[smem:$0x3FA7] =	sst s9;
	s0 =	simm.s32 @!p0 $0x0  }
0x12: {  	s1 =	sld [smem:$0x3F8D];
	s0 =	simm.s32 @p0 $0x1  }
0x13: {  	[smem:$0x3FA8] =	sst s0;
	s0 =	simm.s32 @!p1 $0x0  }
0x14: {  	s2 =	sld [smem:$0x3F8C];
	s0 =	simm.s32 @p1 $0x1  }
0x15: {  	[smem:$0x3FA9] =	sst s0;
	s0 =	simm.s32 @!p2 $0x0  }
0x16: {  	s3 =	sld [smem:$0x3FDB];
	s0 =	simm.s32 @p2 $0x1  }
0x17: {  	s4 =	simm.s32 $0x1BF5;
	[smem:$0x3FAB] =	sst s0  }
0x18: {  	s0 =	sld [smem:$0x3F8E];
	_ =	swait.ge [sflag:s4], $0x0  }
0x19: {  	s7 =	sld [smem:$0x3F8F]  }
0x1a: {  	s8 =	sadd.s32 $0xFFFFE003, lr  }
0x1b: {  	s9 =	sadd.s32 $0xFFFFFEF7, lr;
	s5 =	simm.s32 $0xFFFFFFFF;
	p2 =	slt.u32 s8, $0xFFFFF086  }
0x1c: {  	p1 =	slt.u32 s9, $0xF7A;
	s5 =	simm.s32 @!p2 $0x0  }
0x1d: {  	s5 =	simm.s32 @p1 $0x1;
	p0 =	seq.s32 s7, s2  }
0x1e: {  	s7 =	smul.u32 @!p0 $0xF7A, s2;
	p2 =	seq.s32 @!p0 s5, $0x0  }
0x1f: {  	s9 =	smul.u32 $0xF7A, s1;
	s8 =	simm.s32 @!p0 $0x1BF5;
	p2 =	por !p2, p0  }
0x20: {  	[sflag:s8] =	ssyncset.s32 @!p0 $0xFFFFF086;
	s6 =	sadd.s32 @!p0 s3, s7;
	s7 =	simm.s32 @!p0 $0x108  }
0x21: {  	s3 =	sadd.s32 s3, s9;
	s6 =	sadd.s32 @!p0 $0x88, s6;
	s7 =	simm.s32 @p2 $0x1082  }
0x22: {  	[simem:s7], [sflag:s8] =	dma.local @!p0 [hbm:s6], $0xF7A  }
0x23: {  	s9 =	sor.u32 $0xD0000000, s2;
	s6 =	simm.s32 $0x108;
	_ =	swait.ge @!p0 [sflag:s8], $0x0  }
0x24: {  	s3 =	sadd.s32 $0x88, s3;
	s6 =	simm.s32 @!p1 $0x1082;
	[sflag:s4] =	ssyncset.s32 $0xFFFFF086  }
0x25: {  	[simem:s6], [sflag:s4] =	dma.local [hbm:s3], $0xF7A  }
0x26: {  	[smem:$0x3F8F] =	sst s1;
	(tag) =	ssettag s2;
	_ =	strace s9  }
0x27: {  	s1 =	sld [smem:$0x3F9F]  }
0x28: {  	s2 =	sld [smem:$0x3FA0]  }
0x29: {  	s4 =	sld [smem:$0x3FA2]  }
0x2a: {  	p0 =	seq.s32 s5, $0x0;
	s5 =	sld [smem:$0x3FA3]  }
0x2b: {  	s6 =	sld [smem:$0x3FA4]  }
0x2c: {  	s7 =	sld [smem:$0x3FA5]  }
0x2d: {  	s3 =	simm.s32 $0x108;
	s8 =	sld [smem:$0x3FA6]  }
0x2e: {  	s3 =	simm.s32 @!p0 $0x1082;
	s9 =	sld [smem:$0x3FA7]  }
0x2f: {  	lr =	sadd.s32 s0, s3;
	s0 =	sld [smem:$0x3F9E]  }
0x30: {  	s3 =	sld [smem:$0x3FA1]  }
0x31: {  	[smem:$0x3FAA] =	sst s10  }
0x32: {  	s10 =	sld [smem:$0x3FA8];
	_ =	sdelay $0x3  }
0x33: {  	p0 =	seq.s32 s10, $0x1;
	s10 =	sld [smem:$0x3FAA];
	_ =	sdelay $0x3  }
0x34: {  	[smem:$0x3FAA] =	sst s10  }
0x35: {  	s10 =	sld [smem:$0x3FA9];
	_ =	sdelay $0x3  }
0x36: {  	p1 =	seq.s32 s10, $0x1;
	s10 =	sld [smem:$0x3FAA];
	_ =	sdelay $0x3  }
0x37: {  	[smem:$0x3FAA] =	sst s10  }
0x38: {  	s10 =	sld [smem:$0x3FAB]  }
0x39: {  	_ = 	snop;
	(pc) =	sbr.ind lr, $3  }
0x3a: {  	_ = 	snop  }
0x3b: {  	_ = 	snop  }
0x3c: {  	p2 =	seq.s32 s10, $0x1;
	s10 =	sld [smem:$0x3FAA]  }
0x3d: {  	_ =	shalt  }
0x3e: {  	_ =	shalt  }
0x3f: {  	_ =	shalt  }
0x40: {  	_ =	shalt  }
0x41: {  	_ =	shalt  }
0x42: {  	_ =	shalt  }
0x43: {  	_ =	shalt  }
0x44: {  	_ =	shalt  }
0x45: {  	_ =	shalt  }
0x46: {  	_ =	shalt  }
0x47: {  	_ =	shalt  }
0x48: {  	_ =	shalt  }
0x49: {  	_ =	shalt  }
0x4a: {  	_ =	shalt  }
0x4b: {  	_ =	shalt  }
0x4c: {  	_ =	shalt  }
0x4d: {  	_ =	shalt  }
0x4e: {  	_ =	shalt  }
0x4f: {  	_ =	shalt  }
0x50: {  	_ =	shalt  }
0x51: {  	_ =	shalt  }
0x52: {  	_ =	shalt  }
0x53: {  	_ =	shalt  }
0x54: {  	_ =	shalt  }
0x55: {  	_ =	shalt  }
0x56: {  	_ =	shalt  }
0x57: {  	_ =	shalt  }
0x58: {  	_ =	shalt  }
0x59: {  	_ =	shalt  }
0x5a: {  	_ =	shalt  }
0x5b: {  	_ =	shalt  }
0x5c: {  	_ =	shalt  }
0x5d: {  	_ =	shalt  }
0x5e: {  	_ =	shalt  }
0x5f: {  	_ =	shalt  }
0x60: {  	_ =	shalt  }
0x61: {  	_ =	shalt  }
0x62: {  	_ =	shalt  }
0x63: {  	_ =	shalt  }
0x64: {  	_ =	shalt  }
0x65: {  	_ =	shalt  }
0x66: {  	_ =	shalt  }
0x67: {  	_ =	shalt  }
0x68: {  	_ =	shalt  }
0x69: {  	_ =	shalt  }
0x6a: {  	_ =	shalt  }
0x6b: {  	_ =	shalt  }
0x6c: {  	_ =	shalt  }
0x6d: {  	_ =	shalt  }
0x6e: {  	_ =	shalt  }
0x6f: {  	_ =	shalt  }
0x70: {  	_ =	shalt  }
0x71: {  	_ =	shalt  }
0x72: {  	_ =	shalt  }
0x73: {  	_ =	shalt  }
0x74: {  	_ =	shalt  }
0x75: {  	_ =	shalt  }
0x76: {  	_ =	shalt  }
0x77: {  	_ =	shalt  }
0x78: {  	_ =	shalt  }
0x79: {  	_ =	shalt  }
0x7a: {  	_ =	shalt  }
0x7b: {  	_ =	shalt  }
0x7c: {  	_ =	shalt  }
0x7d: {  	_ =	shalt  }
0x7e: {  	_ =	shalt  }
0x7f: {  	_ =	shalt  }
0x80: {  	_ =	shalt  }
0x81: {  	_ =	shalt  }
0x82: {  	_ =	shalt  }
0x83: {  	_ =	shalt  }
0x84: {  	_ =	shalt  }
0x85: {  	_ =	shalt  }
0x86: {  	_ =	shalt  }
0x87: {  	_ =	shalt  }
.Lfunc_end0:
.L_simem_size_0:
called_computation_lowered:
.L_overlay_start_0:
0x88: {  	s2 =	sld [smem:$0x3FD9]  }
0x89: {  	s3 =	sld [smem:$0x3FFE];
	_ =	sdelay $0x1  }
0x8a: {  	s1 =	srdreg.scid  }
0x8b: {  	s0 =	sand.u32 $0x1, s1  }
0x8c: {  	s16 =	sshll.u32 s0, $0xA;
	s2 =	sadd.s32 s3, s2  }
0x8d: {  	s2 =	sadd.s32 s2, s16  }
0x8e: {  	[smem:$0x3FB6] =	sst s2  }
0x8f: {  	_ = 	snop  }
0x90: {  	(tm) =	ssettm $0x1  }
0x91: {  	s17 =	sld [smem:$0x3FFB];
	_ =	sdelay $0x3  }
0x92: {  	_ =	strace s17  }
0x93: {  	s2 =	sld [smem:$0x3FFC];
	_ =	sdelay $0x3  }
0x94: {  	_ =	strace s2  }
0x95: {  	s2 =	sld [smem:$0x3FFD];
	_ =	sdelay $0x3  }
0x96: {  	_ =	strace s2  }
0x97: {  	_ =	strace $0x8FFFFFFF  }
0x98: {  	s18 =	sld [smem:$0x3FDB];
	_ =	sdelay $0x1  }
0x99: {  	s19 =	simm.s32 $_scs_section_size  }
0x9a: {  	s4 =	simm.s32 $_size__tile_overlayer_lowered;
	s5 =	simm.s32 $_tile_overlayer_lowered  }
0x9b: {  	s22 =	simm.s32 $0x1BFF;
	s21 =	sshll.u32 s5, $0x1;
	s2 =	sadd.s32 s19, s18  }
0x9c: {  	s6 =	simm.s32 $0x0;
	s20 =	sshll.u32 s4, $0x1;
	s4 =	sadd.s32 s21, s2  }
0x9d: {  	[timem:s6], [sflag:s22] =	dma.local [hbm:s4], s20  }
0x9e: {  	_ =	swait.ge [sflag:s22], s20  }
0x9f: {  	s3 =	ssub.s32 $0x0, s20;
	[sflag:s22] =	ssyncset.done $0x0  }
0xa0: {  	[sflag:s22] =	ssyncadd.s32 s3;
	_ =	sdelay $0x1  }
0xa1: {  	s23 =	simm.s32 $0x1B8B  }
0xa2: {  	_ =	swait.ge [sflag:s23], $0x1  }
0xa3: {  	[sflag:s23] =	ssyncset.done $0x0  }
0xa4: {  	s25 =	simm.s32 $0x1B8E;
	s24 =	sld [smem:$0x3FFE];
	[sflag:s23] =	ssyncadd.s32 $0xFFFFFFFF  }
0xa5: {  	s26 =	simm.s32 $execute0_lowered;
	[smem:$0x3FD2] =	sst s25  }
0xa6: {  	s4 =	sshll.u32 s26, $0x1;
	_ =	strace $0x80000046;
	[dreg:$0x1] =	wrdreg $0xFFFFFFFF  }
0xa7: {  	s28 =	simm.s32 $_size_execute0_lowered;
	s2 =	sadd.s32 s2, s4;
	[dreg:$0x0] =	wrdreg $0x0  }
0xa8: {  	s4 =	sshll.u32 s28, $0x1;
	[dreg:$0x2] =	wrdreg s2  }
0xa9: {  	[dreg:$0x3] =	wrdreg s4  }
0xaa: {  	[dreg:$0x4] =	wrdreg $0xC0  }
0xab: {  	_ =	task [dreg:s6], $0x5FFFF  }
0xac: {  	[dreg:$0x1] =	wrdreg $0xFFFFFFFF  }
0xad: {  	[dreg:$0x0] =	wrdreg $0x60  }
0xae: {  	[dreg:$0x2] =	wrdreg s24  }
0xaf: {  	[dreg:$0x3] =	wrdreg $0x68000  }
0xb0: {  	[dreg:$0x4] =	wrdreg $0x9  }
0xb1: {  	_ =	task.clear_ibuf [dreg:s6], $0x5FFFF;
	_ =	strace $0x90000046  }
0xb2: {  	s29 =	simm.s32 $0x9;
	_ =	strace $0x80000048  }
0xb3: {  	_ =	swait.ge [sflag:s29], $0x1  }
0xb4: {  	[sflag:s29] =	ssyncadd.s32 $0xFFFFFFFF  }
0xb5: {  	_ =	strace $0x90000048  }
0xb6: {  	_ =	sfence  }
0xb7: {  	s30 =	sld [smem:$0x0];
	_ =	sdelay $0x2  }
0xb8: {  	s31 =	sshll.u32 s1, $0xD;
	s1 =	sshrl.u32 s1, $0x2  }
0xb9: {  	s3 =	sand.u32 $0x4000, s31;
	s1 =	sadd.s32 s1, s30  }
0xba: {  	s0 =	sor.u32 s3, s0;
	s1 =	sshll.u32 s1, $0x11  }
0xbb: {  	s0 =	sor.u32 s1, s0  }
0xbc: {  	s0 =	sadd.s32 $0x8F2B, s0  }
0xbd: {  	[sflag:s0] =	ssyncadd.remote.s32 $0x1  }
0xbe: {  	_ =	sfence.sel $0xFFFF  }
0xbf: {  	[dreg:$0x0] =	wrdreg $0xFFFFFFFF;
	(pc) =	sbr.abs _section_cstart, $3  }
0xc0: {  	[dreg:$0x1] =	wrdreg $0xFFFFFFFF  }
0xc1: {  	_ =	task.clear_ibuf [dreg:s6], $0x2FFFF;
	_ =	strace $0x9FFFFFFF  }
0xc2: {  	(tm) =	ssettm $0x7FFFFFFF  }
0xc3: {  	_ =	shalt  }
tec
execute0_lowered:
.L_overlay_start_1:
0x0: {  	(tag) =	ssettag $0x1  }
0x1: {  	s6 =	rddreg [dreg:$0x0];
	s0 =	srdreg.scid  }
0x2: {  	s2 =	rddreg [dreg:$0x1];
	s1 =	stileid.u32;
	s3 =	simm.s32 $0x0  }
0x3: {  	s12 =	simm.s32 $0x4000;
	s13 =	simm.s32 $0x50;
	s14 =	simm.s32 $0x0  }
0x4: {  	s7 =	sand.u32 $0x1, s0;
	s0 =	rddreg [dreg:$0x2];
	s5 =	smul.u32 $0x2800, s1  }
0x5: {  	[smem:$0x7FF] =	sst s3;
	s26 =	sshll.u32 s1, $0xC;
	s11 =	smul.u32 $0xA000, s1  }
0x6: {  	s30 =	ssub.s32 $0x8C, s1;
	s4 =	smul.u32 $0x138800, s7;
	s8 =	sshll.u32 s7, $0xB  }
0x7: {  	_ =	strace $0x80000047;
	s25 =	ssub.s32 $0x2, s7;
	s8 =	sadd.s32 s8, s6  }
0x8: {  	s28 =	sshrl.u32 s25, $0x1;
	s31 =	sshrl.u32 s11, $0x2;
	s11 =	simm.s32 $0x1  }
0x9: {  	s9 =	sadd.s32 s5, s4;
	s4 =	sadd.s32 $0x1D600, s6;
	s5 =	sadd.s32 $0x1DC00, s6  }
0xa: {  	s7 =	sadd.s32 s26, s8;
	s29 =	ssub.s32 s25, s28;
	s9 =	sshrl.u32 s9, $0x3  }
0xb: {  	s8 =	smax.u32 s29, $0x1;
	s10 =	sadd.s32 s9, s6;
	s6 =	sadd.s32 $0xD600, s7  }
0xc: {  	s7 =	sshrl.u32 s30, $0x4;
	s9 =	sadd.s32 s31, s2;
	s10 =	sadd.s32 $0x1E200, s10  }
.LBB2_1:
0xd: {  	[tilespmem:s3], [sflag:$0x1] =	stream.linear.gather [hbm4b:s6+s3], $0x3E80, $0x38;
	[tilespmem:$0x1A080] =	vst v63  }
0xe: {  	_ =	swait.ge [sflag:s11], $0x3E80  }
0xf: {  	[sflag:s11] =	ssyncset.done $0x0  }
0x10: {  	[sflag:s11] =	ssyncadd.s32 $0xFFFFC180  }
0x11: {  	[tilespmem:s12], [sflag:$0x1] =	stream.linear.gather [hbm4b:s4+s3], $0x2800, $0x38;
	[tilespmem:$0x1A080] =	vst v63  }
0x12: {  	p0 =	sne.s32 s7, $0x1;
	_ =	swait.ge [sflag:s11], $0x2800  }
.Ltmp0:
0x13: {  	[sflag:s11] =	ssyncset.done $0x0;
	(pc) =	sbr.rel @!p0 .LBB2_3-.Ltmp0, $4  }
0x14: {  	[sflag:s11] =	ssyncadd.s32 $0xFFFFD800  }
0x15: {  	[spmem:s9] =	stream.linear.scatter [tilespmem:s12], [sflag:$0x1], $0x2800, $0x38;
	[tilespmem:$0x1A080] =	vst v63  }
0x16: {  	_ =	swait.ge [sflag:s11], $0x2800  }
0x17: {  	s15 =	sadd.s32 $0xFFFFFFFF, s7;
	s16 =	smov.u32 s9;
	[sflag:s11] =	ssyncset.done $0x0  }
.LBB2_2:
0x18: {  	p1 =	sne.s32 s15, $0x1;
	[sflag:s11] =	ssyncadd.s32 $0xFFFFD800;
	s16 =	sadd.s32 $0x28000, s16  }
.Ltmp1:
0x19: {  	s15 =	sadd.s32 $0xFFFFFFFF, s15;
	(pc) =	sbr.rel @p1 .LBB2_2-.Ltmp1, $4  }
0x1a: {  	_ = 	snop  }
0x1b: {  	[spmem:s16] =	stream.linear.scatter [tilespmem:s12], [sflag:$0x1], $0x2800, $0x38;
	[tilespmem:$0x1A080] =	vst v63  }
0x1c: {  	_ =	swait.ge [sflag:s11], $0x2800  }
0x1d: {  	[sflag:s11] =	ssyncset.done $0x0  }
.LBB2_3:
0x1e: {  	[sflag:s11] =	ssyncadd.s32 $0xFFFFD800;
	s15 =	simm.s32 $0x0  }
0x1f: {  	[tilespmem:s12], [sflag:$0x1] =	stream.linear.gather [hbm4b:s5+s15], $0x2800, $0x38;
	[tilespmem:$0x1A080] =	vst v63  }
0x20: {  	_ =	swait.ge [sflag:s11], $0x2800  }
0x21: {  	[sflag:s11] =	ssyncset.done $0x0  }
0x22: {  	[sflag:s11] =	ssyncadd.s32 $0xFFFFD800  }
0x23: {  	s31 =	simm.s32 $0x0;
	[bflag:$0x0] =	sbarrier.arrive $0xFFFF  }
0x24: {  	[spmem:s2] =	stream.indirect.scatter.add.f32 [tilespmem:s12], [sflag:$0x1], $0x80, s31, s13, $0xb8;
	[tilespmem:$0x1A080] =	vst v63  }
0x25: {  	_ =	swait.ge [sflag:s11], $0x2800  }
0x26: {  	s15 =	simm.s32 $0x200;
	[sflag:s11] =	ssyncset.done $0x0  }
.LBB2_4:
0x27: {  	s16 =	sshra.s32 s15, $0x2;
	[sflag:s11] =	ssyncadd.s32 $0xFFFFD800;
	p1 =	sne.s32 s15, $0xF800  }
0x28: {  	[spmem:s2] =	stream.indirect.scatter.add.f32 [tilespmem:s12], [sflag:$0x1], $0x80, s16, s13, $0xb8;
	[tilespmem:$0x1A080] =	vst v63  }
.Ltmp2:
0x29: {  	_ = 	snop;
	(pc) =	sbr.rel @p1 .LBB2_4-.Ltmp2, $4  }
0x2a: {  	_ = 	snop  }
0x2b: {  	s15 =	sadd.s32 $0x200, s15  }
0x2c: {  	_ =	swait.ge [sflag:s11], $0x2800  }
0x2d: {  	[sflag:s11] =	ssyncset.done $0x0  }
0x2e: {  	[sflag:s11] =	ssyncadd.s32 $0xFFFFD800  }
0x2f: {  	[bflag:$0x0] =	sbarrier.arrive $0xFFFF  }
0x30: {  	[tilespmem:s12], [sflag:$0x1] =	stream.linear.gather [spmem:s9], $0x2800, $0x38;
	[tilespmem:$0x1A080] =	vst v63  }
0x31: {  	_ =	swait.ge [sflag:s11], $0x2800  }
.Ltmp3:
0x32: {  	[sflag:s11] =	ssyncset.done $0x0;
	(pc) =	sbr.rel @!p0 .LBB2_7-.Ltmp3, $4  }
0x33: {  	[sflag:s11] =	ssyncadd.s32 $0xFFFFD800  }
0x34: {  	[hbm4b:s10+s3] =	stream.linear.scatter [tilespmem:s12], [sflag:$0x1], $0x2800, $0x38;
	[tilespmem:$0x1A080] =	vst v63  }
0x35: {  	s15 =	sadd.s32 $0xFFFFFFFF, s7;
	_ =	swait.ge [sflag:s11], $0x2800  }
0x36: {  	s16 =	smov.u32 s9;
	s17 =	smov.u32 s10;
	[sflag:s11] =	ssyncset.done $0x0  }
.LBB2_6:
0x37: {  	[sflag:s11] =	ssyncadd.s32 $0xFFFFD800;
	s16 =	sadd.s32 $0x28000, s16;
	s17 =	sadd.s32 $0x5000, s17  }
0x38: {  	[tilespmem:s12], [sflag:$0x1] =	stream.linear.gather [spmem:s16], $0x2800, $0x38;
	[tilespmem:$0x1A080] =	vst v63  }
0x39: {  	p0 =	sne.s32 s15, $0x1;
	s15 =	sadd.s32 $0xFFFFFFFF, s15;
	_ =	swait.ge [sflag:s11], $0x2800  }
.Ltmp4:
0x3a: {  	[sflag:s11] =	ssyncset.done $0x0;
	(pc) =	sbr.rel @p0 .LBB2_6-.Ltmp4, $4  }
0x3b: {  	[sflag:s11] =	ssyncadd.s32 $0xFFFFD800  }
0x3c: {  	[hbm4b:s17+s3] =	stream.linear.scatter [tilespmem:s12], [sflag:$0x1], $0x2800, $0x38;
	[tilespmem:$0x1A080] =	vst v63  }
0x3d: {  	_ =	swait.ge [sflag:s11], $0x2800  }
0x3e: {  	[sflag:s11] =	ssyncset.done $0x0  }
.LBB2_7:
0x3f: {  	s14 =	sadd.s32 $0x1, s14  }
0x40: {  	p0 =	sne.s32 s14, s8  }
.Ltmp5:
0x41: {  	_ = 	snop;
	(pc) =	sbr.rel @p0 .LBB2_1-.Ltmp5, $2  }
0x42: {  	_ =	sdelay $0x2  }
0x43: {  	[sflag:s11] =	ssyncadd.s32 $0xFFFFD800  }
0x44: {  	_ =	sfence.sel $0x180000  }
0x45: {  	[bflag:$0x0] =	sbarrier.arrive $0xFFFF  }
0x46: {  	p0 =	sne.s32 s1, $0x0;
	_ =	strace $0x90000047  }
0x47: {  	s0 =	sadd.s32 @!p0 $0x100000, s0;
	[bflag:$0x2] =	sbarrier.arrive $0xFFFF  }
0x48: {  	[sflag:s0] =	ssyncadd.tile.s32 @!p0 $0x1;
	_ =	shalt  }
.Lfunc_end2:
_tile_overlayer_lowered:
.L_overlay_start_2:
0x49: {  	(tag) =	ssettag $0x2  }
0x4a: {  	s0 =	rddreg [dreg:$0x0];
	s2 =	stileid.u32  }
0x4b: {  	s1 =	rddreg [dreg:$0x1];
	p0 =	sne.s32 s2, $0x0  }
0x4c: {  	s3 =	rddreg [dreg:$0x2];
	[bflag:$0x3] =	sbarrier.arrive $0xFFFF;
	s2 =	simm.s32 @!p0 $0x1C01  }
0x4d: {  	[timem:s3], [sflag:s2] =	dma.local @!p0 [hbm:s0], s1  }
0x4e: {  	s0 =	simm.s32 @!p0 $0x1  }
0x4f: {  	_ =	swait.ge @!p0 [sflag:s0], s1  }
0x50: {  	s1 =	ssub.s32 @!p0 $0x0, s1;
	[sflag:s0] =	ssyncset.done @!p0 $0x0  }
0x51: {  	[sflag:s0] =	ssyncadd.s32 @!p0 s1  }
0x52: {  	[bflag:$0x3] =	sbarrier.arrive $0xFFFF  }
0x53: {  	_ =	shalt  }

// kernel: kernel.13.cloned.1.call-start
scs
__scs_entry_jumppad:
0x0: {  	(pc) =	sbr.rel $0x88, $3  }
0x1: {  	(tag) =	ssettag $0x0;
	lr =	simm.s32 $0x1  }
0x2: {  	[smem:$0x3F8F] =	sst lr;
	_ =	strace $0xD0000000  }
0x3: {  	_ = 	snop  }
0x4: {  	_ = 	snop  }
0x5: {  	_ = 	snop  }
0x6: {  	_ = 	snop  }
0x7: {  	_ = 	snop  }
__scs_overlays_trampoline_lowered:
0x8: {  	[smem:$0x3F9E] =	sst s0  }
0x9: {  	[smem:$0x3F9F] =	sst s1  }
0xa: {  	[smem:$0x3FA0] =	sst s2  }
0xb: {  	[smem:$0x3FA1] =	sst s3  }
0xc: {  	[smem:$0x3FA2] =	sst s4  }
0xd: {  	[smem:$0x3FA3] =	sst s5  }
0xe: {  	[smem:$0x3FA4] =	sst s6  }
0xf: {  	[smem:$0x3FA5] =	sst s7  }
0x10: {  	[smem:$0x3FA6] =	sst s8  }
0x11: {  	[smem:$0x3FA7] =	sst s9;
	s0 =	simm.s32 @!p0 $0x0  }
0x12: {  	s1 =	sld [smem:$0x3F8D];
	s0 =	simm.s32 @p0 $0x1  }
0x13: {  	[smem:$0x3FA8] =	sst s0;
	s0 =	simm.s32 @!p1 $0x0  }
0x14: {  	s2 =	sld [smem:$0x3F8C];
	s0 =	simm.s32 @p1 $0x1  }
0x15: {  	[smem:$0x3FA9] =	sst s0;
	s0 =	simm.s32 @!p2 $0x0  }
0x16: {  	s3 =	sld [smem:$0x3FDB];
	s0 =	simm.s32 @p2 $0x1  }
0x17: {  	s4 =	simm.s32 $0x1BF5;
	[smem:$0x3FAB] =	sst s0  }
0x18: {  	s0 =	sld [smem:$0x3F8E];
	_ =	swait.ge [sflag:s4], $0x0  }
0x19: {  	s7 =	sld [smem:$0x3F8F]  }
0x1a: {  	s8 =	sadd.s32 $0xFFFFE003, lr  }
0x1b: {  	s9 =	sadd.s32 $0xFFFFFEF7, lr;
	s5 =	simm.s32 $0xFFFFFFFF;
	p2 =	slt.u32 s8, $0xFFFFF086  }
0x1c: {  	p1 =	slt.u32 s9, $0xF7A;
	s5 =	simm.s32 @!p2 $0x0  }
0x1d: {  	s5 =	simm.s32 @p1 $0x1;
	p0 =	seq.s32 s7, s2  }
0x1e: {  	s7 =	smul.u32 @!p0 $0xF7A, s2;
	p2 =	seq.s32 @!p0 s5, $0x0  }
0x1f: {  	s9 =	smul.u32 $0xF7A, s1;
	s8 =	simm.s32 @!p0 $0x1BF5;
	p2 =	por !p2, p0  }
0x20: {  	[sflag:s8] =	ssyncset.s32 @!p0 $0xFFFFF086;
	s6 =	sadd.s32 @!p0 s3, s7;
	s7 =	simm.s32 @!p0 $0x108  }
0x21: {  	s3 =	sadd.s32 s3, s9;
	s6 =	sadd.s32 @!p0 $0x88, s6;
	s7 =	simm.s32 @p2 $0x1082  }
0x22: {  	[simem:s7], [sflag:s8] =	dma.local @!p0 [hbm:s6], $0xF7A  }
0x23: {  	s9 =	sor.u32 $0xD0000000, s2;
	s6 =	simm.s32 $0x108;
	_ =	swait.ge @!p0 [sflag:s8], $0x0  }
0x24: {  	s3 =	sadd.s32 $0x88, s3;
	s6 =	simm.s32 @!p1 $0x1082;
	[sflag:s4] =	ssyncset.s32 $0xFFFFF086  }
0x25: {  	[simem:s6], [sflag:s4] =	dma.local [hbm:s3], $0xF7A  }
0x26: {  	[smem:$0x3F8F] =	sst s1;
	(tag) =	ssettag s2;
	_ =	strace s9  }
0x27: {  	s1 =	sld [smem:$0x3F9F]  }
0x28: {  	s2 =	sld [smem:$0x3FA0]  }
0x29: {  	s4 =	sld [smem:$0x3FA2]  }
0x2a: {  	p0 =	seq.s32 s5, $0x0;
	s5 =	sld [smem:$0x3FA3]  }
0x2b: {  	s6 =	sld [smem:$0x3FA4]  }
0x2c: {  	s7 =	sld [smem:$0x3FA5]  }
0x2d: {  	s3 =	simm.s32 $0x108;
	s8 =	sld [smem:$0x3FA6]  }
0x2e: {  	s3 =	simm.s32 @!p0 $0x1082;
	s9 =	sld [smem:$0x3FA7]  }
0x2f: {  	lr =	sadd.s32 s0, s3;
	s0 =	sld [smem:$0x3F9E]  }
0x30: {  	s3 =	sld [smem:$0x3FA1]  }
0x31: {  	[smem:$0x3FAA] =	sst s10  }
0x32: {  	s10 =	sld [smem:$0x3FA8];
	_ =	sdelay $0x3  }
0x33: {  	p0 =	seq.s32 s10, $0x1;
	s10 =	sld [smem:$0x3FAA];
	_ =	sdelay $0x3  }
0x34: {  	[smem:$0x3FAA] =	sst s10  }
0x35: {  	s10 =	sld [smem:$0x3FA9];
	_ =	sdelay $0x3  }
0x36: {  	p1 =	seq.s32 s10, $0x1;
	s10 =	sld [smem:$0x3FAA];
	_ =	sdelay $0x3  }
0x37: {  	[smem:$0x3FAA] =	sst s10  }
0x38: {  	s10 =	sld [smem:$0x3FAB]  }
0x39: {  	_ = 	snop;
	(pc) =	sbr.ind lr, $3  }
0x3a: {  	_ = 	snop  }
0x3b: {  	_ = 	snop  }
0x3c: {  	p2 =	seq.s32 s10, $0x1;
	s10 =	sld [smem:$0x3FAA]  }
0x3d: {  	_ =	shalt  }
0x3e: {  	_ =	shalt  }
0x3f: {  	_ =	shalt  }
0x40: {  	_ =	shalt  }
0x41: {  	_ =	shalt  }
0x42: {  	_ =	shalt  }
0x43: {  	_ =	shalt  }
0x44: {  	_ =	shalt  }
0x45: {  	_ =	shalt  }
0x46: {  	_ =	shalt  }
0x47: {  	_ =	shalt  }
0x48: {  	_ =	shalt  }
0x49: {  	_ =	shalt  }
0x4a: {  	_ =	shalt  }
0x4b: {  	_ =	shalt  }
0x4c: {  	_ =	shalt  }
0x4d: {  	_ =	shalt  }
0x4e: {  	_ =	shalt  }
0x4f: {  	_ =	shalt  }
0x50: {  	_ =	shalt  }
0x51: {  	_ =	shalt  }
0x52: {  	_ =	shalt  }
0x53: {  	_ =	shalt  }
0x54: {  	_ =	shalt  }
0x55: {  	_ =	shalt  }
0x56: {  	_ =	shalt  }
0x57: {  	_ =	shalt  }
0x58: {  	_ =	shalt  }
0x59: {  	_ =	shalt  }
0x5a: {  	_ =	shalt  }
0x5b: {  	_ =	shalt  }
0x5c: {  	_ =	shalt  }
0x5d: {  	_ =	shalt  }
0x5e: {  	_ =	shalt  }
0x5f: {  	_ =	shalt  }
0x60: {  	_ =	shalt  }
0x61: {  	_ =	shalt  }
0x62: {  	_ =	shalt  }
0x63: {  	_ =	shalt  }
0x64: {  	_ =	shalt  }
0x65: {  	_ =	shalt  }
0x66: {  	_ =	shalt  }
0x67: {  	_ =	shalt  }
0x68: {  	_ =	shalt  }
0x69: {  	_ =	shalt  }
0x6a: {  	_ =	shalt  }
0x6b: {  	_ =	shalt  }
0x6c: {  	_ =	shalt  }
0x6d: {  	_ =	shalt  }
0x6e: {  	_ =	shalt  }
0x6f: {  	_ =	shalt  }
0x70: {  	_ =	shalt  }
0x71: {  	_ =	shalt  }
0x72: {  	_ =	shalt  }
0x73: {  	_ =	shalt  }
0x74: {  	_ =	shalt  }
0x75: {  	_ =	shalt  }
0x76: {  	_ =	shalt  }
0x77: {  	_ =	shalt  }
0x78: {  	_ =	shalt  }
0x79: {  	_ =	shalt  }
0x7a: {  	_ =	shalt  }
0x7b: {  	_ =	shalt  }
0x7c: {  	_ =	shalt  }
0x7d: {  	_ =	shalt  }
0x7e: {  	_ =	shalt  }
0x7f: {  	_ =	shalt  }
0x80: {  	_ =	shalt  }
0x81: {  	_ =	shalt  }
0x82: {  	_ =	shalt  }
0x83: {  	_ =	shalt  }
0x84: {  	_ =	shalt  }
0x85: {  	_ =	shalt  }
0x86: {  	_ =	shalt  }
0x87: {  	_ =	shalt  }
.Lfunc_end0:
.L_simem_size_0:
called_computation.1_lowered:
.L_overlay_start_0:
0x88: {  	s2 =	sld [smem:$0x3FD9]  }
0x89: {  	s3 =	sld [smem:$0x3FFE];
	_ =	sdelay $0x1  }
0x8a: {  	s1 =	srdreg.scid  }
0x8b: {  	s0 =	sand.u32 $0x1, s1  }
0x8c: {  	s17 =	sshll.u32 s0, $0xA;
	s2 =	sadd.s32 s3, s2  }
0x8d: {  	s2 =	sadd.s32 s2, s17  }
0x8e: {  	[smem:$0x3FB6] =	sst s2  }
0x8f: {  	_ = 	snop  }
0x90: {  	s18 =	sld [smem:$0x3FC9];
	(tm) =	ssettm $0x1  }
0x91: {  	s19 =	sld [smem:$0x3FFB];
	_ =	sdelay $0x3  }
0x92: {  	_ =	strace s19  }
0x93: {  	s2 =	sld [smem:$0x3FFC];
	_ =	sdelay $0x3  }
0x94: {  	_ =	strace s2  }
0x95: {  	s2 =	sld [smem:$0x3FFD];
	_ =	sdelay $0x3  }
0x96: {  	_ =	strace s2  }
0x97: {  	_ =	strace $0x8FFFFFFF  }
0x98: {  	s20 =	sld [smem:$0x3FDB];
	_ =	sdelay $0x1  }
0x99: {  	s4 =	simm.s32 $_scs_section_size  }
0x9a: {  	s5 =	simm.s32 $_size__tile_overlayer_lowered;
	s6 =	simm.s32 $_tile_overlayer_lowered  }
0x9b: {  	s7 =	simm.s32 $0x1BFF;
	s21 =	sshll.u32 s6, $0x1;
	s4 =	sadd.s32 s4, s20  }
0x9c: {  	s22 =	simm.s32 $0x0;
	s5 =	sshll.u32 s5, $0x1;
	s6 =	sadd.s32 s21, s4  }
0x9d: {  	[timem:s22], [sflag:s7] =	dma.local [hbm:s6], s5  }
0x9e: {  	_ =	swait.ge [sflag:s7], s5  }
0x9f: {  	s5 =	ssub.s32 $0x0, s5;
	[sflag:s7] =	ssyncset.done $0x0  }
0xa0: {  	[sflag:s7] =	ssyncadd.s32 s5;
	_ =	sdelay $0x1  }
0xa1: {  	s23 =	simm.s32 $0x1B8B  }
0xa2: {  	_ =	swait.ge [sflag:s23], $0x1  }
0xa3: {  	[sflag:s23] =	ssyncset.done $0x0  }
0xa4: {  	[sflag:s23] =	ssyncadd.s32 $0xFFFFFFFF  }
0xa5: {  	s5 =	sld [smem:$0x0]  }
0xa6: {  	s6 =	sand.u32 $0xFFFFFFFE, s1  }
0xa7: {  	p0 =	sne.s32 s1, s6  }
0xa8: {  	s6 =	sshll.u32 @p0 s6, $0xE  }
0xa9: {  	s6 =	sadd.s32 @p0 $0x11B8D, s6;
	s7 =	sshll.u32 @p0 s5, $0x11  }
0xaa: {  	s6 =	sor.u32 @p0 s7, s6  }
0xab: {  	[sflag:s6] =	ssyncadd.remote.s32 @p0 $0x1;
	_ =	sdelay $0x1  }
0xac: {  	s6 =	simm.s32 @p0 $0x1B8D  }
0xad: {  	_ =	swait.eq @p0 [sflag:s6], $0x1  }
0xae: {  	[sflag:s6] =	ssyncadd.s32 @p0 $0xFFFFFFFF  }
0xaf: {  	s7 =	sshll.u32 @!p0 s1, $0xE  }
0xb0: {  	s7 =	sor.u32 @!p0 $0x4000, s7;
	s6 =	simm.s32 @!p0 $0x1B8D  }
0xb1: {  	s5 =	sshll.u32 @!p0 s5, $0x11;
	s7 =	sadd.s32 @!p0 $0x11B8D, s7;
	_ =	swait.eq @!p0 [sflag:s6], $0x1  }
0xb2: {  	s5 =	sor.u32 @!p0 s5, s7;
	[sflag:s6] =	ssyncadd.s32 @!p0 $0xFFFFFFFF  }
0xb3: {  	s25 =	simm.s32 $0x1B8E;
	s24 =	sld [smem:$0x3FFE];
	[sflag:s5] =	ssyncadd.remote.s32 @!p0 $0x1  }
0xb4: {  	s26 =	simm.s32 $execute0_lowered;
	[smem:$0x3FD2] =	sst s25  }
0xb5: {  	s6 =	sshll.u32 s26, $0x1;
	_ =	strace $0x80000049;
	[dreg:$0x1] =	wrdreg $0xFFFFFFFF  }
0xb6: {  	s28 =	simm.s32 $_size_execute0_lowered;
	s4 =	sadd.s32 s4, s6;
	[dreg:$0x0] =	wrdreg $0x0  }
0xb7: {  	s6 =	sshll.u32 s28, $0x1;
	[dreg:$0x2] =	wrdreg s4  }
0xb8: {  	[dreg:$0x3] =	wrdreg s6  }
0xb9: {  	[dreg:$0x4] =	wrdreg $0xC0  }
0xba: {  	_ =	task [dreg:s22], $0x5FFFF  }
0xbb: {  	[dreg:$0x1] =	wrdreg $0xFFFFFFFF  }
0xbc: {  	[dreg:$0x0] =	wrdreg $0x60  }
0xbd: {  	[dreg:$0x2] =	wrdreg s18  }
0xbe: {  	[dreg:$0x3] =	wrdreg s24  }
0xbf: {  	[dreg:$0x4] =	wrdreg $0x8F800  }
0xc0: {  	[dreg:$0x5] =	wrdreg $0xA  }
0xc1: {  	_ =	task.clear_ibuf [dreg:s22], $0x6FFFF;
	_ =	strace $0x90000049  }
0xc2: {  	s29 =	simm.s32 $0xA;
	_ =	strace $0x8000004B  }
0xc3: {  	_ =	swait.ge [sflag:s29], $0x1  }
0xc4: {  	[sflag:s29] =	ssyncadd.s32 $0xFFFFFFFF  }
0xc5: {  	_ =	strace $0x9000004B  }
0xc6: {  	_ =	sfence  }
0xc7: {  	s30 =	sld [smem:$0x0];
	_ =	sdelay $0x2  }
0xc8: {  	s31 =	sshll.u32 s1, $0xD;
	s1 =	sshrl.u32 s1, $0x2  }
0xc9: {  	s4 =	sand.u32 $0x4000, s31;
	s1 =	sadd.s32 s1, s30  }
0xca: {  	s0 =	sor.u32 s4, s0;
	s1 =	sshll.u32 s1, $0x11  }
0xcb: {  	s0 =	sor.u32 s1, s0  }
0xcc: {  	s0 =	sadd.s32 $0x8F2B, s0  }
0xcd: {  	[sflag:s0] =	ssyncadd.remote.s32 $0x1  }
0xce: {  	_ =	sfence.sel $0xFFFF  }
0xcf: {  	[dreg:$0x0] =	wrdreg $0xFFFFFFFF;
	(pc) =	sbr.abs _section_cstart, $3  }
0xd0: {  	[dreg:$0x1] =	wrdreg $0xFFFFFFFF  }
0xd1: {  	_ =	task.clear_ibuf [dreg:s22], $0x2FFFF;
	_ =	strace $0x9FFFFFFF  }
0xd2: {  	(tm) =	ssettm $0x7FFFFFFF  }
0xd3: {  	_ =	shalt  }
tec
execute0_lowered:
.L_overlay_start_1:
0x0: {  	(tag) =	ssettag $0x1  }
0x1: {  	s1 =	rddreg [dreg:$0x0]  }
0x2: {  	s2 =	srdreg.scid;
	s6 =	rddreg [dreg:$0x1]  }
0x3: {  	s0 =	stileid.u32;
	s3 =	rddreg [dreg:$0x2]  }
0x4: {  	s4 =	simm.s32 $0x0;
	s13 =	simm.s32 $0x2780;
	s14 =	simm.s32 $0x6780  }
0x5: {  	s15 =	simm.s32 $0x50;
	s16 =	simm.s32 $0x1;
	s17 =	simm.s32 $0x1C800  }
0x6: {  	s18 =	simm.s32 $0x2;
	s19 =	simm.s32 $0x2800;
	s20 =	simm.s32 $0x3  }
0x7: {  	s21 =	simm.s32 $0xA0;
	s22 =	simm.s32 $0x4;
	s23 =	simm.s32 $0x6580  }
0x8: {  	s24 =	simm.s32 $0x0;
	s5 =	sand.u32 $0x1, s2;
	s2 =	rddreg [dreg:$0x3]  }
0x9: {  	s26 =	sshll.u32 s0, $0x1;
	[smem:$0x7FF] =	sst s4;
	s10 =	smul.u32 $0x2800, s0  }
0xa: {  	s30 =	smul.u32 $0xA000, s0;
	s31 =	ssub.s32 $0x8C, s0;
	s7 =	sor.u32 s5, s26  }
0xb: {  	s9 =	smul.u32 $0x138800, s5;
	_ =	strace $0x8000004A;
	s28 =	ssub.s32 $0x2, s5  }
0xc: {  	s5 =	sadd.s32 $0x1D600, s6;
	s8 =	smul.u32 $0x4E2, s7;
	s7 =	sshll.u32 s7, $0xB  }
0xd: {  	s11 =	sshrl.u32 s28, $0x1;
	s7 =	sadd.s32 s7, s6;
	s9 =	sadd.s32 s10, s9  }
0xe: {  	s29 =	ssub.s32 s28, s11;
	s10 =	sshrl.u32 s30, $0x2;
	s8 =	sadd.s32 s8, s6  }
0xf: {  	s9 =	sshrl.u32 s9, $0x3;
	s7 =	sadd.s32 $0xD600, s7;
	s10 =	sadd.s32 s10, s3  }
0x10: {  	s12 =	sadd.s32 s9, s6;
	s6 =	sadd.s32 $0x3800, s8;
	s8 =	sshrl.u32 s31, $0x4  }
0x11: {  	s9 =	smax.u32 s29, $0x1;
	s11 =	sadd.s32 $0x6C400, s12;
	s12 =	simm.s32 $0x5  }
.LBB2_1:
0x12: {  	[tilespmem:s4], [sflag:$0x5] =	stream.linear.gather [hbm4b:s6+s4], $0x2710, $0x38;
	[tilespmem:$0x1F000] =	vst v63  }
0x13: {  	_ =	swait.ge [sflag:s12], $0x2710  }
0x14: {  	[sflag:s12] =	ssyncset.done $0x0  }
0x15: {  	[sflag:s12] =	ssyncadd.s32 $0xFFFFD8F0  }
0x16: {  	[tilespmem:s13], [sflag:$0x5] =	stream.linear.gather [hbm4b:s7+s4], $0x3E80, $0x38;
	[tilespmem:$0x1F000] =	vst v63  }
0x17: {  	_ =	swait.ge [sflag:s12], $0x3E80  }
0x18: {  	[sflag:s12] =	ssyncset.done $0x0  }
0x19: {  	[sflag:s12] =	ssyncadd.s32 $0xFFFFC180  }
0x1a: {  	[tilespmem:s14], [sflag:$0x5] =	stream.linear.gather [hbm4b:s5+s4], $0x2800, $0x38;
	[tilespmem:$0x1F000] =	vst v63  }
0x1b: {  	p0 =	sne.s32 s8, $0x1;
	_ =	swait.ge [sflag:s12], $0x2800  }
.Ltmp0:
0x1c: {  	[sflag:s12] =	ssyncset.done $0x0;
	(pc) =	sbr.rel @!p0 .LBB2_3-.Ltmp0, $4  }
0x1d: {  	[sflag:s12] =	ssyncadd.s32 $0xFFFFD800  }
0x1e: {  	[spmem:s10] =	stream.linear.scatter [tilespmem:s14], [sflag:$0x5], $0x2800, $0x38;
	[tilespmem:$0x1F000] =	vst v63  }
0x1f: {  	_ =	swait.ge [sflag:s12], $0x2800  }
0x20: {  	s25 =	sadd.s32 $0xFFFFFFFF, s8;
	s26 =	smov.u32 s10;
	[sflag:s12] =	ssyncset.done $0x0  }
.LBB2_2:
0x21: {  	p1 =	sne.s32 s25, $0x1;
	[sflag:s12] =	ssyncadd.s32 $0xFFFFD800;
	s26 =	sadd.s32 $0x28000, s26  }
.Ltmp1:
0x22: {  	s25 =	sadd.s32 $0xFFFFFFFF, s25;
	(pc) =	sbr.rel @p1 .LBB2_2-.Ltmp1, $4  }
0x23: {  	_ = 	snop  }
0x24: {  	[spmem:s26] =	stream.linear.scatter [tilespmem:s14], [sflag:$0x5], $0x2800, $0x38;
	[tilespmem:$0x1F000] =	vst v63  }
0x25: {  	_ =	swait.ge [sflag:s12], $0x2800  }
0x26: {  	[sflag:s12] =	ssyncset.done $0x0  }
.LBB2_3:
0x27: {  	[sflag:s12] =	ssyncadd.s32 $0xFFFFD800  }
0x28: {  	[tilespmem:s14], [sflag:$0x1] =	stream.indirect.gather [hbm4b:s1+s15], $0x80, s4, s15, $0xb8;
	[tilespmem:$0x1F000] =	vst v63  }
0x29: {  	[bflag:$0x0] =	sbarrier.arrive $0xFFFF  }
0x2a: {  	_ =	swait.ge [sflag:s16], $0x2800  }
0x2b: {  	[sflag:s16] =	ssyncset.done $0x0  }
0x2c: {  	[sflag:s16] =	ssyncadd.s32 $0xFFFFD800  }
0x2d: {  	[tilespmem:s17], [sflag:$0x2] =	stream.indirect.gather [hbm4b:s1+s15], $0x80, s15, s15, $0xb8;
	[tilespmem:$0x1F000] =	vst v63  }
0x2e: {  	_ = 	snop  }
0x2f: {  	[spmem:s3] =	stream.indirect.scatter.add.f32 [tilespmem:s14], [sflag:$0x3], $0x80, s13, s15, $0xb8;
	[tilespmem:$0x1F000] =	vst v63  }
0x30: {  	_ =	swait.ge [sflag:s18], $0x2800  }
0x31: {  	[sflag:s18] =	ssyncset.done $0x0  }
0x32: {  	[sflag:s18] =	ssyncadd.s32 $0xFFFFD800  }
0x33: {  	[spmem:s3] =	stream.indirect.scatter.add.f32 [tilespmem:s17], [sflag:$0x4], $0x80, s19, s15, $0xb8;
	[tilespmem:$0x1F000] =	vst v63  }
0x34: {  	_ =	swait.ge [sflag:s20], $0x2800  }
0x35: {  	[sflag:s20] =	ssyncset.done $0x0  }
0x36: {  	[sflag:s20] =	ssyncadd.s32 $0xFFFFD800  }
0x37: {  	[tilespmem:s14], [sflag:$0x1] =	stream.indirect.gather [hbm4b:s1+s15], $0x80, s21, s15, $0xb8;
	[tilespmem:$0x1F000] =	vst v63  }
0x38: {  	_ =	swait.ge [sflag:s16], $0x2800  }
0x39: {  	[sflag:s16] =	ssyncset.done $0x0  }
0x3a: {  	[sflag:s16] =	ssyncadd.s32 $0xFFFFD800  }
0x3b: {  	_ =	swait.ge [sflag:s22], $0x2800  }
0x3c: {  	[sflag:s22] =	ssyncset.done $0x0  }
0x3d: {  	s25 =	simm.s32 $0xF0;
	[sflag:s22] =	ssyncadd.s32 $0xFFFFD800  }
0x3e: {  	[tilespmem:s17], [sflag:$0x2] =	stream.indirect.gather [hbm4b:s1+s15], $0x80, s25, s15, $0xb8;
	[tilespmem:$0x1F000] =	vst v63  }
0x3f: {  	s30 =	simm.s32 $0x2880  }
0x40: {  	[spmem:s3] =	stream.indirect.scatter.add.f32 [tilespmem:s14], [sflag:$0x3], $0x80, s30, s15, $0xb8;
	[tilespmem:$0x1F000] =	vst v63  }
0x41: {  	_ =	swait.ge [sflag:s18], $0x2800  }
0x42: {  	[sflag:s18] =	ssyncset.done $0x0  }
0x43: {  	s31 =	simm.s32 $0x2900;
	[sflag:s18] =	ssyncadd.s32 $0xFFFFD800  }
0x44: {  	[spmem:s3] =	stream.indirect.scatter.add.f32 [tilespmem:s17], [sflag:$0x4], $0x80, s31, s15, $0xb8;
	[tilespmem:$0x1F000] =	vst v63  }
0x45: {  	_ =	swait.ge [sflag:s20], $0x2800  }
0x46: {  	s28 =	simm.s32 $0x140;
	[sflag:s20] =	ssyncset.done $0x0  }
0x47: {  	s26 =	simm.s32 $0x190;
	s25 =	simm.s32 $0xFFFF1000;
	[sflag:s20] =	ssyncadd.s32 $0xFFFFD800  }
.LBB2_4:
0x48: {  	[tilespmem:s14], [sflag:$0x1] =	stream.indirect.gather [hbm4b:s1+s15], $0x80, s28, s15, $0xb8;
	[tilespmem:$0x1F000] =	vst v63  }
0x49: {  	s28 =	smov.u32 s25  }
0x4a: {  	p1 =	sne.s32 s25, $0xFFFFFC00;
	s25 =	sadd.s32 $0x400, s25;
	_ =	swait.ge [sflag:s16], $0x2800  }
0x4b: {  	[sflag:s16] =	ssyncset.done $0x0  }
0x4c: {  	[sflag:s16] =	ssyncadd.s32 $0xFFFFD800  }
0x4d: {  	_ =	swait.ge [sflag:s22], $0x2800  }
0x4e: {  	[sflag:s22] =	ssyncset.done $0x0  }
0x4f: {  	s28 =	sshra.s32 s28, $0x2;
	[sflag:s22] =	ssyncadd.s32 $0xFFFFD800  }
0x50: {  	[tilespmem:s17], [sflag:$0x2] =	stream.indirect.gather [hbm4b:s1+s15], $0x80, s26, s15, $0xb8;
	[tilespmem:$0x1F000] =	vst v63  }
0x51: {  	s29 =	sadd.s32 $0x6580, s28  }
0x52: {  	[spmem:s3] =	stream.indirect.scatter.add.f32 [tilespmem:s14], [sflag:$0x3], $0x80, s29, s15, $0xb8;
	[tilespmem:$0x1F000] =	vst v63  }
0x53: {  	_ =	swait.ge [sflag:s18], $0x2800  }
0x54: {  	[sflag:s18] =	ssyncset.done $0x0  }
.Ltmp2:
0x55: {  	s28 =	sadd.s32 $0x6600, s28;
	[sflag:s18] =	ssyncadd.s32 $0xFFFFD800;
	(pc) =	sbr.rel @p1 .LBB2_4-.Ltmp2, $4  }
0x56: {  	[spmem:s3] =	stream.indirect.scatter.add.f32 [tilespmem:s17], [sflag:$0x4], $0x80, s28, s15, $0xb8;
	[tilespmem:$0x1F000] =	vst v63  }
0x57: {  	_ =	swait.ge [sflag:s20], $0x2800  }
0x58: {  	[sflag:s20] =	ssyncset.done $0x0  }
0x59: {  	s28 =	sadd.s32 $0x50, s26;
	s26 =	sadd.s32 $0xA0, s26;
	[sflag:s20] =	ssyncadd.s32 $0xFFFFD800  }
0x5a: {  	[tilespmem:s14], [sflag:$0x1] =	stream.indirect.gather [hbm4b:s1+s15], $0x80, s28, s15, $0xb8;
	[tilespmem:$0x1F000] =	vst v63  }
0x5b: {  	_ =	swait.ge [sflag:s22], $0x2800  }
0x5c: {  	[sflag:s22] =	ssyncset.done $0x0  }
0x5d: {  	[sflag:s22] =	ssyncadd.s32 $0xFFFFD800  }
0x5e: {  	_ =	swait.ge [sflag:s16], $0x2800  }
0x5f: {  	[sflag:s16] =	ssyncset.done $0x0  }
0x60: {  	[sflag:s16] =	ssyncadd.s32 $0xFFFFD800  }
0x61: {  	[spmem:s3] =	stream.indirect.scatter.add.f32 [tilespmem:s14], [sflag:$0x5], $0x80, s23, s15, $0xb8;
	[tilespmem:$0x1F000] =	vst v63  }
0x62: {  	_ =	swait.ge [sflag:s12], $0x2800  }
0x63: {  	[sflag:s12] =	ssyncset.done $0x0  }
0x64: {  	[sflag:s12] =	ssyncadd.s32 $0xFFFFD800  }
0x65: {  	[bflag:$0x0] =	sbarrier.arrive $0xFFFF  }
0x66: {  	[tilespmem:s14], [sflag:$0x5] =	stream.linear.gather [spmem:s10], $0x2800, $0x38;
	[tilespmem:$0x1F000] =	vst v63  }
0x67: {  	_ =	swait.ge [sflag:s12], $0x2800  }
.Ltmp3:
0x68: {  	[sflag:s12] =	ssyncset.done $0x0;
	(pc) =	sbr.rel @!p0 .LBB2_7-.Ltmp3, $4  }
0x69: {  	[sflag:s12] =	ssyncadd.s32 $0xFFFFD800  }
0x6a: {  	[hbm4b:s11+s4] =	stream.linear.scatter [tilespmem:s14], [sflag:$0x5], $0x2800, $0x38;
	[tilespmem:$0x1F000] =	vst v63  }
0x6b: {  	s25 =	sadd.s32 $0xFFFFFFFF, s8;
	_ =	swait.ge [sflag:s12], $0x2800  }
0x6c: {  	s26 =	smov.u32 s10;
	s28 =	smov.u32 s11;
	[sflag:s12] =	ssyncset.done $0x0  }
.LBB2_6:
0x6d: {  	[sflag:s12] =	ssyncadd.s32 $0xFFFFD800;
	s26 =	sadd.s32 $0x28000, s26;
	s28 =	sadd.s32 $0x5000, s28  }
0x6e: {  	[tilespmem:s14], [sflag:$0x5] =	stream.linear.gather [spmem:s26], $0x2800, $0x38;
	[tilespmem:$0x1F000] =	vst v63  }
0x6f: {  	p0 =	sne.s32 s25, $0x1;
	s25 =	sadd.s32 $0xFFFFFFFF, s25;
	_ =	swait.ge [sflag:s12], $0x2800  }
.Ltmp4:
0x70: {  	[sflag:s12] =	ssyncset.done $0x0;
	(pc) =	sbr.rel @p0 .LBB2_6-.Ltmp4, $4  }
0x71: {  	[sflag:s12] =	ssyncadd.s32 $0xFFFFD800  }
0x72: {  	[hbm4b:s28+s4] =	stream.linear.scatter [tilespmem:s14], [sflag:$0x5], $0x2800, $0x38;
	[tilespmem:$0x1F000] =	vst v63  }
0x73: {  	_ =	swait.ge [sflag:s12], $0x2800  }
0x74: {  	[sflag:s12] =	ssyncset.done $0x0  }
.LBB2_7:
0x75: {  	s24 =	sadd.s32 $0x1, s24  }
0x76: {  	p0 =	sne.s32 s24, s9  }
.Ltmp5:
0x77: {  	_ = 	snop;
	(pc) =	sbr.rel @p0 .LBB2_1-.Ltmp5, $2  }
0x78: {  	_ =	sdelay $0x2  }
0x79: {  	[sflag:s12] =	ssyncadd.s32 $0xFFFFD800  }
0x7a: {  	_ =	sfence.sel $0x180000  }
0x7b: {  	[bflag:$0x0] =	sbarrier.arrive $0xFFFF  }
0x7c: {  	p0 =	sne.s32 s0, $0x0;
	_ =	strace $0x9000004A  }
0x7d: {  	s0 =	sadd.s32 @!p0 $0x100000, s2;
	[bflag:$0x2] =	sbarrier.arrive $0xFFFF  }
0x7e: {  	[sflag:s0] =	ssyncadd.tile.s32 @!p0 $0x1;
	_ =	shalt  }
.Lfunc_end2:
_tile_overlayer_lowered:
.L_overlay_start_2:
0x7f: {  	(tag) =	ssettag $0x2  }
0x80: {  	s0 =	rddreg [dreg:$0x0];
	s2 =	stileid.u32  }
0x81: {  	s1 =	rddreg [dreg:$0x1];
	p0 =	sne.s32 s2, $0x0  }
0x82: {  	s3 =	rddreg [dreg:$0x2];
	[bflag:$0x3] =	sbarrier.arrive $0xFFFF;
	s2 =	simm.s32 @!p0 $0x1C05  }
0x83: {  	[timem:s3], [sflag:s2] =	dma.local @!p0 [hbm:s0], s1  }
0x84: {  	s0 =	simm.s32 @!p0 $0x5  }
0x85: {  	_ =	swait.ge @!p0 [sflag:s0], s1  }
0x86: {  	s1 =	ssub.s32 @!p0 $0x0, s1;
	[sflag:s0] =	ssyncset.done @!p0 $0x0  }
0x87: {  	[sflag:s0] =	ssyncadd.s32 @!p0 s1  }
0x88: {  	[bflag:$0x3] =	sbarrier.arrive $0xFFFF  }
0x89: {  	_ =	shalt  }

// kernel: kernel.16.cloned.1.call-start
scs
__scs_entry_jumppad:
0x0: {  	(pc) =	sbr.rel $0x88, $3  }
0x1: {  	(tag) =	ssettag $0x0;
	lr =	simm.s32 $0x1  }
0x2: {  	[smem:$0x3F8F] =	sst lr;
	_ =	strace $0xD0000000  }
0x3: {  	_ = 	snop  }
0x4: {  	_ = 	snop  }
0x5: {  	_ = 	snop  }
0x6: {  	_ = 	snop  }
0x7: {  	_ = 	snop  }
__scs_overlays_trampoline_lowered:
0x8: {  	[smem:$0x3F9E] =	sst s0  }
0x9: {  	[smem:$0x3F9F] =	sst s1  }
0xa: {  	[smem:$0x3FA0] =	sst s2  }
0xb: {  	[smem:$0x3FA1] =	sst s3  }
0xc: {  	[smem:$0x3FA2] =	sst s4  }
0xd: {  	[smem:$0x3FA3] =	sst s5  }
0xe: {  	[smem:$0x3FA4] =	sst s6  }
0xf: {  	[smem:$0x3FA5] =	sst s7  }
0x10: {  	[smem:$0x3FA6] =	sst s8  }
0x11: {  	[smem:$0x3FA7] =	sst s9;
	s0 =	simm.s32 @!p0 $0x0  }
0x12: {  	s1 =	sld [smem:$0x3F8D];
	s0 =	simm.s32 @p0 $0x1  }
0x13: {  	[smem:$0x3FA8] =	sst s0;
	s0 =	simm.s32 @!p1 $0x0  }
0x14: {  	s2 =	sld [smem:$0x3F8C];
	s0 =	simm.s32 @p1 $0x1  }
0x15: {  	[smem:$0x3FA9] =	sst s0;
	s0 =	simm.s32 @!p2 $0x0  }
0x16: {  	s3 =	sld [smem:$0x3FDB];
	s0 =	simm.s32 @p2 $0x1  }
0x17: {  	s4 =	simm.s32 $0x1BF5;
	[smem:$0x3FAB] =	sst s0  }
0x18: {  	s0 =	sld [smem:$0x3F8E];
	_ =	swait.ge [sflag:s4], $0x0  }
0x19: {  	s7 =	sld [smem:$0x3F8F]  }
0x1a: {  	s8 =	sadd.s32 $0xFFFFE003, lr  }
0x1b: {  	s9 =	sadd.s32 $0xFFFFFEF7, lr;
	s5 =	simm.s32 $0xFFFFFFFF;
	p2 =	slt.u32 s8, $0xFFFFF086  }
0x1c: {  	p1 =	slt.u32 s9, $0xF7A;
	s5 =	simm.s32 @!p2 $0x0  }
0x1d: {  	s5 =	simm.s32 @p1 $0x1;
	p0 =	seq.s32 s7, s2  }
0x1e: {  	s7 =	smul.u32 @!p0 $0xF7A, s2;
	p2 =	seq.s32 @!p0 s5, $0x0  }
0x1f: {  	s9 =	smul.u32 $0xF7A, s1;
	s8 =	simm.s32 @!p0 $0x1BF5;
	p2 =	por !p2, p0  }
0x20: {  	[sflag:s8] =	ssyncset.s32 @!p0 $0xFFFFF086;
	s6 =	sadd.s32 @!p0 s3, s7;
	s7 =	simm.s32 @!p0 $0x108  }
0x21: {  	s3 =	sadd.s32 s3, s9;
	s6 =	sadd.s32 @!p0 $0x88, s6;
	s7 =	simm.s32 @p2 $0x1082  }
0x22: {  	[simem:s7], [sflag:s8] =	dma.local @!p0 [hbm:s6], $0xF7A  }
0x23: {  	s9 =	sor.u32 $0xD0000000, s2;
	s6 =	simm.s32 $0x108;
	_ =	swait.ge @!p0 [sflag:s8], $0x0  }
0x24: {  	s3 =	sadd.s32 $0x88, s3;
	s6 =	simm.s32 @!p1 $0x1082;
	[sflag:s4] =	ssyncset.s32 $0xFFFFF086  }
0x25: {  	[simem:s6], [sflag:s4] =	dma.local [hbm:s3], $0xF7A  }
0x26: {  	[smem:$0x3F8F] =	sst s1;
	(tag) =	ssettag s2;
	_ =	strace s9  }
0x27: {  	s1 =	sld [smem:$0x3F9F]  }
0x28: {  	s2 =	sld [smem:$0x3FA0]  }
0x29: {  	s4 =	sld [smem:$0x3FA2]  }
0x2a: {  	p0 =	seq.s32 s5, $0x0;
	s5 =	sld [smem:$0x3FA3]  }
0x2b: {  	s6 =	sld [smem:$0x3FA4]  }
0x2c: {  	s7 =	sld [smem:$0x3FA5]  }
0x2d: {  	s3 =	simm.s32 $0x108;
	s8 =	sld [smem:$0x3FA6]  }
0x2e: {  	s3 =	simm.s32 @!p0 $0x1082;
	s9 =	sld [smem:$0x3FA7]  }
0x2f: {  	lr =	sadd.s32 s0, s3;
	s0 =	sld [smem:$0x3F9E]  }
0x30: {  	s3 =	sld [smem:$0x3FA1]  }
0x31: {  	[smem:$0x3FAA] =	sst s10  }
0x32: {  	s10 =	sld [smem:$0x3FA8];
	_ =	sdelay $0x3  }
0x33: {  	p0 =	seq.s32 s10, $0x1;
	s10 =	sld [smem:$0x3FAA];
	_ =	sdelay $0x3  }
0x34: {  	[smem:$0x3FAA] =	sst s10  }
0x35: {  	s10 =	sld [smem:$0x3FA9];
	_ =	sdelay $0x3  }
0x36: {  	p1 =	seq.s32 s10, $0x1;
	s10 =	sld [smem:$0x3FAA];
	_ =	sdelay $0x3  }
0x37: {  	[smem:$0x3FAA] =	sst s10  }
0x38: {  	s10 =	sld [smem:$0x3FAB]  }
0x39: {  	_ = 	snop;
	(pc) =	sbr.ind lr, $3  }
0x3a: {  	_ = 	snop  }
0x3b: {  	_ = 	snop  }
0x3c: {  	p2 =	seq.s32 s10, $0x1;
	s10 =	sld [smem:$0x3FAA]  }
0x3d: {  	_ =	shalt  }
0x3e: {  	_ =	shalt  }
0x3f: {  	_ =	shalt  }
0x40: {  	_ =	shalt  }
0x41: {  	_ =	shalt  }
0x42: {  	_ =	shalt  }
0x43: {  	_ =	shalt  }
0x44: {  	_ =	shalt  }
0x45: {  	_ =	shalt  }
0x46: {  	_ =	shalt  }
0x47: {  	_ =	shalt  }
0x48: {  	_ =	shalt  }
0x49: {  	_ =	shalt  }
0x4a: {  	_ =	shalt  }
0x4b: {  	_ =	shalt  }
0x4c: {  	_ =	shalt  }
0x4d: {  	_ =	shalt  }
0x4e: {  	_ =	shalt  }
0x4f: {  	_ =	shalt  }
0x50: {  	_ =	shalt  }
0x51: {  	_ =	shalt  }
0x52: {  	_ =	shalt  }
0x53: {  	_ =	shalt  }
0x54: {  	_ =	shalt  }
0x55: {  	_ =	shalt  }
0x56: {  	_ =	shalt  }
0x57: {  	_ =	shalt  }
0x58: {  	_ =	shalt  }
0x59: {  	_ =	shalt  }
0x5a: {  	_ =	shalt  }
0x5b: {  	_ =	shalt  }
0x5c: {  	_ =	shalt  }
0x5d: {  	_ =	shalt  }
0x5e: {  	_ =	shalt  }
0x5f: {  	_ =	shalt  }
0x60: {  	_ =	shalt  }
0x61: {  	_ =	shalt  }
0x62: {  	_ =	shalt  }
0x63: {  	_ =	shalt  }
0x64: {  	_ =	shalt  }
0x65: {  	_ =	shalt  }
0x66: {  	_ =	shalt  }
0x67: {  	_ =	shalt  }
0x68: {  	_ =	shalt  }
0x69: {  	_ =	shalt  }
0x6a: {  	_ =	shalt  }
0x6b: {  	_ =	shalt  }
0x6c: {  	_ =	shalt  }
0x6d: {  	_ =	shalt  }
0x6e: {  	_ =	shalt  }
0x6f: {  	_ =	shalt  }
0x70: {  	_ =	shalt  }
0x71: {  	_ =	shalt  }
0x72: {  	_ =	shalt  }
0x73: {  	_ =	shalt  }
0x74: {  	_ =	shalt  }
0x75: {  	_ =	shalt  }
0x76: {  	_ =	shalt  }
0x77: {  	_ =	shalt  }
0x78: {  	_ =	shalt  }
0x79: {  	_ =	shalt  }
0x7a: {  	_ =	shalt  }
0x7b: {  	_ =	shalt  }
0x7c: {  	_ =	shalt  }
0x7d: {  	_ =	shalt  }
0x7e: {  	_ =	shalt  }
0x7f: {  	_ =	shalt  }
0x80: {  	_ =	shalt  }
0x81: {  	_ =	shalt  }
0x82: {  	_ =	shalt  }
0x83: {  	_ =	shalt  }
0x84: {  	_ =	shalt  }
0x85: {  	_ =	shalt  }
0x86: {  	_ =	shalt  }
0x87: {  	_ =	shalt  }
.Lfunc_end0:
.L_simem_size_0:
called_computation.2_lowered:
.L_overlay_start_0:
0x88: {  	s2 =	sld [smem:$0x3FD9]  }
0x89: {  	s3 =	sld [smem:$0x3FFE];
	_ =	sdelay $0x1  }
0x8a: {  	s1 =	srdreg.scid  }
0x8b: {  	s0 =	sand.u32 $0x1, s1  }
0x8c: {  	s16 =	sshll.u32 s0, $0xA;
	s2 =	sadd.s32 s3, s2  }
0x8d: {  	s2 =	sadd.s32 s2, s16  }
0x8e: {  	[smem:$0x3FB6] =	sst s2  }
0x8f: {  	_ = 	snop  }
0x90: {  	(tm) =	ssettm $0x1  }
0x91: {  	s17 =	sld [smem:$0x3FFB];
	_ =	sdelay $0x3  }
0x92: {  	_ =	strace s17  }
0x93: {  	s2 =	sld [smem:$0x3FFC];
	_ =	sdelay $0x3  }
0x94: {  	_ =	strace s2  }
0x95: {  	s2 =	sld [smem:$0x3FFD];
	_ =	sdelay $0x3  }
0x96: {  	_ =	strace s2  }
0x97: {  	_ =	strace $0x8FFFFFFF  }
0x98: {  	s18 =	sld [smem:$0x3FDB];
	_ =	sdelay $0x1  }
0x99: {  	s19 =	simm.s32 $_scs_section_size  }
0x9a: {  	s4 =	simm.s32 $_size__tile_overlayer_lowered;
	s5 =	simm.s32 $_tile_overlayer_lowered  }
0x9b: {  	s22 =	simm.s32 $0x1BFF;
	s21 =	sshll.u32 s5, $0x1;
	s2 =	sadd.s32 s19, s18  }
0x9c: {  	s6 =	simm.s32 $0x0;
	s20 =	sshll.u32 s4, $0x1;
	s4 =	sadd.s32 s21, s2  }
0x9d: {  	[timem:s6], [sflag:s22] =	dma.local [hbm:s4], s20  }
0x9e: {  	_ =	swait.ge [sflag:s22], s20  }
0x9f: {  	s3 =	ssub.s32 $0x0, s20;
	[sflag:s22] =	ssyncset.done $0x0  }
0xa0: {  	[sflag:s22] =	ssyncadd.s32 s3;
	_ =	sdelay $0x1  }
0xa1: {  	s23 =	simm.s32 $0x1B8B  }
0xa2: {  	_ =	swait.ge [sflag:s23], $0x1  }
0xa3: {  	[sflag:s23] =	ssyncset.done $0x0  }
0xa4: {  	s25 =	simm.s32 $0x1B8E;
	s24 =	sld [smem:$0x3FFE];
	[sflag:s23] =	ssyncadd.s32 $0xFFFFFFFF  }
0xa5: {  	s26 =	simm.s32 $execute0_lowered;
	[smem:$0x3FD2] =	sst s25  }
0xa6: {  	s4 =	sshll.u32 s26, $0x1;
	_ =	strace $0x8000004C;
	[dreg:$0x1] =	wrdreg $0xFFFFFFFF  }
0xa7: {  	s28 =	simm.s32 $_size_execute0_lowered;
	s2 =	sadd.s32 s2, s4;
	[dreg:$0x0] =	wrdreg $0x0  }
0xa8: {  	s4 =	sshll.u32 s28, $0x1;
	[dreg:$0x2] =	wrdreg s2  }
0xa9: {  	[dreg:$0x3] =	wrdreg s4  }
0xaa: {  	[dreg:$0x4] =	wrdreg $0xC0  }
0xab: {  	_ =	task [dreg:s6], $0x5FFFF  }
0xac: {  	[dreg:$0x1] =	wrdreg $0xFFFFFFFF  }
0xad: {  	[dreg:$0x0] =	wrdreg $0x60  }
0xae: {  	[dreg:$0x2] =	wrdreg s24  }
0xaf: {  	[dreg:$0x3] =	wrdreg $0x8F800  }
0xb0: {  	[dreg:$0x4] =	wrdreg $0x9  }
0xb1: {  	_ =	task.clear_ibuf [dreg:s6], $0x5FFFF;
	_ =	strace $0x9000004C  }
0xb2: {  	s29 =	simm.s32 $0x9;
	_ =	strace $0x8000004E  }
0xb3: {  	_ =	swait.ge [sflag:s29], $0x1  }
0xb4: {  	[sflag:s29] =	ssyncadd.s32 $0xFFFFFFFF  }
0xb5: {  	_ =	strace $0x9000004E  }
0xb6: {  	_ =	sfence  }
0xb7: {  	s30 =	sld [smem:$0x0];
	_ =	sdelay $0x2  }
0xb8: {  	s31 =	sshll.u32 s1, $0xD;
	s1 =	sshrl.u32 s1, $0x2  }
0xb9: {  	s3 =	sand.u32 $0x4000, s31;
	s1 =	sadd.s32 s1, s30  }
0xba: {  	s0 =	sor.u32 s3, s0;
	s1 =	sshll.u32 s1, $0x11  }
0xbb: {  	s0 =	sor.u32 s1, s0  }
0xbc: {  	s0 =	sadd.s32 $0x8F2B, s0  }
0xbd: {  	[sflag:s0] =	ssyncadd.remote.s32 $0x1  }
0xbe: {  	_ =	sfence.sel $0xFFFF  }
0xbf: {  	[dreg:$0x0] =	wrdreg $0xFFFFFFFF;
	(pc) =	sbr.abs _section_cstart, $3  }
0xc0: {  	[dreg:$0x1] =	wrdreg $0xFFFFFFFF  }
0xc1: {  	_ =	task.clear_ibuf [dreg:s6], $0x2FFFF;
	_ =	strace $0x9FFFFFFF  }
0xc2: {  	(tm) =	ssettm $0x7FFFFFFF  }
0xc3: {  	_ =	shalt  }
tec
execute0_lowered:
.L_overlay_start_1:
0x0: {  	(tag) =	ssettag $0x1  }
0x1: {  	s1 =	srdreg.scid;
	s6 =	rddreg [dreg:$0x0]  }
0x2: {  	s0 =	stileid.u32;
	s2 =	rddreg [dreg:$0x1];
	s3 =	simm.s32 $0x0  }
0x3: {  	s13 =	simm.s32 $0x2780;
	s14 =	simm.s32 $0x6780;
	s15 =	simm.s32 $0x50  }
0x4: {  	s16 =	simm.s32 $0x1;
	s17 =	simm.s32 $0x1C800;
	s18 =	simm.s32 $0x2  }
0x5: {  	s19 =	simm.s32 $0x2800;
	s20 =	simm.s32 $0x3;
	s21 =	simm.s32 $0xA0  }
0x6: {  	s22 =	simm.s32 $0x4;
	s23 =	simm.s32 $0x6580;
	s24 =	simm.s32 $0x0  }
0x7: {  	s5 =	sand.u32 $0x1, s1;
	s26 =	sshll.u32 s0, $0x1;
	s1 =	rddreg [dreg:$0x2]  }
0x8: {  	[smem:$0x7FF] =	sst s3;
	s10 =	smul.u32 $0x2800, s0;
	s4 =	sadd.s32 $0x1DC00, s6  }
0x9: {  	s30 =	smul.u32 $0xA000, s0;
	s31 =	ssub.s32 $0x8C, s0;
	s7 =	sor.u32 s5, s26  }
0xa: {  	s9 =	smul.u32 $0x138800, s5;
	_ =	strace $0x8000004D;
	s28 =	ssub.s32 $0x2, s5  }
0xb: {  	s5 =	sadd.s32 $0x1D600, s6;
	s8 =	smul.u32 $0x4E2, s7;
	s7 =	sshll.u32 s7, $0xB  }
0xc: {  	s11 =	sshrl.u32 s28, $0x1;
	s7 =	sadd.s32 s7, s6;
	s9 =	sadd.s32 s10, s9  }
0xd: {  	s29 =	ssub.s32 s28, s11;
	s10 =	sshrl.u32 s30, $0x2;
	s8 =	sadd.s32 s8, s6  }
0xe: {  	s9 =	sshrl.u32 s9, $0x3;
	s7 =	sadd.s32 $0xD600, s7;
	s10 =	sadd.s32 s10, s2  }
0xf: {  	s12 =	sadd.s32 s9, s6;
	s6 =	sadd.s32 $0x3800, s8;
	s8 =	sshrl.u32 s31, $0x4  }
0x10: {  	s9 =	smax.u32 s29, $0x1;
	s11 =	sadd.s32 $0x44E00, s12;
	s12 =	simm.s32 $0x5  }
.LBB2_1:
0x11: {  	[tilespmem:s3], [sflag:$0x5] =	stream.linear.gather [hbm4b:s6+s3], $0x2710, $0x38;
	[tilespmem:$0x1F000] =	vst v63  }
0x12: {  	_ =	swait.ge [sflag:s12], $0x2710  }
0x13: {  	[sflag:s12] =	ssyncset.done $0x0  }
0x14: {  	[sflag:s12] =	ssyncadd.s32 $0xFFFFD8F0  }
0x15: {  	[tilespmem:s13], [sflag:$0x5] =	stream.linear.gather [hbm4b:s7+s3], $0x3E80, $0x38;
	[tilespmem:$0x1F000] =	vst v63  }
0x16: {  	_ =	swait.ge [sflag:s12], $0x3E80  }
0x17: {  	[sflag:s12] =	ssyncset.done $0x0  }
0x18: {  	[sflag:s12] =	ssyncadd.s32 $0xFFFFC180  }
0x19: {  	[tilespmem:s14], [sflag:$0x5] =	stream.linear.gather [hbm4b:s5+s3], $0x2800, $0x38;
	[tilespmem:$0x1F000] =	vst v63  }
0x1a: {  	p0 =	sne.s32 s8, $0x1;
	_ =	swait.ge [sflag:s12], $0x2800  }
.Ltmp0:
0x1b: {  	[sflag:s12] =	ssyncset.done $0x0;
	(pc) =	sbr.rel @!p0 .LBB2_3-.Ltmp0, $4  }
0x1c: {  	[sflag:s12] =	ssyncadd.s32 $0xFFFFD800  }
0x1d: {  	[spmem:s10] =	stream.linear.scatter [tilespmem:s14], [sflag:$0x5], $0x2800, $0x38;
	[tilespmem:$0x1F000] =	vst v63  }
0x1e: {  	_ =	swait.ge [sflag:s12], $0x2800  }
0x1f: {  	s25 =	sadd.s32 $0xFFFFFFFF, s8;
	s26 =	smov.u32 s10;
	[sflag:s12] =	ssyncset.done $0x0  }
.LBB2_2:
0x20: {  	p1 =	sne.s32 s25, $0x1;
	[sflag:s12] =	ssyncadd.s32 $0xFFFFD800;
	s26 =	sadd.s32 $0x28000, s26  }
.Ltmp1:
0x21: {  	s25 =	sadd.s32 $0xFFFFFFFF, s25;
	(pc) =	sbr.rel @p1 .LBB2_2-.Ltmp1, $4  }
0x22: {  	_ = 	snop  }
0x23: {  	[spmem:s26] =	stream.linear.scatter [tilespmem:s14], [sflag:$0x5], $0x2800, $0x38;
	[tilespmem:$0x1F000] =	vst v63  }
0x24: {  	_ =	swait.ge [sflag:s12], $0x2800  }
0x25: {  	[sflag:s12] =	ssyncset.done $0x0  }
.LBB2_3:
0x26: {  	[sflag:s12] =	ssyncadd.s32 $0xFFFFD800  }
0x27: {  	[tilespmem:s14], [sflag:$0x1] =	stream.indirect.gather [hbm4b:s4+s15], $0x80, s3, s15, $0xb8;
	[tilespmem:$0x1F000] =	vst v63  }
0x28: {  	[bflag:$0x0] =	sbarrier.arrive $0xFFFF  }
0x29: {  	_ =	swait.ge [sflag:s16], $0x2800  }
0x2a: {  	[sflag:s16] =	ssyncset.done $0x0  }
0x2b: {  	[sflag:s16] =	ssyncadd.s32 $0xFFFFD800  }
0x2c: {  	[tilespmem:s17], [sflag:$0x2] =	stream.indirect.gather [hbm4b:s4+s15], $0x80, s15, s15, $0xb8;
	[tilespmem:$0x1F000] =	vst v63  }
0x2d: {  	_ = 	snop  }
0x2e: {  	[spmem:s2] =	stream.indirect.scatter.add.f32 [tilespmem:s14], [sflag:$0x3], $0x80, s13, s15, $0xb8;
	[tilespmem:$0x1F000] =	vst v63  }
0x2f: {  	_ =	swait.ge [sflag:s18], $0x2800  }
0x30: {  	[sflag:s18] =	ssyncset.done $0x0  }
0x31: {  	[sflag:s18] =	ssyncadd.s32 $0xFFFFD800  }
0x32: {  	[spmem:s2] =	stream.indirect.scatter.add.f32 [tilespmem:s17], [sflag:$0x4], $0x80, s19, s15, $0xb8;
	[tilespmem:$0x1F000] =	vst v63  }
0x33: {  	_ =	swait.ge [sflag:s20], $0x2800  }
0x34: {  	[sflag:s20] =	ssyncset.done $0x0  }
0x35: {  	[sflag:s20] =	ssyncadd.s32 $0xFFFFD800  }
0x36: {  	[tilespmem:s14], [sflag:$0x1] =	stream.indirect.gather [hbm4b:s4+s15], $0x80, s21, s15, $0xb8;
	[tilespmem:$0x1F000] =	vst v63  }
0x37: {  	_ =	swait.ge [sflag:s16], $0x2800  }
0x38: {  	[sflag:s16] =	ssyncset.done $0x0  }
0x39: {  	[sflag:s16] =	ssyncadd.s32 $0xFFFFD800  }
0x3a: {  	_ =	swait.ge [sflag:s22], $0x2800  }
0x3b: {  	[sflag:s22] =	ssyncset.done $0x0  }
0x3c: {  	s25 =	simm.s32 $0xF0;
	[sflag:s22] =	ssyncadd.s32 $0xFFFFD800  }
0x3d: {  	[tilespmem:s17], [sflag:$0x2] =	stream.indirect.gather [hbm4b:s4+s15], $0x80, s25, s15, $0xb8;
	[tilespmem:$0x1F000] =	vst v63  }
0x3e: {  	s30 =	simm.s32 $0x2880  }
0x3f: {  	[spmem:s2] =	stream.indirect.scatter.add.f32 [tilespmem:s14], [sflag:$0x3], $0x80, s30, s15, $0xb8;
	[tilespmem:$0x1F000] =	vst v63  }
0x40: {  	_ =	swait.ge [sflag:s18], $0x2800  }
0x41: {  	[sflag:s18] =	ssyncset.done $0x0  }
0x42: {  	s31 =	simm.s32 $0x2900;
	[sflag:s18] =	ssyncadd.s32 $0xFFFFD800  }
0x43: {  	[spmem:s2] =	stream.indirect.scatter.add.f32 [tilespmem:s17], [sflag:$0x4], $0x80, s31, s15, $0xb8;
	[tilespmem:$0x1F000] =	vst v63  }
0x44: {  	_ =	swait.ge [sflag:s20], $0x2800  }
0x45: {  	s28 =	simm.s32 $0x140;
	[sflag:s20] =	ssyncset.done $0x0  }
0x46: {  	s26 =	simm.s32 $0x190;
	s25 =	simm.s32 $0xFFFF1000;
	[sflag:s20] =	ssyncadd.s32 $0xFFFFD800  }
.LBB2_4:
0x47: {  	[tilespmem:s14], [sflag:$0x1] =	stream.indirect.gather [hbm4b:s4+s15], $0x80, s28, s15, $0xb8;
	[tilespmem:$0x1F000] =	vst v63  }
0x48: {  	s28 =	smov.u32 s25  }
0x49: {  	p1 =	sne.s32 s25, $0xFFFFFC00;
	s25 =	sadd.s32 $0x400, s25;
	_ =	swait.ge [sflag:s16], $0x2800  }
0x4a: {  	[sflag:s16] =	ssyncset.done $0x0  }
0x4b: {  	[sflag:s16] =	ssyncadd.s32 $0xFFFFD800  }
0x4c: {  	_ =	swait.ge [sflag:s22], $0x2800  }
0x4d: {  	[sflag:s22] =	ssyncset.done $0x0  }
0x4e: {  	s28 =	sshra.s32 s28, $0x2;
	[sflag:s22] =	ssyncadd.s32 $0xFFFFD800  }
0x4f: {  	[tilespmem:s17], [sflag:$0x2] =	stream.indirect.gather [hbm4b:s4+s15], $0x80, s26, s15, $0xb8;
	[tilespmem:$0x1F000] =	vst v63  }
0x50: {  	s29 =	sadd.s32 $0x6580, s28  }
0x51: {  	[spmem:s2] =	stream.indirect.scatter.add.f32 [tilespmem:s14], [sflag:$0x3], $0x80, s29, s15, $0xb8;
	[tilespmem:$0x1F000] =	vst v63  }
0x52: {  	_ =	swait.ge [sflag:s18], $0x2800  }
0x53: {  	[sflag:s18] =	ssyncset.done $0x0  }
.Ltmp2:
0x54: {  	s28 =	sadd.s32 $0x6600, s28;
	[sflag:s18] =	ssyncadd.s32 $0xFFFFD800;
	(pc) =	sbr.rel @p1 .LBB2_4-.Ltmp2, $4  }
0x55: {  	[spmem:s2] =	stream.indirect.scatter.add.f32 [tilespmem:s17], [sflag:$0x4], $0x80, s28, s15, $0xb8;
	[tilespmem:$0x1F000] =	vst v63  }
0x56: {  	_ =	swait.ge [sflag:s20], $0x2800  }
0x57: {  	[sflag:s20] =	ssyncset.done $0x0  }
0x58: {  	s28 =	sadd.s32 $0x50, s26;
	s26 =	sadd.s32 $0xA0, s26;
	[sflag:s20] =	ssyncadd.s32 $0xFFFFD800  }
0x59: {  	[tilespmem:s14], [sflag:$0x1] =	stream.indirect.gather [hbm4b:s4+s15], $0x80, s28, s15, $0xb8;
	[tilespmem:$0x1F000] =	vst v63  }
0x5a: {  	_ =	swait.ge [sflag:s22], $0x2800  }
0x5b: {  	[sflag:s22] =	ssyncset.done $0x0  }
0x5c: {  	[sflag:s22] =	ssyncadd.s32 $0xFFFFD800  }
0x5d: {  	_ =	swait.ge [sflag:s16], $0x2800  }
0x5e: {  	[sflag:s16] =	ssyncset.done $0x0  }
0x5f: {  	[sflag:s16] =	ssyncadd.s32 $0xFFFFD800  }
0x60: {  	[spmem:s2] =	stream.indirect.scatter.add.f32 [tilespmem:s14], [sflag:$0x5], $0x80, s23, s15, $0xb8;
	[tilespmem:$0x1F000] =	vst v63  }
0x61: {  	_ =	swait.ge [sflag:s12], $0x2800  }
0x62: {  	[sflag:s12] =	ssyncset.done $0x0  }
0x63: {  	[sflag:s12] =	ssyncadd.s32 $0xFFFFD800  }
0x64: {  	[bflag:$0x0] =	sbarrier.arrive $0xFFFF  }
0x65: {  	[tilespmem:s14], [sflag:$0x5] =	stream.linear.gather [spmem:s10], $0x2800, $0x38;
	[tilespmem:$0x1F000] =	vst v63  }
0x66: {  	_ =	swait.ge [sflag:s12], $0x2800  }
.Ltmp3:
0x67: {  	[sflag:s12] =	ssyncset.done $0x0;
	(pc) =	sbr.rel @!p0 .LBB2_7-.Ltmp3, $4  }
0x68: {  	[sflag:s12] =	ssyncadd.s32 $0xFFFFD800  }
0x69: {  	[hbm4b:s11+s3] =	stream.linear.scatter [tilespmem:s14], [sflag:$0x5], $0x2800, $0x38;
	[tilespmem:$0x1F000] =	vst v63  }
0x6a: {  	s25 =	sadd.s32 $0xFFFFFFFF, s8;
	_ =	swait.ge [sflag:s12], $0x2800  }
0x6b: {  	s26 =	smov.u32 s10;
	s28 =	smov.u32 s11;
	[sflag:s12] =	ssyncset.done $0x0  }
.LBB2_6:
0x6c: {  	[sflag:s12] =	ssyncadd.s32 $0xFFFFD800;
	s26 =	sadd.s32 $0x28000, s26;
	s28 =	sadd.s32 $0x5000, s28  }
0x6d: {  	[tilespmem:s14], [sflag:$0x5] =	stream.linear.gather [spmem:s26], $0x2800, $0x38;
	[tilespmem:$0x1F000] =	vst v63  }
0x6e: {  	p0 =	sne.s32 s25, $0x1;
	s25 =	sadd.s32 $0xFFFFFFFF, s25;
	_ =	swait.ge [sflag:s12], $0x2800  }
.Ltmp4:
0x6f: {  	[sflag:s12] =	ssyncset.done $0x0;
	(pc) =	sbr.rel @p0 .LBB2_6-.Ltmp4, $4  }
0x70: {  	[sflag:s12] =	ssyncadd.s32 $0xFFFFD800  }
0x71: {  	[hbm4b:s28+s3] =	stream.linear.scatter [tilespmem:s14], [sflag:$0x5], $0x2800, $0x38;
	[tilespmem:$0x1F000] =	vst v63  }
0x72: {  	_ =	swait.ge [sflag:s12], $0x2800  }
0x73: {  	[sflag:s12] =	ssyncset.done $0x0  }
.LBB2_7:
0x74: {  	s24 =	sadd.s32 $0x1, s24  }
0x75: {  	p0 =	sne.s32 s24, s9  }
.Ltmp5:
0x76: {  	_ = 	snop;
	(pc) =	sbr.rel @p0 .LBB2_1-.Ltmp5, $2  }
0x77: {  	_ =	sdelay $0x2  }
0x78: {  	[sflag:s12] =	ssyncadd.s32 $0xFFFFD800  }
0x79: {  	_ =	sfence.sel $0x180000  }
0x7a: {  	[bflag:$0x0] =	sbarrier.arrive $0xFFFF  }
0x7b: {  	p0 =	sne.s32 s0, $0x0;
	_ =	strace $0x9000004D  }
0x7c: {  	s0 =	sadd.s32 @!p0 $0x100000, s1;
	[bflag:$0x2] =	sbarrier.arrive $0xFFFF  }
0x7d: {  	[sflag:s0] =	ssyncadd.tile.s32 @!p0 $0x1;
	_ =	shalt  }
.Lfunc_end2:
_tile_overlayer_lowered:
.L_overlay_start_2:
0x7e: {  	(tag) =	ssettag $0x2  }
0x7f: {  	s0 =	rddreg [dreg:$0x0];
	s2 =	stileid.u32  }
0x80: {  	s1 =	rddreg [dreg:$0x1];
	p0 =	sne.s32 s2, $0x0  }
0x81: {  	s3 =	rddreg [dreg:$0x2];
	[bflag:$0x3] =	sbarrier.arrive $0xFFFF;
	s2 =	simm.s32 @!p0 $0x1C05  }
0x82: {  	[timem:s3], [sflag:s2] =	dma.local @!p0 [hbm:s0], s1  }
0x83: {  	s0 =	simm.s32 @!p0 $0x5  }
0x84: {  	_ =	swait.ge @!p0 [sflag:s0], s1  }
0x85: {  	s1 =	ssub.s32 @!p0 $0x0, s1;
	[sflag:s0] =	ssyncset.done @!p0 $0x0  }
0x86: {  	[sflag:s0] =	ssyncadd.s32 @!p0 s1  }
0x87: {  	[bflag:$0x3] =	sbarrier.arrive $0xFFFF  }
0x88: {  	_ =	shalt  }

// kernel: kernel.19.cloned.1.call-start
scs
__scs_entry_jumppad:
0x0: {  	(pc) =	sbr.rel $0x88, $3  }
0x1: {  	(tag) =	ssettag $0x0;
	lr =	simm.s32 $0x1  }
0x2: {  	[smem:$0x3F8F] =	sst lr;
	_ =	strace $0xD0000000  }
0x3: {  	_ = 	snop  }
0x4: {  	_ = 	snop  }
0x5: {  	_ = 	snop  }
0x6: {  	_ = 	snop  }
0x7: {  	_ = 	snop  }
__scs_overlays_trampoline_lowered:
0x8: {  	[smem:$0x3F9E] =	sst s0  }
0x9: {  	[smem:$0x3F9F] =	sst s1  }
0xa: {  	[smem:$0x3FA0] =	sst s2  }
0xb: {  	[smem:$0x3FA1] =	sst s3  }
0xc: {  	[smem:$0x3FA2] =	sst s4  }
0xd: {  	[smem:$0x3FA3] =	sst s5  }
0xe: {  	[smem:$0x3FA4] =	sst s6  }
0xf: {  	[smem:$0x3FA5] =	sst s7  }
0x10: {  	[smem:$0x3FA6] =	sst s8  }
0x11: {  	[smem:$0x3FA7] =	sst s9;
	s0 =	simm.s32 @!p0 $0x0  }
0x12: {  	s1 =	sld [smem:$0x3F8D];
	s0 =	simm.s32 @p0 $0x1  }
0x13: {  	[smem:$0x3FA8] =	sst s0;
	s0 =	simm.s32 @!p1 $0x0  }
0x14: {  	s2 =	sld [smem:$0x3F8C];
	s0 =	simm.s32 @p1 $0x1  }
0x15: {  	[smem:$0x3FA9] =	sst s0;
	s0 =	simm.s32 @!p2 $0x0  }
0x16: {  	s3 =	sld [smem:$0x3FDB];
	s0 =	simm.s32 @p2 $0x1  }
0x17: {  	s4 =	simm.s32 $0x1BF5;
	[smem:$0x3FAB] =	sst s0  }
0x18: {  	s0 =	sld [smem:$0x3F8E];
	_ =	swait.ge [sflag:s4], $0x0  }
0x19: {  	s7 =	sld [smem:$0x3F8F]  }
0x1a: {  	s8 =	sadd.s32 $0xFFFFE003, lr  }
0x1b: {  	s9 =	sadd.s32 $0xFFFFFEF7, lr;
	s5 =	simm.s32 $0xFFFFFFFF;
	p2 =	slt.u32 s8, $0xFFFFF086  }
0x1c: {  	p1 =	slt.u32 s9, $0xF7A;
	s5 =	simm.s32 @!p2 $0x0  }
0x1d: {  	s5 =	simm.s32 @p1 $0x1;
	p0 =	seq.s32 s7, s2  }
0x1e: {  	s7 =	smul.u32 @!p0 $0xF7A, s2;
	p2 =	seq.s32 @!p0 s5, $0x0  }
0x1f: {  	s9 =	smul.u32 $0xF7A, s1;
	s8 =	simm.s32 @!p0 $0x1BF5;
	p2 =	por !p2, p0  }
0x20: {  	[sflag:s8] =	ssyncset.s32 @!p0 $0xFFFFF086;
	s6 =	sadd.s32 @!p0 s3, s7;
	s7 =	simm.s32 @!p0 $0x108  }
0x21: {  	s3 =	sadd.s32 s3, s9;
	s6 =	sadd.s32 @!p0 $0x88, s6;
	s7 =	simm.s32 @p2 $0x1082  }
0x22: {  	[simem:s7], [sflag:s8] =	dma.local @!p0 [hbm:s6], $0xF7A  }
0x23: {  	s9 =	sor.u32 $0xD0000000, s2;
	s6 =	simm.s32 $0x108;
	_ =	swait.ge @!p0 [sflag:s8], $0x0  }
0x24: {  	s3 =	sadd.s32 $0x88, s3;
	s6 =	simm.s32 @!p1 $0x1082;
	[sflag:s4] =	ssyncset.s32 $0xFFFFF086  }
0x25: {  	[simem:s6], [sflag:s4] =	dma.local [hbm:s3], $0xF7A  }
0x26: {  	[smem:$0x3F8F] =	sst s1;
	(tag) =	ssettag s2;
	_ =	strace s9  }
0x27: {  	s1 =	sld [smem:$0x3F9F]  }
0x28: {  	s2 =	sld [smem:$0x3FA0]  }
0x29: {  	s4 =	sld [smem:$0x3FA2]  }
0x2a: {  	p0 =	seq.s32 s5, $0x0;
	s5 =	sld [smem:$0x3FA3]  }
0x2b: {  	s6 =	sld [smem:$0x3FA4]  }
0x2c: {  	s7 =	sld [smem:$0x3FA5]  }
0x2d: {  	s3 =	simm.s32 $0x108;
	s8 =	sld [smem:$0x3FA6]  }
0x2e: {  	s3 =	simm.s32 @!p0 $0x1082;
	s9 =	sld [smem:$0x3FA7]  }
0x2f: {  	lr =	sadd.s32 s0, s3;
	s0 =	sld [smem:$0x3F9E]  }
0x30: {  	s3 =	sld [smem:$0x3FA1]  }
0x31: {  	[smem:$0x3FAA] =	sst s10  }
0x32: {  	s10 =	sld [smem:$0x3FA8];
	_ =	sdelay $0x3  }
0x33: {  	p0 =	seq.s32 s10, $0x1;
	s10 =	sld [smem:$0x3FAA];
	_ =	sdelay $0x3  }
0x34: {  	[smem:$0x3FAA] =	sst s10  }
0x35: {  	s10 =	sld [smem:$0x3FA9];
	_ =	sdelay $0x3  }
0x36: {  	p1 =	seq.s32 s10, $0x1;
	s10 =	sld [smem:$0x3FAA];
	_ =	sdelay $0x3  }
0x37: {  	[smem:$0x3FAA] =	sst s10  }
0x38: {  	s10 =	sld [smem:$0x3FAB]  }
0x39: {  	_ = 	snop;
	(pc) =	sbr.ind lr, $3  }
0x3a: {  	_ = 	snop  }
0x3b: {  	_ = 	snop  }
0x3c: {  	p2 =	seq.s32 s10, $0x1;
	s10 =	sld [smem:$0x3FAA]  }
0x3d: {  	_ =	shalt  }
0x3e: {  	_ =	shalt  }
0x3f: {  	_ =	shalt  }
0x40: {  	_ =	shalt  }
0x41: {  	_ =	shalt  }
0x42: {  	_ =	shalt  }
0x43: {  	_ =	shalt  }
0x44: {  	_ =	shalt  }
0x45: {  	_ =	shalt  }
0x46: {  	_ =	shalt  }
0x47: {  	_ =	shalt  }
0x48: {  	_ =	shalt  }
0x49: {  	_ =	shalt  }
0x4a: {  	_ =	shalt  }
0x4b: {  	_ =	shalt  }
0x4c: {  	_ =	shalt  }
0x4d: {  	_ =	shalt  }
0x4e: {  	_ =	shalt  }
0x4f: {  	_ =	shalt  }
0x50: {  	_ =	shalt  }
0x51: {  	_ =	shalt  }
0x52: {  	_ =	shalt  }
0x53: {  	_ =	shalt  }
0x54: {  	_ =	shalt  }
0x55: {  	_ =	shalt  }
0x56: {  	_ =	shalt  }
0x57: {  	_ =	shalt  }
0x58: {  	_ =	shalt  }
0x59: {  	_ =	shalt  }
0x5a: {  	_ =	shalt  }
0x5b: {  	_ =	shalt  }
0x5c: {  	_ =	shalt  }
0x5d: {  	_ =	shalt  }
0x5e: {  	_ =	shalt  }
0x5f: {  	_ =	shalt  }
0x60: {  	_ =	shalt  }
0x61: {  	_ =	shalt  }
0x62: {  	_ =	shalt  }
0x63: {  	_ =	shalt  }
0x64: {  	_ =	shalt  }
0x65: {  	_ =	shalt  }
0x66: {  	_ =	shalt  }
0x67: {  	_ =	shalt  }
0x68: {  	_ =	shalt  }
0x69: {  	_ =	shalt  }
0x6a: {  	_ =	shalt  }
0x6b: {  	_ =	shalt  }
0x6c: {  	_ =	shalt  }
0x6d: {  	_ =	shalt  }
0x6e: {  	_ =	shalt  }
0x6f: {  	_ =	shalt  }
0x70: {  	_ =	shalt  }
0x71: {  	_ =	shalt  }
0x72: {  	_ =	shalt  }
0x73: {  	_ =	shalt  }
0x74: {  	_ =	shalt  }
0x75: {  	_ =	shalt  }
0x76: {  	_ =	shalt  }
0x77: {  	_ =	shalt  }
0x78: {  	_ =	shalt  }
0x79: {  	_ =	shalt  }
0x7a: {  	_ =	shalt  }
0x7b: {  	_ =	shalt  }
0x7c: {  	_ =	shalt  }
0x7d: {  	_ =	shalt  }
0x7e: {  	_ =	shalt  }
0x7f: {  	_ =	shalt  }
0x80: {  	_ =	shalt  }
0x81: {  	_ =	shalt  }
0x82: {  	_ =	shalt  }
0x83: {  	_ =	shalt  }
0x84: {  	_ =	shalt  }
0x85: {  	_ =	shalt  }
0x86: {  	_ =	shalt  }
0x87: {  	_ =	shalt  }
.Lfunc_end0:
.L_simem_size_0:
called_computation.3_lowered:
.L_overlay_start_0:
0x88: {  	s2 =	sld [smem:$0x3FD9]  }
0x89: {  	s3 =	sld [smem:$0x3FFE];
	_ =	sdelay $0x1  }
0x8a: {  	s1 =	srdreg.scid  }
0x8b: {  	s0 =	sand.u32 $0x1, s1  }
0x8c: {  	s16 =	sshll.u32 s0, $0xA;
	s2 =	sadd.s32 s3, s2  }
0x8d: {  	s2 =	sadd.s32 s2, s16  }
0x8e: {  	[smem:$0x3FB6] =	sst s2  }
0x8f: {  	_ = 	snop  }
0x90: {  	(tm) =	ssettm $0x1  }
0x91: {  	s17 =	sld [smem:$0x3FFB];
	_ =	sdelay $0x3  }
0x92: {  	_ =	strace s17  }
0x93: {  	s2 =	sld [smem:$0x3FFC];
	_ =	sdelay $0x3  }
0x94: {  	_ =	strace s2  }
0x95: {  	s2 =	sld [smem:$0x3FFD];
	_ =	sdelay $0x3  }
0x96: {  	_ =	strace s2  }
0x97: {  	_ =	strace $0x8FFFFFFF  }
0x98: {  	s18 =	sld [smem:$0x3FDB];
	_ =	sdelay $0x1  }
0x99: {  	s19 =	simm.s32 $_scs_section_size  }
0x9a: {  	s4 =	simm.s32 $_size__tile_overlayer_lowered;
	s5 =	simm.s32 $_tile_overlayer_lowered  }
0x9b: {  	s22 =	simm.s32 $0x1BFF;
	s21 =	sshll.u32 s5, $0x1;
	s2 =	sadd.s32 s19, s18  }
0x9c: {  	s6 =	simm.s32 $0x0;
	s20 =	sshll.u32 s4, $0x1;
	s4 =	sadd.s32 s21, s2  }
0x9d: {  	[timem:s6], [sflag:s22] =	dma.local [hbm:s4], s20  }
0x9e: {  	_ =	swait.ge [sflag:s22], s20  }
0x9f: {  	s3 =	ssub.s32 $0x0, s20;
	[sflag:s22] =	ssyncset.done $0x0  }
0xa0: {  	[sflag:s22] =	ssyncadd.s32 s3;
	_ =	sdelay $0x1  }
0xa1: {  	s23 =	simm.s32 $0x1B8B  }
0xa2: {  	_ =	swait.ge [sflag:s23], $0x1  }
0xa3: {  	[sflag:s23] =	ssyncset.done $0x0  }
0xa4: {  	s25 =	simm.s32 $0x1B8E;
	s24 =	sld [smem:$0x3FFE];
	[sflag:s23] =	ssyncadd.s32 $0xFFFFFFFF  }
0xa5: {  	s26 =	simm.s32 $execute0_lowered;
	[smem:$0x3FD2] =	sst s25  }
0xa6: {  	s4 =	sshll.u32 s26, $0x1;
	_ =	strace $0x8000004F;
	[dreg:$0x1] =	wrdreg $0xFFFFFFFF  }
0xa7: {  	s28 =	simm.s32 $_size_execute0_lowered;
	s2 =	sadd.s32 s2, s4;
	[dreg:$0x0] =	wrdreg $0x0  }
0xa8: {  	s4 =	sshll.u32 s28, $0x1;
	[dreg:$0x2] =	wrdreg s2  }
0xa9: {  	[dreg:$0x3] =	wrdreg s4  }
0xaa: {  	[dreg:$0x4] =	wrdreg $0xC0  }
0xab: {  	_ =	task [dreg:s6], $0x5FFFF  }
0xac: {  	[dreg:$0x1] =	wrdreg $0xFFFFFFFF  }
0xad: {  	[dreg:$0x0] =	wrdreg $0x60  }
0xae: {  	[dreg:$0x2] =	wrdreg s24  }
0xaf: {  	[dreg:$0x3] =	wrdreg $0x8F800  }
0xb0: {  	[dreg:$0x4] =	wrdreg $0x9  }
0xb1: {  	_ =	task.clear_ibuf [dreg:s6], $0x5FFFF;
	_ =	strace $0x9000004F  }
0xb2: {  	s29 =	simm.s32 $0x9;
	_ =	strace $0x80000051  }
0xb3: {  	_ =	swait.ge [sflag:s29], $0x1  }
0xb4: {  	[sflag:s29] =	ssyncadd.s32 $0xFFFFFFFF  }
0xb5: {  	_ =	strace $0x90000051  }
0xb6: {  	_ =	sfence  }
0xb7: {  	s30 =	sld [smem:$0x0];
	_ =	sdelay $0x2  }
0xb8: {  	s31 =	sshll.u32 s1, $0xD;
	s1 =	sshrl.u32 s1, $0x2  }
0xb9: {  	s3 =	sand.u32 $0x4000, s31;
	s1 =	sadd.s32 s1, s30  }
0xba: {  	s0 =	sor.u32 s3, s0;
	s1 =	sshll.u32 s1, $0x11  }
0xbb: {  	s0 =	sor.u32 s1, s0  }
0xbc: {  	s0 =	sadd.s32 $0x8F2B, s0  }
0xbd: {  	[sflag:s0] =	ssyncadd.remote.s32 $0x1  }
0xbe: {  	_ =	sfence.sel $0xFFFF  }
0xbf: {  	[dreg:$0x0] =	wrdreg $0xFFFFFFFF;
	(pc) =	sbr.abs _section_cstart, $3  }
0xc0: {  	[dreg:$0x1] =	wrdreg $0xFFFFFFFF  }
0xc1: {  	_ =	task.clear_ibuf [dreg:s6], $0x2FFFF;
	_ =	strace $0x9FFFFFFF  }
0xc2: {  	(tm) =	ssettm $0x7FFFFFFF  }
0xc3: {  	_ =	shalt  }
tec
execute0_lowered:
.L_overlay_start_1:
0x0: {  	(tag) =	ssettag $0x1  }
0x1: {  	s1 =	srdreg.scid;
	s6 =	rddreg [dreg:$0x0]  }
0x2: {  	s0 =	stileid.u32;
	s2 =	rddreg [dreg:$0x1];
	s3 =	simm.s32 $0x0  }
0x3: {  	s13 =	simm.s32 $0x2780;
	s14 =	simm.s32 $0x6780;
	s15 =	simm.s32 $0x50  }
0x4: {  	s16 =	simm.s32 $0x1;
	s17 =	simm.s32 $0x1C800;
	s18 =	simm.s32 $0x2  }
0x5: {  	s19 =	simm.s32 $0x2800;
	s20 =	simm.s32 $0x3;
	s21 =	simm.s32 $0xA0  }
0x6: {  	s22 =	simm.s32 $0x4;
	s23 =	simm.s32 $0x6580;
	s24 =	simm.s32 $0x0  }
0x7: {  	s5 =	sand.u32 $0x1, s1;
	s26 =	sshll.u32 s0, $0x1;
	s1 =	rddreg [dreg:$0x2]  }
0x8: {  	[smem:$0x7FF] =	sst s3;
	s10 =	smul.u32 $0x2800, s0;
	s4 =	sadd.s32 $0x1DC00, s6  }
0x9: {  	s30 =	smul.u32 $0xA000, s0;
	s31 =	ssub.s32 $0x8C, s0;
	s7 =	sor.u32 s5, s26  }
0xa: {  	s9 =	smul.u32 $0x138800, s5;
	_ =	strace $0x80000050;
	s28 =	ssub.s32 $0x2, s5  }
0xb: {  	s5 =	sadd.s32 $0x1D600, s6;
	s8 =	smul.u32 $0x4E2, s7;
	s7 =	sshll.u32 s7, $0xB  }
0xc: {  	s11 =	sshrl.u32 s28, $0x1;
	s7 =	sadd.s32 s7, s6;
	s9 =	sadd.s32 s10, s9  }
0xd: {  	s29 =	ssub.s32 s28, s11;
	s10 =	sshrl.u32 s30, $0x2;
	s8 =	sadd.s32 s8, s6  }
0xe: {  	s9 =	sshrl.u32 s9, $0x3;
	s7 =	sadd.s32 $0xD600, s7;
	s10 =	sadd.s32 s10, s2  }
0xf: {  	s12 =	sadd.s32 s9, s6;
	s6 =	sadd.s32 $0x3800, s8;
	s8 =	sshrl.u32 s31, $0x4  }
0x10: {  	s9 =	smax.u32 s29, $0x1;
	s11 =	sadd.s32 $0x44E00, s12;
	s12 =	simm.s32 $0x5  }
.LBB2_1:
0x11: {  	[tilespmem:s3], [sflag:$0x5] =	stream.linear.gather [hbm4b:s6+s3], $0x2710, $0x38;
	[tilespmem:$0x1F000] =	vst v63  }
0x12: {  	_ =	swait.ge [sflag:s12], $0x2710  }
0x13: {  	[sflag:s12] =	ssyncset.done $0x0  }
0x14: {  	[sflag:s12] =	ssyncadd.s32 $0xFFFFD8F0  }
0x15: {  	[tilespmem:s13], [sflag:$0x5] =	stream.linear.gather [hbm4b:s7+s3], $0x3E80, $0x38;
	[tilespmem:$0x1F000] =	vst v63  }
0x16: {  	_ =	swait.ge [sflag:s12], $0x3E80  }
0x17: {  	[sflag:s12] =	ssyncset.done $0x0  }
0x18: {  	[sflag:s12] =	ssyncadd.s32 $0xFFFFC180  }
0x19: {  	[tilespmem:s14], [sflag:$0x5] =	stream.linear.gather [hbm4b:s5+s3], $0x2800, $0x38;
	[tilespmem:$0x1F000] =	vst v63  }
0x1a: {  	p0 =	sne.s32 s8, $0x1;
	_ =	swait.ge [sflag:s12], $0x2800  }
.Ltmp0:
0x1b: {  	[sflag:s12] =	ssyncset.done $0x0;
	(pc) =	sbr.rel @!p0 .LBB2_3-.Ltmp0, $4  }
0x1c: {  	[sflag:s12] =	ssyncadd.s32 $0xFFFFD800  }
0x1d: {  	[spmem:s10] =	stream.linear.scatter [tilespmem:s14], [sflag:$0x5], $0x2800, $0x38;
	[tilespmem:$0x1F000] =	vst v63  }
0x1e: {  	_ =	swait.ge [sflag:s12], $0x2800  }
0x1f: {  	s25 =	sadd.s32 $0xFFFFFFFF, s8;
	s26 =	smov.u32 s10;
	[sflag:s12] =	ssyncset.done $0x0  }
.LBB2_2:
0x20: {  	p1 =	sne.s32 s25, $0x1;
	[sflag:s12] =	ssyncadd.s32 $0xFFFFD800;
	s26 =	sadd.s32 $0x28000, s26  }
.Ltmp1:
0x21: {  	s25 =	sadd.s32 $0xFFFFFFFF, s25;
	(pc) =	sbr.rel @p1 .LBB2_2-.Ltmp1, $4  }
0x22: {  	_ = 	snop  }
0x23: {  	[spmem:s26] =	stream.linear.scatter [tilespmem:s14], [sflag:$0x5], $0x2800, $0x38;
	[tilespmem:$0x1F000] =	vst v63  }
0x24: {  	_ =	swait.ge [sflag:s12], $0x2800  }
0x25: {  	[sflag:s12] =	ssyncset.done $0x0  }
.LBB2_3:
0x26: {  	[sflag:s12] =	ssyncadd.s32 $0xFFFFD800  }
0x27: {  	[tilespmem:s14], [sflag:$0x1] =	stream.indirect.gather [hbm4b:s4+s15], $0x80, s3, s15, $0xb8;
	[tilespmem:$0x1F000] =	vst v63  }
0x28: {  	[bflag:$0x0] =	sbarrier.arrive $0xFFFF  }
0x29: {  	_ =	swait.ge [sflag:s16], $0x2800  }
0x2a: {  	[sflag:s16] =	ssyncset.done $0x0  }
0x2b: {  	[sflag:s16] =	ssyncadd.s32 $0xFFFFD800  }
0x2c: {  	[tilespmem:s17], [sflag:$0x2] =	stream.indirect.gather [hbm4b:s4+s15], $0x80, s15, s15, $0xb8;
	[tilespmem:$0x1F000] =	vst v63  }
0x2d: {  	_ = 	snop  }
0x2e: {  	[spmem:s2] =	stream.indirect.scatter.add.f32 [tilespmem:s14], [sflag:$0x3], $0x80, s13, s15, $0xb8;
	[tilespmem:$0x1F000] =	vst v63  }
0x2f: {  	_ =	swait.ge [sflag:s18], $0x2800  }
0x30: {  	[sflag:s18] =	ssyncset.done $0x0  }
0x31: {  	[sflag:s18] =	ssyncadd.s32 $0xFFFFD800  }
0x32: {  	[spmem:s2] =	stream.indirect.scatter.add.f32 [tilespmem:s17], [sflag:$0x4], $0x80, s19, s15, $0xb8;
	[tilespmem:$0x1F000] =	vst v63  }
0x33: {  	_ =	swait.ge [sflag:s20], $0x2800  }
0x34: {  	[sflag:s20] =	ssyncset.done $0x0  }
0x35: {  	[sflag:s20] =	ssyncadd.s32 $0xFFFFD800  }
0x36: {  	[tilespmem:s14], [sflag:$0x1] =	stream.indirect.gather [hbm4b:s4+s15], $0x80, s21, s15, $0xb8;
	[tilespmem:$0x1F000] =	vst v63  }
0x37: {  	_ =	swait.ge [sflag:s16], $0x2800  }
0x38: {  	[sflag:s16] =	ssyncset.done $0x0  }
0x39: {  	[sflag:s16] =	ssyncadd.s32 $0xFFFFD800  }
0x3a: {  	_ =	swait.ge [sflag:s22], $0x2800  }
0x3b: {  	[sflag:s22] =	ssyncset.done $0x0  }
0x3c: {  	s25 =	simm.s32 $0xF0;
	[sflag:s22] =	ssyncadd.s32 $0xFFFFD800  }
0x3d: {  	[tilespmem:s17], [sflag:$0x2] =	stream.indirect.gather [hbm4b:s4+s15], $0x80, s25, s15, $0xb8;
	[tilespmem:$0x1F000] =	vst v63  }
0x3e: {  	s30 =	simm.s32 $0x2880  }
0x3f: {  	[spmem:s2] =	stream.indirect.scatter.add.f32 [tilespmem:s14], [sflag:$0x3], $0x80, s30, s15, $0xb8;
	[tilespmem:$0x1F000] =	vst v63  }
0x40: {  	_ =	swait.ge [sflag:s18], $0x2800  }
0x41: {  	[sflag:s18] =	ssyncset.done $0x0  }
0x42: {  	s31 =	simm.s32 $0x2900;
	[sflag:s18] =	ssyncadd.s32 $0xFFFFD800  }
0x43: {  	[spmem:s2] =	stream.indirect.scatter.add.f32 [tilespmem:s17], [sflag:$0x4], $0x80, s31, s15, $0xb8;
	[tilespmem:$0x1F000] =	vst v63  }
0x44: {  	_ =	swait.ge [sflag:s20], $0x2800  }
0x45: {  	s28 =	simm.s32 $0x140;
	[sflag:s20] =	ssyncset.done $0x0  }
0x46: {  	s26 =	simm.s32 $0x190;
	s25 =	simm.s32 $0xFFFF1000;
	[sflag:s20] =	ssyncadd.s32 $0xFFFFD800  }
.LBB2_4:
0x47: {  	[tilespmem:s14], [sflag:$0x1] =	stream.indirect.gather [hbm4b:s4+s15], $0x80, s28, s15, $0xb8;
	[tilespmem:$0x1F000] =	vst v63  }
0x48: {  	s28 =	smov.u32 s25  }
0x49: {  	p1 =	sne.s32 s25, $0xFFFFFC00;
	s25 =	sadd.s32 $0x400, s25;
	_ =	swait.ge [sflag:s16], $0x2800  }
0x4a: {  	[sflag:s16] =	ssyncset.done $0x0  }
0x4b: {  	[sflag:s16] =	ssyncadd.s32 $0xFFFFD800  }
0x4c: {  	_ =	swait.ge [sflag:s22], $0x2800  }
0x4d: {  	[sflag:s22] =	ssyncset.done $0x0  }
0x4e: {  	s28 =	sshra.s32 s28, $0x2;
	[sflag:s22] =	ssyncadd.s32 $0xFFFFD800  }
0x4f: {  	[tilespmem:s17], [sflag:$0x2] =	stream.indirect.gather [hbm4b:s4+s15], $0x80, s26, s15, $0xb8;
	[tilespmem:$0x1F000] =	vst v63  }
0x50: {  	s29 =	sadd.s32 $0x6580, s28  }
0x51: {  	[spmem:s2] =	stream.indirect.scatter.add.f32 [tilespmem:s14], [sflag:$0x3], $0x80, s29, s15, $0xb8;
	[tilespmem:$0x1F000] =	vst v63  }
0x52: {  	_ =	swait.ge [sflag:s18], $0x2800  }
0x53: {  	[sflag:s18] =	ssyncset.done $0x0  }
.Ltmp2:
0x54: {  	s28 =	sadd.s32 $0x6600, s28;
	[sflag:s18] =	ssyncadd.s32 $0xFFFFD800;
	(pc) =	sbr.rel @p1 .LBB2_4-.Ltmp2, $4  }
0x55: {  	[spmem:s2] =	stream.indirect.scatter.add.f32 [tilespmem:s17], [sflag:$0x4], $0x80, s28, s15, $0xb8;
	[tilespmem:$0x1F000] =	vst v63  }
0x56: {  	_ =	swait.ge [sflag:s20], $0x2800  }
0x57: {  	[sflag:s20] =	ssyncset.done $0x0  }
0x58: {  	s28 =	sadd.s32 $0x50, s26;
	s26 =	sadd.s32 $0xA0, s26;
	[sflag:s20] =	ssyncadd.s32 $0xFFFFD800  }
0x59: {  	[tilespmem:s14], [sflag:$0x1] =	stream.indirect.gather [hbm4b:s4+s15], $0x80, s28, s15, $0xb8;
	[tilespmem:$0x1F000] =	vst v63  }
0x5a: {  	_ =	swait.ge [sflag:s22], $0x2800  }
0x5b: {  	[sflag:s22] =	ssyncset.done $0x0  }
0x5c: {  	[sflag:s22] =	ssyncadd.s32 $0xFFFFD800  }
0x5d: {  	_ =	swait.ge [sflag:s16], $0x2800  }
0x5e: {  	[sflag:s16] =	ssyncset.done $0x0  }
0x5f: {  	[sflag:s16] =	ssyncadd.s32 $0xFFFFD800  }
0x60: {  	[spmem:s2] =	stream.indirect.scatter.add.f32 [tilespmem:s14], [sflag:$0x5], $0x80, s23, s15, $0xb8;
	[tilespmem:$0x1F000] =	vst v63  }
0x61: {  	_ =	swait.ge [sflag:s12], $0x2800  }
0x62: {  	[sflag:s12] =	ssyncset.done $0x0  }
0x63: {  	[sflag:s12] =	ssyncadd.s32 $0xFFFFD800  }
0x64: {  	[bflag:$0x0] =	sbarrier.arrive $0xFFFF  }
0x65: {  	[tilespmem:s14], [sflag:$0x5] =	stream.linear.gather [spmem:s10], $0x2800, $0x38;
	[tilespmem:$0x1F000] =	vst v63  }
0x66: {  	_ =	swait.ge [sflag:s12], $0x2800  }
.Ltmp3:
0x67: {  	[sflag:s12] =	ssyncset.done $0x0;
	(pc) =	sbr.rel @!p0 .LBB2_7-.Ltmp3, $4  }
0x68: {  	[sflag:s12] =	ssyncadd.s32 $0xFFFFD800  }
0x69: {  	[hbm4b:s11+s3] =	stream.linear.scatter [tilespmem:s14], [sflag:$0x5], $0x2800, $0x38;
	[tilespmem:$0x1F000] =	vst v63  }
0x6a: {  	s25 =	sadd.s32 $0xFFFFFFFF, s8;
	_ =	swait.ge [sflag:s12], $0x2800  }
0x6b: {  	s26 =	smov.u32 s10;
	s28 =	smov.u32 s11;
	[sflag:s12] =	ssyncset.done $0x0  }
.LBB2_6:
0x6c: {  	[sflag:s12] =	ssyncadd.s32 $0xFFFFD800;
	s26 =	sadd.s32 $0x28000, s26;
	s28 =	sadd.s32 $0x5000, s28  }
0x6d: {  	[tilespmem:s14], [sflag:$0x5] =	stream.linear.gather [spmem:s26], $0x2800, $0x38;
	[tilespmem:$0x1F000] =	vst v63  }
0x6e: {  	p0 =	sne.s32 s25, $0x1;
	s25 =	sadd.s32 $0xFFFFFFFF, s25;
	_ =	swait.ge [sflag:s12], $0x2800  }
.Ltmp4:
0x6f: {  	[sflag:s12] =	ssyncset.done $0x0;
	(pc) =	sbr.rel @p0 .LBB2_6-.Ltmp4, $4  }
0x70: {  	[sflag:s12] =	ssyncadd.s32 $0xFFFFD800  }
0x71: {  	[hbm4b:s28+s3] =	stream.linear.scatter [tilespmem:s14], [sflag:$0x5], $0x2800, $0x38;
	[tilespmem:$0x1F000] =	vst v63  }
0x72: {  	_ =	swait.ge [sflag:s12], $0x2800  }
0x73: {  	[sflag:s12] =	ssyncset.done $0x0  }
.LBB2_7:
0x74: {  	s24 =	sadd.s32 $0x1, s24  }
0x75: {  	p0 =	sne.s32 s24, s9  }
.Ltmp5:
0x76: {  	_ = 	snop;
	(pc) =	sbr.rel @p0 .LBB2_1-.Ltmp5, $2  }
0x77: {  	_ =	sdelay $0x2  }
0x78: {  	[sflag:s12] =	ssyncadd.s32 $0xFFFFD800  }
0x79: {  	_ =	sfence.sel $0x180000  }
0x7a: {  	[bflag:$0x0] =	sbarrier.arrive $0xFFFF  }
0x7b: {  	p0 =	sne.s32 s0, $0x0;
	_ =	strace $0x90000050  }
0x7c: {  	s0 =	sadd.s32 @!p0 $0x100000, s1;
	[bflag:$0x2] =	sbarrier.arrive $0xFFFF  }
0x7d: {  	[sflag:s0] =	ssyncadd.tile.s32 @!p0 $0x1;
	_ =	shalt  }
.Lfunc_end2:
_tile_overlayer_lowered:
.L_overlay_start_2:
0x7e: {  	(tag) =	ssettag $0x2  }
0x7f: {  	s0 =	rddreg [dreg:$0x0];
	s2 =	stileid.u32  }
0x80: {  	s1 =	rddreg [dreg:$0x1];
	p0 =	sne.s32 s2, $0x0  }
0x81: {  	s3 =	rddreg [dreg:$0x2];
	[bflag:$0x3] =	sbarrier.arrive $0xFFFF;
	s2 =	simm.s32 @!p0 $0x1C05  }
0x82: {  	[timem:s3], [sflag:s2] =	dma.local @!p0 [hbm:s0], s1  }
0x83: {  	s0 =	simm.s32 @!p0 $0x5  }
0x84: {  	_ =	swait.ge @!p0 [sflag:s0], s1  }
0x85: {  	s1 =	ssub.s32 @!p0 $0x0, s1;
	[sflag:s0] =	ssyncset.done @!p0 $0x0  }
0x86: {  	[sflag:s0] =	ssyncadd.s32 @!p0 s1  }
0x87: {  	[bflag:$0x3] =	sbarrier.arrive $0xFFFF  }
0x88: {  	_ =	shalt  }

</sc_bundles>
